<compile_context>
chip_gen: v7x
topology: tpu7x:2x2x1
jax: 0.10.2.dev20260603
libtpu: 0.0.44.dev20260713+nightly
codegen_flags: <defaults>
</compile_context>

<pallas_src>
import functools

import jax
import jax.numpy as jnp
from jax import lax
from jax.experimental import pallas as pl
from jax.experimental.pallas import tpu as pltpu
from jax.experimental.pallas import tpu_sc as plsc

_TOP_K = 8
_NC = 2
_NS = 16
_NW = _NC * _NS
_L = 16
_PAD = 128


def _gate_matmul_block(x_ref, w_ref, out_ref):
    out_ref[...] = lax.dot_general(
        x_ref[...], w_ref[...],
        dimension_numbers=(((1,), (1,)), ((), ())),
        preferred_element_type=jnp.float32)


def _gate_logits(x, gate_w, tok0, chunk_tokens):
    dim = x.shape[1]
    n_exp = gate_w.shape[0]
    blk = 512
    blk0 = tok0 // blk
    return pl.pallas_call(
        _gate_matmul_block,
        grid=(chunk_tokens // blk,),
        in_specs=[pl.BlockSpec((blk, dim), lambda i, b0=blk0: (b0 + i, 0)),
                  pl.BlockSpec((n_exp, dim), lambda i: (0, 0))],
        out_specs=pl.BlockSpec((blk, n_exp), lambda i: (i, 0)),
        out_shape=jax.ShapeDtypeStruct((chunk_tokens, n_exp), jnp.float32),
    )(x, gate_w)


def _make_sc_topk(tokens, n_exp):
    rows = tokens // _NW
    nv = n_exp // _L
    mesh = plsc.VectorSubcoreMesh(core_axis_name="c", subcore_axis_name="s")

    @functools.partial(
        pl.kernel,
        out_type=[jax.ShapeDtypeStruct((tokens * _TOP_K,), jnp.float32),
                  jax.ShapeDtypeStruct((tokens * _TOP_K,), jnp.int32)],
        mesh=mesh,
        scratch_types=[pltpu.VMEM((rows, n_exp), jnp.float32),
                       pltpu.VMEM((rows * _TOP_K + 2 * _L,), jnp.float32),
                       pltpu.VMEM((rows * _TOP_K + 2 * _L,), jnp.int32)],
        compiler_params=pltpu.CompilerParams(needs_layout_passes=False),
    )
    def sc_topk(logits_hbm, scores_hbm, idx_hbm, lg_v, sc_v, ix_v):
        wid = lax.axis_index("s") * _NC + lax.axis_index("c")
        base = wid * rows
        pltpu.sync_copy(logits_hbm.at[pl.ds(base, rows)], lg_v)
        lane = lax.iota(jnp.int32, _L)
        mask8 = lane < _TOP_K

        def merge(av, ai, bv, bi):
            rbv = lax.rev(bv, (0,))
            rbi = lax.rev(bi, (0,))
            take = av >= rbv
            hv = jnp.where(take, av, rbv)
            hi = jnp.where(take, ai, rbi)
            return plsc.sort_key_val(hv, hi, descending=True)

        unroll = 4

        def token_group(g, carry):
            for u in range(unroll):
                r = g * unroll + u
                srt = [plsc.sort_key_val(lg_v[r, pl.ds(j * _L, _L)],
                                         lane + j * _L, descending=True)
                       for j in range(nv)]
                while len(srt) > 1:
                    srt = [merge(srt[j][0], srt[j][1],
                                 srt[j + 1][0], srt[j + 1][1])
                           for j in range(0, len(srt), 2)]
                tv, ti = srt[0]
                mx = jnp.max(tv)
                e = jnp.where(mask8, jnp.exp(tv - mx), 0.0)
                s = e / jnp.sum(e)
                sc_v[pl.ds(r * _TOP_K, _L)] = s
                ix_v[pl.ds(r * _TOP_K, _L)] = ti
            return carry

        lax.fori_loop(0, rows // unroll, token_group, 0)
        pltpu.sync_copy(sc_v.at[pl.ds(0, rows * _TOP_K)],
                        scores_hbm.at[pl.ds(base * _TOP_K, rows * _TOP_K)])
        pltpu.sync_copy(ix_v.at[pl.ds(0, rows * _TOP_K)],
                        idx_hbm.at[pl.ds(base * _TOP_K, rows * _TOP_K)])

    return sc_topk


_CHUNKS = (4096, 4096, 4096, 4096)


@jax.jit
def kernel(x, gate_w):
    tokens = x.shape[0]
    n_exp = gate_w.shape[0]
    scores, idxs = [], []
    tok0 = 0
    for ct in _CHUNKS:
        logits = _gate_logits(x, gate_w, tok0, ct)
        s, i = _make_sc_topk(ct, n_exp)(logits)
        scores.append(s)
        idxs.append(i)
        tok0 += ct
    s_flat = lax.optimization_barrier(jnp.concatenate(scores))
    i_flat = lax.optimization_barrier(jnp.concatenate(idxs))
    return (s_flat.reshape(tokens, _TOP_K), i_flat.reshape(tokens, _TOP_K))

# --- scband reference (transcript-rebuilt; emitter-appended) ---
"""Pipeline reference for scband-top-krouter-79285096284329 (READ-ONLY COPY).

The authoritative reference and input builder live on the scoring server;
editing this copy changes nothing except your own understanding.
"""

import jax, jax.numpy as jnp
import numpy as np

DIM = 4096
NUM_EXPERTS = 64
TOP_K = 8
TOKENS = 16384

def setup_inputs(seed: int = 0) -> dict:
    key = jax.random.key(seed)
    k1, k2 = jax.random.split(key)
    x = jax.random.normal(k1, (TOKENS, DIM), dtype=jnp.float32)
    # gate weight, torch nn.Linear(dim, num_experts, bias=False) -> weight [num_experts, dim]
    gate_w = jax.random.normal(k2, (NUM_EXPERTS, DIM), dtype=jnp.float32) * (1.0 / np.sqrt(DIM))
    return {"x": x, "gate_w": gate_w}

def reference(x, gate_w):
    # logits = x @ gate_w.T  (nn.Linear semantics)
    logits = jnp.dot(x, gate_w.T)
    top_k_values, top_k_indices = jax.lax.top_k(logits, TOP_K)
    scores = jax.nn.softmax(top_k_values.astype(jnp.float32), axis=-1).astype(x.dtype)
    return (scores, top_k_indices)

if __name__ == "__main__":
    import jax
    _d = setup_inputs()
    print(jax.jit(kernel)(*tuple(_d.values())))

</pallas_src>

<mosaic_0001>
#map = affine_map<(d0, d1) -> (0, 0)>
#map1 = affine_map<(d0, d1) -> (0)>
module attributes {stable_mosaic.version = 14 : i64} {
  func.func @sc_topk(%arg0: i32, %arg1: i32, %arg2: memref<4096x64xf32, #tpu.memory_space<hbm>>, %arg3: memref<32768xf32, #tpu.memory_space<hbm>>, %arg4: memref<32768xi32, #tpu.memory_space<hbm>>, %arg5: memref<128x64xf32, #tpu.memory_space<vmem>>, %arg6: memref<1056xf32, #tpu.memory_space<vmem>>, %arg7: memref<1056xi32, #tpu.memory_space<vmem>>) attributes {dimension_semantics = [#tpu.dimension_semantics<core_parallel>, #tpu.dimension_semantics<subcore_parallel>], iteration_bounds = array<i64: 2, 16>, scalar_prefetch = 0 : i64, scratch_operands = 3 : i64, tpu.core_type = #tpu.core_type<sc_vector_subcore>, window_params = [{transform_indices = #map}, {transform_indices = #map1}, {transform_indices = #map1}]} {
    %mul3A = arith.constant 2 : i32
    %mul3A_0 = arith.muli %arg1, %mul3A : i32
    %add3A = arith.addi %mul3A_0, %arg0 : i32
    %mul3A_1 = arith.constant 128 : i32
    %mul3A_2 = arith.muli %add3A, %mul3A_1 : i32
    "tpu.region"() ({
      %run_scoped3A = tpu.sem_alloc : memref<!tpu.dma_semaphore, #tpu.memory_space<semaphore_mem>>
      %dma_start3A = arith.constant 0 : i32
      %dma_start3A_14 = tpu.memref_slice %arg2[%mul3A_2, %dma_start3A] : memref<4096x64xf32, #tpu.memory_space<hbm>> -> memref<128x64xf32, #tpu.memory_space<hbm>>
      %dma_start3A_15 = arith.constant 0 : i32
      %dma_start3A_16 = tpu.memref_slice %arg2[%mul3A_2, %dma_start3A_15] : memref<4096x64xf32, #tpu.memory_space<hbm>> -> memref<128x64xf32, #tpu.memory_space<hbm>>
      tpu.enqueue_dma source(%dma_start3A_16 : memref<128x64xf32, #tpu.memory_space<hbm>>) target(%arg5 : memref<128x64xf32, #tpu.memory_space<vmem>>) target_semaphore(%run_scoped3A : memref<!tpu.dma_semaphore, #tpu.memory_space<semaphore_mem>>)
      %dma_wait3A = arith.constant 0 : i32
      %dma_wait3A_17 = tpu.memref_slice %arg2[%mul3A_2, %dma_wait3A] : memref<4096x64xf32, #tpu.memory_space<hbm>> -> memref<128x64xf32, #tpu.memory_space<hbm>>
      %dma_wait3A_18 = arith.constant 0 : i32
      %dma_wait3A_19 = tpu.memref_slice %arg2[%mul3A_2, %dma_wait3A_18] : memref<4096x64xf32, #tpu.memory_space<hbm>> -> memref<128x64xf32, #tpu.memory_space<hbm>>
      tpu.wait_dma2 semaphore(%run_scoped3A : memref<!tpu.dma_semaphore, #tpu.memory_space<semaphore_mem>>) src(%dma_wait3A_19 : memref<128x64xf32, #tpu.memory_space<hbm>>) dst(%arg5 : memref<128x64xf32, #tpu.memory_space<vmem>>)
      tpu.yield
    }) : () -> ()
    %iota3A = tpu.iota {dimensions = array<i32: 0>} : vector<16xi32>
    %lt3A = arith.constant 8 : i32
    %lt3A_3 = vector.broadcast %lt3A : i32 to vector<16xi32>
    %lt3A_4 = arith.cmpi slt, %iota3A, %lt3A_3 : vector<16xi32>
    %scan3A = arith.constant 0 : i32
    %scan3A_5 = arith.constant 0 : i32
    %scan3A_6 = arith.constant 32 : i32
    %scan3A_7 = arith.addi %scan3A_5, %scan3A_6 : i32
    %scan3A_8 = arith.constant 1 : i32
    scf.for %scan3A_14 = %scan3A_5 to %scan3A_7 step %scan3A_8  : i32 {
      %mul3A_15 = arith.constant 4 : i32
      %mul3A_16 = arith.muli %scan3A_14, %mul3A_15 : i32
      %add3A_17 = arith.constant 0 : i32
      %add3A_18 = arith.addi %mul3A_16, %add3A_17 : i32
      %get3A = arith.index_cast %add3A_18 : i32 to index
      %get3A_19 = arith.constant 0 : index
      %get3A_20 = tpu.vector_load %arg5[%get3A, %get3A_19] {strides = array<i32>} : memref<128x64xf32, #tpu.memory_space<vmem>>, vector<16xf32>,
      %add3A_21 = arith.constant 0 : i32
      %add3A_22 = vector.broadcast %add3A_21 : i32 to vector<16xi32>
      %add3A_23 = arith.addi %iota3A, %add3A_22 : vector<16xi32>
      %masked_sort3A = arith.constant dense<true> : vector<16xi1>
      %masked_sort3A_24, %masked_sort3A_25, %masked_sort3A_26 = tpu.sort %get3A_20, %add3A_23 masked %masked_sort3A {descending = true} : (vector<16xf32>, vector<16xi32>, vector<16xi1>) -> (vector<16xi1>, vector<16xf32>, vector<16xi32>)
      %get3A_27 = arith.index_cast %add3A_18 : i32 to index
      %get3A_28 = arith.constant 16 : index
      %get3A_29 = tpu.vector_load %arg5[%get3A_27, %get3A_28] {strides = array<i32>} : memref<128x64xf32, #tpu.memory_space<vmem>>, vector<16xf32>,
      %add3A_30 = arith.constant 16 : i32
      %add3A_31 = vector.broadcast %add3A_30 : i32 to vector<16xi32>
      %add3A_32 = arith.addi %iota3A, %add3A_31 : vector<16xi32>
      %masked_sort3A_33 = arith.constant dense<true> : vector<16xi1>
      %masked_sort3A_34, %masked_sort3A_35, %masked_sort3A_36 = tpu.sort %get3A_29, %add3A_32 masked %masked_sort3A_33 {descending = true} : (vector<16xf32>, vector<16xi32>, vector<16xi1>) -> (vector<16xi1>, vector<16xf32>, vector<16xi32>)
      %get3A_37 = arith.index_cast %add3A_18 : i32 to index
      %get3A_38 = arith.constant 32 : index
      %get3A_39 = tpu.vector_load %arg5[%get3A_37, %get3A_38] {strides = array<i32>} : memref<128x64xf32, #tpu.memory_space<vmem>>, vector<16xf32>,
      %add3A_40 = arith.constant 32 : i32
      %add3A_41 = vector.broadcast %add3A_40 : i32 to vector<16xi32>
      %add3A_42 = arith.addi %iota3A, %add3A_41 : vector<16xi32>
      %masked_sort3A_43 = arith.constant dense<true> : vector<16xi1>
      %masked_sort3A_44, %masked_sort3A_45, %masked_sort3A_46 = tpu.sort %get3A_39, %add3A_42 masked %masked_sort3A_43 {descending = true} : (vector<16xf32>, vector<16xi32>, vector<16xi1>) -> (vector<16xi1>, vector<16xf32>, vector<16xi32>)
      %get3A_47 = arith.index_cast %add3A_18 : i32 to index
      %get3A_48 = arith.constant 48 : index
      %get3A_49 = tpu.vector_load %arg5[%get3A_47, %get3A_48] {strides = array<i32>} : memref<128x64xf32, #tpu.memory_space<vmem>>, vector<16xf32>,
      %add3A_50 = arith.constant 48 : i32
      %add3A_51 = vector.broadcast %add3A_50 : i32 to vector<16xi32>
      %add3A_52 = arith.addi %iota3A, %add3A_51 : vector<16xi32>
      %masked_sort3A_53 = arith.constant dense<true> : vector<16xi1>
      %masked_sort3A_54, %masked_sort3A_55, %masked_sort3A_56 = tpu.sort %get3A_49, %add3A_52 masked %masked_sort3A_53 {descending = true} : (vector<16xf32>, vector<16xi32>, vector<16xi1>) -> (vector<16xi1>, vector<16xf32>, vector<16xi32>)
      %rev3A = arith.constant 15 : i32
      %rev3A_57 = vector.broadcast %rev3A : i32 to vector<16xi32>
      %rev3A_58 = tpu.iota {dimensions = array<i32: 0>} : vector<16xi32>
      %rev3A_59 = arith.subi %rev3A_57, %rev3A_58 : vector<16xi32>
      %rev3A_60 = tpu.dynamic_gather %masked_sort3A_35[%rev3A_59] in [0] : vector<16xf32>, vector<16xi32> -> vector<16xf32>
      %rev3A_61 = arith.constant 15 : i32
      %rev3A_62 = vector.broadcast %rev3A_61 : i32 to vector<16xi32>
      %rev3A_63 = tpu.iota {dimensions = array<i32: 0>} : vector<16xi32>
      %rev3A_64 = arith.subi %rev3A_62, %rev3A_63 : vector<16xi32>
      %rev3A_65 = tpu.dynamic_gather %masked_sort3A_36[%rev3A_64] in [0] : vector<16xi32>, vector<16xi32> -> vector<16xi32>
      %ge3A = arith.cmpf oge, %masked_sort3A_25, %rev3A_60 : vector<16xf32>
      %select_n3A = arith.select %ge3A, %masked_sort3A_25, %rev3A_60 : vector<16xi1>, vector<16xf32>
      %select_n3A_66 = arith.select %ge3A, %masked_sort3A_26, %rev3A_65 : vector<16xi1>, vector<16xi32>
      %masked_sort3A_67 = arith.constant dense<true> : vector<16xi1>
      %masked_sort3A_68, %masked_sort3A_69, %masked_sort3A_70 = tpu.sort %select_n3A, %select_n3A_66 masked %masked_sort3A_67 {descending = true} : (vector<16xf32>, vector<16xi32>, vector<16xi1>) -> (vector<16xi1>, vector<16xf32>, vector<16xi32>)
      %rev3A_71 = arith.constant 15 : i32
      %rev3A_72 = vector.broadcast %rev3A_71 : i32 to vector<16xi32>
      %rev3A_73 = tpu.iota {dimensions = array<i32: 0>} : vector<16xi32>
      %rev3A_74 = arith.subi %rev3A_72, %rev3A_73 : vector<16xi32>
      %rev3A_75 = tpu.dynamic_gather %masked_sort3A_55[%rev3A_74] in [0] : vector<16xf32>, vector<16xi32> -> vector<16xf32>
      %rev3A_76 = arith.constant 15 : i32
      %rev3A_77 = vector.broadcast %rev3A_76 : i32 to vector<16xi32>
      %rev3A_78 = tpu.iota {dimensions = array<i32: 0>} : vector<16xi32>
      %rev3A_79 = arith.subi %rev3A_77, %rev3A_78 : vector<16xi32>
      %rev3A_80 = tpu.dynamic_gather %masked_sort3A_56[%rev3A_79] in [0] : vector<16xi32>, vector<16xi32> -> vector<16xi32>
      %ge3A_81 = arith.cmpf oge, %masked_sort3A_45, %rev3A_75 : vector<16xf32>
      %select_n3A_82 = arith.select %ge3A_81, %masked_sort3A_45, %rev3A_75 : vector<16xi1>, vector<16xf32>
      %select_n3A_83 = arith.select %ge3A_81, %masked_sort3A_46, %rev3A_80 : vector<16xi1>, vector<16xi32>
      %masked_sort3A_84 = arith.constant dense<true> : vector<16xi1>
      %masked_sort3A_85, %masked_sort3A_86, %masked_sort3A_87 = tpu.sort %select_n3A_82, %select_n3A_83 masked %masked_sort3A_84 {descending = true} : (vector<16xf32>, vector<16xi32>, vector<16xi1>) -> (vector<16xi1>, vector<16xf32>, vector<16xi32>)
      %rev3A_88 = arith.constant 15 : i32
      %rev3A_89 = vector.broadcast %rev3A_88 : i32 to vector<16xi32>
      %rev3A_90 = tpu.iota {dimensions = array<i32: 0>} : vector<16xi32>
      %rev3A_91 = arith.subi %rev3A_89, %rev3A_90 : vector<16xi32>
      %rev3A_92 = tpu.dynamic_gather %masked_sort3A_86[%rev3A_91] in [0] : vector<16xf32>, vector<16xi32> -> vector<16xf32>
      %rev3A_93 = arith.constant 15 : i32
      %rev3A_94 = vector.broadcast %rev3A_93 : i32 to vector<16xi32>
      %rev3A_95 = tpu.iota {dimensions = array<i32: 0>} : vector<16xi32>
      %rev3A_96 = arith.subi %rev3A_94, %rev3A_95 : vector<16xi32>
      %rev3A_97 = tpu.dynamic_gather %masked_sort3A_87[%rev3A_96] in [0] : vector<16xi32>, vector<16xi32> -> vector<16xi32>
      %ge3A_98 = arith.cmpf oge, %masked_sort3A_69, %rev3A_92 : vector<16xf32>
      %select_n3A_99 = arith.select %ge3A_98, %masked_sort3A_69, %rev3A_92 : vector<16xi1>, vector<16xf32>
      %select_n3A_100 = arith.select %ge3A_98, %masked_sort3A_70, %rev3A_97 : vector<16xi1>, vector<16xi32>
      %masked_sort3A_101 = arith.constant dense<true> : vector<16xi1>
      %masked_sort3A_102, %masked_sort3A_103, %masked_sort3A_104 = tpu.sort %select_n3A_99, %select_n3A_100 masked %masked_sort3A_101 {descending = true} : (vector<16xf32>, vector<16xi32>, vector<16xi1>) -> (vector<16xi1>, vector<16xf32>, vector<16xi32>)
      %reduce_max3A = arith.constant true
      %reduce_max3A_105 = vector.broadcast %reduce_max3A : i1 to vector<16xi1>
      %reduce_max3A_106 = tpu.scan <max>, %masked_sort3A_103 masked %reduce_max3A_105 : vector<16xf32>, vector<16xi1> -> vector<16xf32>
      %reduce_max3A_107 = vector.extract %reduce_max3A_106[15] : f32 from vector<16xf32>
      %sub3A = vector.broadcast %reduce_max3A_107 : f32 to vector<16xf32>
      %sub3A_108 = arith.subf %masked_sort3A_103, %sub3A : vector<16xf32>
      %exp3A = math.exp %sub3A_108 : vector<16xf32>
      %jit3A = arith.constant 0.000000e+00 : f32
      %broadcast_in_dim3A = vector.broadcast %jit3A : f32 to vector<16xf32>
      %select_n3A_109 = arith.select %lt3A_4, %exp3A, %broadcast_in_dim3A : vector<16xi1>, vector<16xf32>
      %reduce_sum3A = arith.constant true
      %reduce_sum3A_110 = vector.broadcast %reduce_sum3A : i1 to vector<16xi1>
      %reduce_sum3A_111 = tpu.scan <sum>, %select_n3A_109 masked %reduce_sum3A_110 : vector<16xf32>, vector<16xi1> -> vector<16xf32>
      %reduce_sum3A_112 = vector.extract %reduce_sum3A_111[15] : f32 from vector<16xf32>
      %div3A = vector.broadcast %reduce_sum3A_112 : f32 to vector<16xf32>
      %div3A_113 = arith.divf %select_n3A_109, %div3A : vector<16xf32>
      %mul3A_114 = arith.constant 8 : i32
      %mul3A_115 = arith.muli %add3A_18, %mul3A_114 : i32
      %swap3A = arith.index_cast %mul3A_115 : i32 to index
      %swap3A_116 = tpu.vector_load %arg6[%swap3A] {strides = array<i32>} : memref<1056xf32, #tpu.memory_space<vmem>>, vector<16xf32>,
      tpu.vector_store %arg6[%swap3A], %div3A_113 {strides = array<i32>} : memref<1056xf32, #tpu.memory_space<vmem>>, vector<16xf32>,
      %mul3A_117 = arith.constant 8 : i32
      %mul3A_118 = arith.muli %add3A_18, %mul3A_117 : i32
      %swap3A_119 = arith.index_cast %mul3A_118 : i32 to index
      %swap3A_120 = tpu.vector_load %arg7[%swap3A_119] {strides = array<i32>} : memref<1056xi32, #tpu.memory_space<vmem>>, vector<16xi32>,
      tpu.vector_store %arg7[%swap3A_119], %masked_sort3A_104 {strides = array<i32>} : memref<1056xi32, #tpu.memory_space<vmem>>, vector<16xi32>,
      %mul3A_121 = arith.constant 4 : i32
      %mul3A_122 = arith.muli %scan3A_14, %mul3A_121 : i32
      %add3A_123 = arith.constant 1 : i32
      %add3A_124 = arith.addi %mul3A_122, %add3A_123 : i32
      %get3A_125 = arith.index_cast %add3A_124 : i32 to index
      %get3A_126 = arith.constant 0 : index
      %get3A_127 = tpu.vector_load %arg5[%get3A_125, %get3A_126] {strides = array<i32>} : memref<128x64xf32, #tpu.memory_space<vmem>>, vector<16xf32>,
      %add3A_128 = arith.constant 0 : i32
      %add3A_129 = vector.broadcast %add3A_128 : i32 to vector<16xi32>
      %add3A_130 = arith.addi %iota3A, %add3A_129 : vector<16xi32>
      %masked_sort3A_131 = arith.constant dense<true> : vector<16xi1>
      %masked_sort3A_132, %masked_sort3A_133, %masked_sort3A_134 = tpu.sort %get3A_127, %add3A_130 masked %masked_sort3A_131 {descending = true} : (vector<16xf32>, vector<16xi32>, vector<16xi1>) -> (vector<16xi1>, vector<16xf32>, vector<16xi32>)
      %get3A_135 = arith.index_cast %add3A_124 : i32 to index
      %get3A_136 = arith.constant 16 : index
      %get3A_137 = tpu.vector_load %arg5[%get3A_135, %get3A_136] {strides = array<i32>} : memref<128x64xf32, #tpu.memory_space<vmem>>, vector<16xf32>,
      %add3A_138 = arith.constant 16 : i32
      %add3A_139 = vector.broadcast %add3A_138 : i32 to vector<16xi32>
      %add3A_140 = arith.addi %iota3A, %add3A_139 : vector<16xi32>
      %masked_sort3A_141 = arith.constant dense<true> : vector<16xi1>
      %masked_sort3A_142, %masked_sort3A_143, %masked_sort3A_144 = tpu.sort %get3A_137, %add3A_140 masked %masked_sort3A_141 {descending = true} : (vector<16xf32>, vector<16xi32>, vector<16xi1>) -> (vector<16xi1>, vector<16xf32>, vector<16xi32>)
      %get3A_145 = arith.index_cast %add3A_124 : i32 to index
      %get3A_146 = arith.constant 32 : index
      %get3A_147 = tpu.vector_load %arg5[%get3A_145, %get3A_146] {strides = array<i32>} : memref<128x64xf32, #tpu.memory_space<vmem>>, vector<16xf32>,
      %add3A_148 = arith.constant 32 : i32
      %add3A_149 = vector.broadcast %add3A_148 : i32 to vector<16xi32>
      %add3A_150 = arith.addi %iota3A, %add3A_149 : vector<16xi32>
      %masked_sort3A_151 = arith.constant dense<true> : vector<16xi1>
      %masked_sort3A_152, %masked_sort3A_153, %masked_sort3A_154 = tpu.sort %get3A_147, %add3A_150 masked %masked_sort3A_151 {descending = true} : (vector<16xf32>, vector<16xi32>, vector<16xi1>) -> (vector<16xi1>, vector<16xf32>, vector<16xi32>)
      %get3A_155 = arith.index_cast %add3A_124 : i32 to index
      %get3A_156 = arith.constant 48 : index
      %get3A_157 = tpu.vector_load %arg5[%get3A_155, %get3A_156] {strides = array<i32>} : memref<128x64xf32, #tpu.memory_space<vmem>>, vector<16xf32>,
      %add3A_158 = arith.constant 48 : i32
      %add3A_159 = vector.broadcast %add3A_158 : i32 to vector<16xi32>
      %add3A_160 = arith.addi %iota3A, %add3A_159 : vector<16xi32>
      %masked_sort3A_161 = arith.constant dense<true> : vector<16xi1>
      %masked_sort3A_162, %masked_sort3A_163, %masked_sort3A_164 = tpu.sort %get3A_157, %add3A_160 masked %masked_sort3A_161 {descending = true} : (vector<16xf32>, vector<16xi32>, vector<16xi1>) -> (vector<16xi1>, vector<16xf32>, vector<16xi32>)
      %rev3A_165 = arith.constant 15 : i32
      %rev3A_166 = vector.broadcast %rev3A_165 : i32 to vector<16xi32>
      %rev3A_167 = tpu.iota {dimensions = array<i32: 0>} : vector<16xi32>
      %rev3A_168 = arith.subi %rev3A_166, %rev3A_167 : vector<16xi32>
      %rev3A_169 = tpu.dynamic_gather %masked_sort3A_143[%rev3A_168] in [0] : vector<16xf32>, vector<16xi32> -> vector<16xf32>
      %rev3A_170 = arith.constant 15 : i32
      %rev3A_171 = vector.broadcast %rev3A_170 : i32 to vector<16xi32>
      %rev3A_172 = tpu.iota {dimensions = array<i32: 0>} : vector<16xi32>
      %rev3A_173 = arith.subi %rev3A_171, %rev3A_172 : vector<16xi32>
      %rev3A_174 = tpu.dynamic_gather %masked_sort3A_144[%rev3A_173] in [0] : vector<16xi32>, vector<16xi32> -> vector<16xi32>
      %ge3A_175 = arith.cmpf oge, %masked_sort3A_133, %rev3A_169 : vector<16xf32>
      %select_n3A_176 = arith.select %ge3A_175, %masked_sort3A_133, %rev3A_169 : vector<16xi1>, vector<16xf32>
      %select_n3A_177 = arith.select %ge3A_175, %masked_sort3A_134, %rev3A_174 : vector<16xi1>, vector<16xi32>
      %masked_sort3A_178 = arith.constant dense<true> : vector<16xi1>
      %masked_sort3A_179, %masked_sort3A_180, %masked_sort3A_181 = tpu.sort %select_n3A_176, %select_n3A_177 masked %masked_sort3A_178 {descending = true} : (vector<16xf32>, vector<16xi32>, vector<16xi1>) -> (vector<16xi1>, vector<16xf32>, vector<16xi32>)
      %rev3A_182 = arith.constant 15 : i32
      %rev3A_183 = vector.broadcast %rev3A_182 : i32 to vector<16xi32>
      %rev3A_184 = tpu.iota {dimensions = array<i32: 0>} : vector<16xi32>
      %rev3A_185 = arith.subi %rev3A_183, %rev3A_184 : vector<16xi32>
      %rev3A_186 = tpu.dynamic_gather %masked_sort3A_163[%rev3A_185] in [0] : vector<16xf32>, vector<16xi32> -> vector<16xf32>
      %rev3A_187 = arith.constant 15 : i32
      %rev3A_188 = vector.broadcast %rev3A_187 : i32 to vector<16xi32>
      %rev3A_189 = tpu.iota {dimensions = array<i32: 0>} : vector<16xi32>
      %rev3A_190 = arith.subi %rev3A_188, %rev3A_189 : vector<16xi32>
      %rev3A_191 = tpu.dynamic_gather %masked_sort3A_164[%rev3A_190] in [0] : vector<16xi32>, vector<16xi32> -> vector<16xi32>
      %ge3A_192 = arith.cmpf oge, %masked_sort3A_153, %rev3A_186 : vector<16xf32>
      %select_n3A_193 = arith.select %ge3A_192, %masked_sort3A_153, %rev3A_186 : vector<16xi1>, vector<16xf32>
      %select_n3A_194 = arith.select %ge3A_192, %masked_sort3A_154, %rev3A_191 : vector<16xi1>, vector<16xi32>
      %masked_sort3A_195 = arith.constant dense<true> : vector<16xi1>
      %masked_sort3A_196, %masked_sort3A_197, %masked_sort3A_198 = tpu.sort %select_n3A_193, %select_n3A_194 masked %masked_sort3A_195 {descending = true} : (vector<16xf32>, vector<16xi32>, vector<16xi1>) -> (vector<16xi1>, vector<16xf32>, vector<16xi32>)
      %rev3A_199 = arith.constant 15 : i32
      %rev3A_200 = vector.broadcast %rev3A_199 : i32 to vector<16xi32>
      %rev3A_201 = tpu.iota {dimensions = array<i32: 0>} : vector<16xi32>
      %rev3A_202 = arith.subi %rev3A_200, %rev3A_201 : vector<16xi32>
      %rev3A_203 = tpu.dynamic_gather %masked_sort3A_197[%rev3A_202] in [0] : vector<16xf32>, vector<16xi32> -> vector<16xf32>
      %rev3A_204 = arith.constant 15 : i32
      %rev3A_205 = vector.broadcast %rev3A_204 : i32 to vector<16xi32>
      %rev3A_206 = tpu.iota {dimensions = array<i32: 0>} : vector<16xi32>
      %rev3A_207 = arith.subi %rev3A_205, %rev3A_206 : vector<16xi32>
      %rev3A_208 = tpu.dynamic_gather %masked_sort3A_198[%rev3A_207] in [0] : vector<16xi32>, vector<16xi32> -> vector<16xi32>
      %ge3A_209 = arith.cmpf oge, %masked_sort3A_180, %rev3A_203 : vector<16xf32>
      %select_n3A_210 = arith.select %ge3A_209, %masked_sort3A_180, %rev3A_203 : vector<16xi1>, vector<16xf32>
      %select_n3A_211 = arith.select %ge3A_209, %masked_sort3A_181, %rev3A_208 : vector<16xi1>, vector<16xi32>
      %masked_sort3A_212 = arith.constant dense<true> : vector<16xi1>
      %masked_sort3A_213, %masked_sort3A_214, %masked_sort3A_215 = tpu.sort %select_n3A_210, %select_n3A_211 masked %masked_sort3A_212 {descending = true} : (vector<16xf32>, vector<16xi32>, vector<16xi1>) -> (vector<16xi1>, vector<16xf32>, vector<16xi32>)
      %reduce_max3A_216 = arith.constant true
      %reduce_max3A_217 = vector.broadcast %reduce_max3A_216 : i1 to vector<16xi1>
      %reduce_max3A_218 = tpu.scan <max>, %masked_sort3A_214 masked %reduce_max3A_217 : vector<16xf32>, vector<16xi1> -> vector<16xf32>
      %reduce_max3A_219 = vector.extract %reduce_max3A_218[15] : f32 from vector<16xf32>
      %sub3A_220 = vector.broadcast %reduce_max3A_219 : f32 to vector<16xf32>
      %sub3A_221 = arith.subf %masked_sort3A_214, %sub3A_220 : vector<16xf32>
      %exp3A_222 = math.exp %sub3A_221 : vector<16xf32>
      %jit3A_223 = arith.constant 0.000000e+00 : f32
      %broadcast_in_dim3A_224 = vector.broadcast %jit3A_223 : f32 to vector<16xf32>
      %select_n3A_225 = arith.select %lt3A_4, %exp3A_222, %broadcast_in_dim3A_224 : vector<16xi1>, vector<16xf32>
      %reduce_sum3A_226 = arith.constant true
      %reduce_sum3A_227 = vector.broadcast %reduce_sum3A_226 : i1 to vector<16xi1>
      %reduce_sum3A_228 = tpu.scan <sum>, %select_n3A_225 masked %reduce_sum3A_227 : vector<16xf32>, vector<16xi1> -> vector<16xf32>
      %reduce_sum3A_229 = vector.extract %reduce_sum3A_228[15] : f32 from vector<16xf32>
      %div3A_230 = vector.broadcast %reduce_sum3A_229 : f32 to vector<16xf32>
      %div3A_231 = arith.divf %select_n3A_225, %div3A_230 : vector<16xf32>
      %mul3A_232 = arith.constant 8 : i32
      %mul3A_233 = arith.muli %add3A_124, %mul3A_232 : i32
      %swap3A_234 = arith.index_cast %mul3A_233 : i32 to index
      %swap3A_235 = tpu.vector_load %arg6[%swap3A_234] {strides = array<i32>} : memref<1056xf32, #tpu.memory_space<vmem>>, vector<16xf32>,
      tpu.vector_store %arg6[%swap3A_234], %div3A_231 {strides = array<i32>} : memref<1056xf32, #tpu.memory_space<vmem>>, vector<16xf32>,
      %mul3A_236 = arith.constant 8 : i32
      %mul3A_237 = arith.muli %add3A_124, %mul3A_236 : i32
      %swap3A_238 = arith.index_cast %mul3A_237 : i32 to index
      %swap3A_239 = tpu.vector_load %arg7[%swap3A_238] {strides = array<i32>} : memref<1056xi32, #tpu.memory_space<vmem>>, vector<16xi32>,
      tpu.vector_store %arg7[%swap3A_238], %masked_sort3A_215 {strides = array<i32>} : memref<1056xi32, #tpu.memory_space<vmem>>, vector<16xi32>,
      %mul3A_240 = arith.constant 4 : i32
      %mul3A_241 = arith.muli %scan3A_14, %mul3A_240 : i32
      %add3A_242 = arith.constant 2 : i32
      %add3A_243 = arith.addi %mul3A_241, %add3A_242 : i32
      %get3A_244 = arith.index_cast %add3A_243 : i32 to index
      %get3A_245 = arith.constant 0 : index
      %get3A_246 = tpu.vector_load %arg5[%get3A_244, %get3A_245] {strides = array<i32>} : memref<128x64xf32, #tpu.memory_space<vmem>>, vector<16xf32>,
      %add3A_247 = arith.constant 0 : i32
      %add3A_248 = vector.broadcast %add3A_247 : i32 to vector<16xi32>
      %add3A_249 = arith.addi %iota3A, %add3A_248 : vector<16xi32>
      %masked_sort3A_250 = arith.constant dense<true> : vector<16xi1>
      %masked_sort3A_251, %masked_sort3A_252, %masked_sort3A_253 = tpu.sort %get3A_246, %add3A_249 masked %masked_sort3A_250 {descending = true} : (vector<16xf32>, vector<16xi32>, vector<16xi1>) -> (vector<16xi1>, vector<16xf32>, vector<16xi32>)
      %get3A_254 = arith.index_cast %add3A_243 : i32 to index
      %get3A_255 = arith.constant 16 : index
      %get3A_256 = tpu.vector_load %arg5[%get3A_254, %get3A_255] {strides = array<i32>} : memref<128x64xf32, #tpu.memory_space<vmem>>, vector<16xf32>,
      %add3A_257 = arith.constant 16 : i32
      %add3A_258 = vector.broadcast %add3A_257 : i32 to vector<16xi32>
      %add3A_259 = arith.addi %iota3A, %add3A_258 : vector<16xi32>
      %masked_sort3A_260 = arith.constant dense<true> : vector<16xi1>
      %masked_sort3A_261, %masked_sort3A_262, %masked_sort3A_263 = tpu.sort %get3A_256, %add3A_259 masked %masked_sort3A_260 {descending = true} : (vector<16xf32>, vector<16xi32>, vector<16xi1>) -> (vector<16xi1>, vector<16xf32>, vector<16xi32>)
      %get3A_264 = arith.index_cast %add3A_243 : i32 to index
      %get3A_265 = arith.constant 32 : index
      %get3A_266 = tpu.vector_load %arg5[%get3A_264, %get3A_265] {strides = array<i32>} : memref<128x64xf32, #tpu.memory_space<vmem>>, vector<16xf32>,
      %add3A_267 = arith.constant 32 : i32
      %add3A_268 = vector.broadcast %add3A_267 : i32 to vector<16xi32>
      %add3A_269 = arith.addi %iota3A, %add3A_268 : vector<16xi32>
      %masked_sort3A_270 = arith.constant dense<true> : vector<16xi1>
      %masked_sort3A_271, %masked_sort3A_272, %masked_sort3A_273 = tpu.sort %get3A_266, %add3A_269 masked %masked_sort3A_270 {descending = true} : (vector<16xf32>, vector<16xi32>, vector<16xi1>) -> (vector<16xi1>, vector<16xf32>, vector<16xi32>)
      %get3A_274 = arith.index_cast %add3A_243 : i32 to index
      %get3A_275 = arith.constant 48 : index
      %get3A_276 = tpu.vector_load %arg5[%get3A_274, %get3A_275] {strides = array<i32>} : memref<128x64xf32, #tpu.memory_space<vmem>>, vector<16xf32>,
      %add3A_277 = arith.constant 48 : i32
      %add3A_278 = vector.broadcast %add3A_277 : i32 to vector<16xi32>
      %add3A_279 = arith.addi %iota3A, %add3A_278 : vector<16xi32>
      %masked_sort3A_280 = arith.constant dense<true> : vector<16xi1>
      %masked_sort3A_281, %masked_sort3A_282, %masked_sort3A_283 = tpu.sort %get3A_276, %add3A_279 masked %masked_sort3A_280 {descending = true} : (vector<16xf32>, vector<16xi32>, vector<16xi1>) -> (vector<16xi1>, vector<16xf32>, vector<16xi32>)
      %rev3A_284 = arith.constant 15 : i32
      %rev3A_285 = vector.broadcast %rev3A_284 : i32 to vector<16xi32>
      %rev3A_286 = tpu.iota {dimensions = array<i32: 0>} : vector<16xi32>
      %rev3A_287 = arith.subi %rev3A_285, %rev3A_286 : vector<16xi32>
      %rev3A_288 = tpu.dynamic_gather %masked_sort3A_262[%rev3A_287] in [0] : vector<16xf32>, vector<16xi32> -> vector<16xf32>
      %rev3A_289 = arith.constant 15 : i32
      %rev3A_290 = vector.broadcast %rev3A_289 : i32 to vector<16xi32>
      %rev3A_291 = tpu.iota {dimensions = array<i32: 0>} : vector<16xi32>
      %rev3A_292 = arith.subi %rev3A_290, %rev3A_291 : vector<16xi32>
      %rev3A_293 = tpu.dynamic_gather %masked_sort3A_263[%rev3A_292] in [0] : vector<16xi32>, vector<16xi32> -> vector<16xi32>
      %ge3A_294 = arith.cmpf oge, %masked_sort3A_252, %rev3A_288 : vector<16xf32>
      %select_n3A_295 = arith.select %ge3A_294, %masked_sort3A_252, %rev3A_288 : vector<16xi1>, vector<16xf32>
      %select_n3A_296 = arith.select %ge3A_294, %masked_sort3A_253, %rev3A_293 : vector<16xi1>, vector<16xi32>
      %masked_sort3A_297 = arith.constant dense<true> : vector<16xi1>
      %masked_sort3A_298, %masked_sort3A_299, %masked_sort3A_300 = tpu.sort %select_n3A_295, %select_n3A_296 masked %masked_sort3A_297 {descending = true} : (vector<16xf32>, vector<16xi32>, vector<16xi1>) -> (vector<16xi1>, vector<16xf32>, vector<16xi32>)
      %rev3A_301 = arith.constant 15 : i32
      %rev3A_302 = vector.broadcast %rev3A_301 : i32 to vector<16xi32>
      %rev3A_303 = tpu.iota {dimensions = array<i32: 0>} : vector<16xi32>
      %rev3A_304 = arith.subi %rev3A_302, %rev3A_303 : vector<16xi32>
      %rev3A_305 = tpu.dynamic_gather %masked_sort3A_282[%rev3A_304] in [0] : vector<16xf32>, vector<16xi32> -> vector<16xf32>
      %rev3A_306 = arith.constant 15 : i32
      %rev3A_307 = vector.broadcast %rev3A_306 : i32 to vector<16xi32>
      %rev3A_308 = tpu.iota {dimensions = array<i32: 0>} : vector<16xi32>
      %rev3A_309 = arith.subi %rev3A_307, %rev3A_308 : vector<16xi32>
      %rev3A_310 = tpu.dynamic_gather %masked_sort3A_283[%rev3A_309] in [0] : vector<16xi32>, vector<16xi32> -> vector<16xi32>
      %ge3A_311 = arith.cmpf oge, %masked_sort3A_272, %rev3A_305 : vector<16xf32>
      %select_n3A_312 = arith.select %ge3A_311, %masked_sort3A_272, %rev3A_305 : vector<16xi1>, vector<16xf32>
      %select_n3A_313 = arith.select %ge3A_311, %masked_sort3A_273, %rev3A_310 : vector<16xi1>, vector<16xi32>
      %masked_sort3A_314 = arith.constant dense<true> : vector<16xi1>
      %masked_sort3A_315, %masked_sort3A_316, %masked_sort3A_317 = tpu.sort %select_n3A_312, %select_n3A_313 masked %masked_sort3A_314 {descending = true} : (vector<16xf32>, vector<16xi32>, vector<16xi1>) -> (vector<16xi1>, vector<16xf32>, vector<16xi32>)
      %rev3A_318 = arith.constant 15 : i32
      %rev3A_319 = vector.broadcast %rev3A_318 : i32 to vector<16xi32>
      %rev3A_320 = tpu.iota {dimensions = array<i32: 0>} : vector<16xi32>
      %rev3A_321 = arith.subi %rev3A_319, %rev3A_320 : vector<16xi32>
      %rev3A_322 = tpu.dynamic_gather %masked_sort3A_316[%rev3A_321] in [0] : vector<16xf32>, vector<16xi32> -> vector<16xf32>
      %rev3A_323 = arith.constant 15 : i32
      %rev3A_324 = vector.broadcast %rev3A_323 : i32 to vector<16xi32>
      %rev3A_325 = tpu.iota {dimensions = array<i32: 0>} : vector<16xi32>
      %rev3A_326 = arith.subi %rev3A_324, %rev3A_325 : vector<16xi32>
      %rev3A_327 = tpu.dynamic_gather %masked_sort3A_317[%rev3A_326] in [0] : vector<16xi32>, vector<16xi32> -> vector<16xi32>
      %ge3A_328 = arith.cmpf oge, %masked_sort3A_299, %rev3A_322 : vector<16xf32>
      %select_n3A_329 = arith.select %ge3A_328, %masked_sort3A_299, %rev3A_322 : vector<16xi1>, vector<16xf32>
      %select_n3A_330 = arith.select %ge3A_328, %masked_sort3A_300, %rev3A_327 : vector<16xi1>, vector<16xi32>
      %masked_sort3A_331 = arith.constant dense<true> : vector<16xi1>
      %masked_sort3A_332, %masked_sort3A_333, %masked_sort3A_334 = tpu.sort %select_n3A_329, %select_n3A_330 masked %masked_sort3A_331 {descending = true} : (vector<16xf32>, vector<16xi32>, vector<16xi1>) -> (vector<16xi1>, vector<16xf32>, vector<16xi32>)
      %reduce_max3A_335 = arith.constant true
      %reduce_max3A_336 = vector.broadcast %reduce_max3A_335 : i1 to vector<16xi1>
      %reduce_max3A_337 = tpu.scan <max>, %masked_sort3A_333 masked %reduce_max3A_336 : vector<16xf32>, vector<16xi1> -> vector<16xf32>
      %reduce_max3A_338 = vector.extract %reduce_max3A_337[15] : f32 from vector<16xf32>
      %sub3A_339 = vector.broadcast %reduce_max3A_338 : f32 to vector<16xf32>
      %sub3A_340 = arith.subf %masked_sort3A_333, %sub3A_339 : vector<16xf32>
      %exp3A_341 = math.exp %sub3A_340 : vector<16xf32>
      %jit3A_342 = arith.constant 0.000000e+00 : f32
      %broadcast_in_dim3A_343 = vector.broadcast %jit3A_342 : f32 to vector<16xf32>
      %select_n3A_344 = arith.select %lt3A_4, %exp3A_341, %broadcast_in_dim3A_343 : vector<16xi1>, vector<16xf32>
      %reduce_sum3A_345 = arith.constant true
      %reduce_sum3A_346 = vector.broadcast %reduce_sum3A_345 : i1 to vector<16xi1>
      %reduce_sum3A_347 = tpu.scan <sum>, %select_n3A_344 masked %reduce_sum3A_346 : vector<16xf32>, vector<16xi1> -> vector<16xf32>
      %reduce_sum3A_348 = vector.extract %reduce_sum3A_347[15] : f32 from vector<16xf32>
      %div3A_349 = vector.broadcast %reduce_sum3A_348 : f32 to vector<16xf32>
      %div3A_350 = arith.divf %select_n3A_344, %div3A_349 : vector<16xf32>
      %mul3A_351 = arith.constant 8 : i32
      %mul3A_352 = arith.muli %add3A_243, %mul3A_351 : i32
      %swap3A_353 = arith.index_cast %mul3A_352 : i32 to index
      %swap3A_354 = tpu.vector_load %arg6[%swap3A_353] {strides = array<i32>} : memref<1056xf32, #tpu.memory_space<vmem>>, vector<16xf32>,
      tpu.vector_store %arg6[%swap3A_353], %div3A_350 {strides = array<i32>} : memref<1056xf32, #tpu.memory_space<vmem>>, vector<16xf32>,
      %mul3A_355 = arith.constant 8 : i32
      %mul3A_356 = arith.muli %add3A_243, %mul3A_355 : i32
      %swap3A_357 = arith.index_cast %mul3A_356 : i32 to index
      %swap3A_358 = tpu.vector_load %arg7[%swap3A_357] {strides = array<i32>} : memref<1056xi32, #tpu.memory_space<vmem>>, vector<16xi32>,
      tpu.vector_store %arg7[%swap3A_357], %masked_sort3A_334 {strides = array<i32>} : memref<1056xi32, #tpu.memory_space<vmem>>, vector<16xi32>,
      %mul3A_359 = arith.constant 4 : i32
      %mul3A_360 = arith.muli %scan3A_14, %mul3A_359 : i32
      %add3A_361 = arith.constant 3 : i32
      %add3A_362 = arith.addi %mul3A_360, %add3A_361 : i32
      %get3A_363 = arith.index_cast %add3A_362 : i32 to index
      %get3A_364 = arith.constant 0 : index
      %get3A_365 = tpu.vector_load %arg5[%get3A_363, %get3A_364] {strides = array<i32>} : memref<128x64xf32, #tpu.memory_space<vmem>>, vector<16xf32>,
      %add3A_366 = arith.constant 0 : i32
      %add3A_367 = vector.broadcast %add3A_366 : i32 to vector<16xi32>
      %add3A_368 = arith.addi %iota3A, %add3A_367 : vector<16xi32>
      %masked_sort3A_369 = arith.constant dense<true> : vector<16xi1>
      %masked_sort3A_370, %masked_sort3A_371, %masked_sort3A_372 = tpu.sort %get3A_365, %add3A_368 masked %masked_sort3A_369 {descending = true} : (vector<16xf32>, vector<16xi32>, vector<16xi1>) -> (vector<16xi1>, vector<16xf32>, vector<16xi32>)
      %get3A_373 = arith.index_cast %add3A_362 : i32 to index
      %get3A_374 = arith.constant 16 : index
      %get3A_375 = tpu.vector_load %arg5[%get3A_373, %get3A_374] {strides = array<i32>} : memref<128x64xf32, #tpu.memory_space<vmem>>, vector<16xf32>,
      %add3A_376 = arith.constant 16 : i32
      %add3A_377 = vector.broadcast %add3A_376 : i32 to vector<16xi32>
      %add3A_378 = arith.addi %iota3A, %add3A_377 : vector<16xi32>
      %masked_sort3A_379 = arith.constant dense<true> : vector<16xi1>
      %masked_sort3A_380, %masked_sort3A_381, %masked_sort3A_382 = tpu.sort %get3A_375, %add3A_378 masked %masked_sort3A_379 {descending = true} : (vector<16xf32>, vector<16xi32>, vector<16xi1>) -> (vector<16xi1>, vector<16xf32>, vector<16xi32>)
      %get3A_383 = arith.index_cast %add3A_362 : i32 to index
      %get3A_384 = arith.constant 32 : index
      %get3A_385 = tpu.vector_load %arg5[%get3A_383, %get3A_384] {strides = array<i32>} : memref<128x64xf32, #tpu.memory_space<vmem>>, vector<16xf32>,
      %add3A_386 = arith.constant 32 : i32
      %add3A_387 = vector.broadcast %add3A_386 : i32 to vector<16xi32>
      %add3A_388 = arith.addi %iota3A, %add3A_387 : vector<16xi32>
      %masked_sort3A_389 = arith.constant dense<true> : vector<16xi1>
      %masked_sort3A_390, %masked_sort3A_391, %masked_sort3A_392 = tpu.sort %get3A_385, %add3A_388 masked %masked_sort3A_389 {descending = true} : (vector<16xf32>, vector<16xi32>, vector<16xi1>) -> (vector<16xi1>, vector<16xf32>, vector<16xi32>)
      %get3A_393 = arith.index_cast %add3A_362 : i32 to index
      %get3A_394 = arith.constant 48 : index
      %get3A_395 = tpu.vector_load %arg5[%get3A_393, %get3A_394] {strides = array<i32>} : memref<128x64xf32, #tpu.memory_space<vmem>>, vector<16xf32>,
      %add3A_396 = arith.constant 48 : i32
      %add3A_397 = vector.broadcast %add3A_396 : i32 to vector<16xi32>
      %add3A_398 = arith.addi %iota3A, %add3A_397 : vector<16xi32>
      %masked_sort3A_399 = arith.constant dense<true> : vector<16xi1>
      %masked_sort3A_400, %masked_sort3A_401, %masked_sort3A_402 = tpu.sort %get3A_395, %add3A_398 masked %masked_sort3A_399 {descending = true} : (vector<16xf32>, vector<16xi32>, vector<16xi1>) -> (vector<16xi1>, vector<16xf32>, vector<16xi32>)
      %rev3A_403 = arith.constant 15 : i32
      %rev3A_404 = vector.broadcast %rev3A_403 : i32 to vector<16xi32>
      %rev3A_405 = tpu.iota {dimensions = array<i32: 0>} : vector<16xi32>
      %rev3A_406 = arith.subi %rev3A_404, %rev3A_405 : vector<16xi32>
      %rev3A_407 = tpu.dynamic_gather %masked_sort3A_381[%rev3A_406] in [0] : vector<16xf32>, vector<16xi32> -> vector<16xf32>
      %rev3A_408 = arith.constant 15 : i32
      %rev3A_409 = vector.broadcast %rev3A_408 : i32 to vector<16xi32>
      %rev3A_410 = tpu.iota {dimensions = array<i32: 0>} : vector<16xi32>
      %rev3A_411 = arith.subi %rev3A_409, %rev3A_410 : vector<16xi32>
      %rev3A_412 = tpu.dynamic_gather %masked_sort3A_382[%rev3A_411] in [0] : vector<16xi32>, vector<16xi32> -> vector<16xi32>
      %ge3A_413 = arith.cmpf oge, %masked_sort3A_371, %rev3A_407 : vector<16xf32>
      %select_n3A_414 = arith.select %ge3A_413, %masked_sort3A_371, %rev3A_407 : vector<16xi1>, vector<16xf32>
      %select_n3A_415 = arith.select %ge3A_413, %masked_sort3A_372, %rev3A_412 : vector<16xi1>, vector<16xi32>
      %masked_sort3A_416 = arith.constant dense<true> : vector<16xi1>
      %masked_sort3A_417, %masked_sort3A_418, %masked_sort3A_419 = tpu.sort %select_n3A_414, %select_n3A_415 masked %masked_sort3A_416 {descending = true} : (vector<16xf32>, vector<16xi32>, vector<16xi1>) -> (vector<16xi1>, vector<16xf32>, vector<16xi32>)
      %rev3A_420 = arith.constant 15 : i32
      %rev3A_421 = vector.broadcast %rev3A_420 : i32 to vector<16xi32>
      %rev3A_422 = tpu.iota {dimensions = array<i32: 0>} : vector<16xi32>
      %rev3A_423 = arith.subi %rev3A_421, %rev3A_422 : vector<16xi32>
      %rev3A_424 = tpu.dynamic_gather %masked_sort3A_401[%rev3A_423] in [0] : vector<16xf32>, vector<16xi32> -> vector<16xf32>
      %rev3A_425 = arith.constant 15 : i32
      %rev3A_426 = vector.broadcast %rev3A_425 : i32 to vector<16xi32>
      %rev3A_427 = tpu.iota {dimensions = array<i32: 0>} : vector<16xi32>
      %rev3A_428 = arith.subi %rev3A_426, %rev3A_427 : vector<16xi32>
      %rev3A_429 = tpu.dynamic_gather %masked_sort3A_402[%rev3A_428] in [0] : vector<16xi32>, vector<16xi32> -> vector<16xi32>
      %ge3A_430 = arith.cmpf oge, %masked_sort3A_391, %rev3A_424 : vector<16xf32>
      %select_n3A_431 = arith.select %ge3A_430, %masked_sort3A_391, %rev3A_424 : vector<16xi1>, vector<16xf32>
      %select_n3A_432 = arith.select %ge3A_430, %masked_sort3A_392, %rev3A_429 : vector<16xi1>, vector<16xi32>
      %masked_sort3A_433 = arith.constant dense<true> : vector<16xi1>
      %masked_sort3A_434, %masked_sort3A_435, %masked_sort3A_436 = tpu.sort %select_n3A_431, %select_n3A_432 masked %masked_sort3A_433 {descending = true} : (vector<16xf32>, vector<16xi32>, vector<16xi1>) -> (vector<16xi1>, vector<16xf32>, vector<16xi32>)
      %rev3A_437 = arith.constant 15 : i32
      %rev3A_438 = vector.broadcast %rev3A_437 : i32 to vector<16xi32>
      %rev3A_439 = tpu.iota {dimensions = array<i32: 0>} : vector<16xi32>
      %rev3A_440 = arith.subi %rev3A_438, %rev3A_439 : vector<16xi32>
      %rev3A_441 = tpu.dynamic_gather %masked_sort3A_435[%rev3A_440] in [0] : vector<16xf32>, vector<16xi32> -> vector<16xf32>
      %rev3A_442 = arith.constant 15 : i32
      %rev3A_443 = vector.broadcast %rev3A_442 : i32 to vector<16xi32>
      %rev3A_444 = tpu.iota {dimensions = array<i32: 0>} : vector<16xi32>
      %rev3A_445 = arith.subi %rev3A_443, %rev3A_444 : vector<16xi32>
      %rev3A_446 = tpu.dynamic_gather %masked_sort3A_436[%rev3A_445] in [0] : vector<16xi32>, vector<16xi32> -> vector<16xi32>
      %ge3A_447 = arith.cmpf oge, %masked_sort3A_418, %rev3A_441 : vector<16xf32>
      %select_n3A_448 = arith.select %ge3A_447, %masked_sort3A_418, %rev3A_441 : vector<16xi1>, vector<16xf32>
      %select_n3A_449 = arith.select %ge3A_447, %masked_sort3A_419, %rev3A_446 : vector<16xi1>, vector<16xi32>
      %masked_sort3A_450 = arith.constant dense<true> : vector<16xi1>
      %masked_sort3A_451, %masked_sort3A_452, %masked_sort3A_453 = tpu.sort %select_n3A_448, %select_n3A_449 masked %masked_sort3A_450 {descending = true} : (vector<16xf32>, vector<16xi32>, vector<16xi1>) -> (vector<16xi1>, vector<16xf32>, vector<16xi32>)
      %reduce_max3A_454 = arith.constant true
      %reduce_max3A_455 = vector.broadcast %reduce_max3A_454 : i1 to vector<16xi1>
      %reduce_max3A_456 = tpu.scan <max>, %masked_sort3A_452 masked %reduce_max3A_455 : vector<16xf32>, vector<16xi1> -> vector<16xf32>
      %reduce_max3A_457 = vector.extract %reduce_max3A_456[15] : f32 from vector<16xf32>
      %sub3A_458 = vector.broadcast %reduce_max3A_457 : f32 to vector<16xf32>
      %sub3A_459 = arith.subf %masked_sort3A_452, %sub3A_458 : vector<16xf32>
      %exp3A_460 = math.exp %sub3A_459 : vector<16xf32>
      %jit3A_461 = arith.constant 0.000000e+00 : f32
      %broadcast_in_dim3A_462 = vector.broadcast %jit3A_461 : f32 to vector<16xf32>
      %select_n3A_463 = arith.select %lt3A_4, %exp3A_460, %broadcast_in_dim3A_462 : vector<16xi1>, vector<16xf32>
      %reduce_sum3A_464 = arith.constant true
      %reduce_sum3A_465 = vector.broadcast %reduce_sum3A_464 : i1 to vector<16xi1>
      %reduce_sum3A_466 = tpu.scan <sum>, %select_n3A_463 masked %reduce_sum3A_465 : vector<16xf32>, vector<16xi1> -> vector<16xf32>
      %reduce_sum3A_467 = vector.extract %reduce_sum3A_466[15] : f32 from vector<16xf32>
      %div3A_468 = vector.broadcast %reduce_sum3A_467 : f32 to vector<16xf32>
      %div3A_469 = arith.divf %select_n3A_463, %div3A_468 : vector<16xf32>
      %mul3A_470 = arith.constant 8 : i32
      %mul3A_471 = arith.muli %add3A_362, %mul3A_470 : i32
      %swap3A_472 = arith.index_cast %mul3A_471 : i32 to index
      %swap3A_473 = tpu.vector_load %arg6[%swap3A_472] {strides = array<i32>} : memref<1056xf32, #tpu.memory_space<vmem>>, vector<16xf32>,
      tpu.vector_store %arg6[%swap3A_472], %div3A_469 {strides = array<i32>} : memref<1056xf32, #tpu.memory_space<vmem>>, vector<16xf32>,
      %mul3A_474 = arith.constant 8 : i32
      %mul3A_475 = arith.muli %add3A_362, %mul3A_474 : i32
      %swap3A_476 = arith.index_cast %mul3A_475 : i32 to index
      %swap3A_477 = tpu.vector_load %arg7[%swap3A_476] {strides = array<i32>} : memref<1056xi32, #tpu.memory_space<vmem>>, vector<16xi32>,
      tpu.vector_store %arg7[%swap3A_476], %masked_sort3A_453 {strides = array<i32>} : memref<1056xi32, #tpu.memory_space<vmem>>, vector<16xi32>,
    }
    %scan3A_9 = arith.constant 32 : i32
    %mul3A_10 = arith.constant 8 : i32
    %mul3A_11 = arith.muli %mul3A_2, %mul3A_10 : i32
    "tpu.region"() ({
      %run_scoped3A = tpu.sem_alloc : memref<!tpu.dma_semaphore, #tpu.memory_space<semaphore_mem>>
      %dma_start3A = arith.constant 0 : i32
      %dma_start3A_14 = tpu.memref_slice %arg6[%dma_start3A] : memref<1056xf32, #tpu.memory_space<vmem>> -> memref<1024xf32, #tpu.memory_space<vmem>>
      %dma_start3A_15 = tpu.memref_slice %arg3[%mul3A_11] : memref<32768xf32, #tpu.memory_space<hbm>> -> memref<1024xf32, #tpu.memory_space<hbm>>
      %dma_start3A_16 = tpu.memref_slice %arg3[%mul3A_11] : memref<32768xf32, #tpu.memory_space<hbm>> -> memref<1024xf32, #tpu.memory_space<hbm>>
      %dma_start3A_17 = arith.constant 0 : i32
      %dma_start3A_18 = tpu.memref_slice %arg6[%dma_start3A_17] : memref<1056xf32, #tpu.memory_space<vmem>> -> memref<1024xf32, #tpu.memory_space<vmem>>
      tpu.enqueue_dma source(%dma_start3A_18 : memref<1024xf32, #tpu.memory_space<vmem>>) target(%dma_start3A_16 : memref<1024xf32, #tpu.memory_space<hbm>>) target_semaphore(%run_scoped3A : memref<!tpu.dma_semaphore, #tpu.memory_space<semaphore_mem>>)
      %dma_wait3A = arith.constant 0 : i32
      %dma_wait3A_19 = tpu.memref_slice %arg6[%dma_wait3A] : memref<1056xf32, #tpu.memory_space<vmem>> -> memref<1024xf32, #tpu.memory_space<vmem>>
      %dma_wait3A_20 = tpu.memref_slice %arg3[%mul3A_11] : memref<32768xf32, #tpu.memory_space<hbm>> -> memref<1024xf32, #tpu.memory_space<hbm>>
      %dma_wait3A_21 = tpu.memref_slice %arg3[%mul3A_11] : memref<32768xf32, #tpu.memory_space<hbm>> -> memref<1024xf32, #tpu.memory_space<hbm>>
      %dma_wait3A_22 = arith.constant 0 : i32
      %dma_wait3A_23 = tpu.memref_slice %arg6[%dma_wait3A_22] : memref<1056xf32, #tpu.memory_space<vmem>> -> memref<1024xf32, #tpu.memory_space<vmem>>
      tpu.wait_dma2 semaphore(%run_scoped3A : memref<!tpu.dma_semaphore, #tpu.memory_space<semaphore_mem>>) src(%dma_wait3A_23 : memref<1024xf32, #tpu.memory_space<vmem>>) dst(%dma_wait3A_21 : memref<1024xf32, #tpu.memory_space<hbm>>)
      tpu.yield
    }) : () -> ()
    %mul3A_12 = arith.constant 8 : i32
    %mul3A_13 = arith.muli %mul3A_2, %mul3A_12 : i32
    "tpu.region"() ({
      %run_scoped3A = tpu.sem_alloc : memref<!tpu.dma_semaphore, #tpu.memory_space<semaphore_mem>>
      %dma_start3A = arith.constant 0 : i32
      %dma_start3A_14 = tpu.memref_slice %arg7[%dma_start3A] : memref<1056xi32, #tpu.memory_space<vmem>> -> memref<1024xi32, #tpu.memory_space<vmem>>
      %dma_start3A_15 = tpu.memref_slice %arg4[%mul3A_13] : memref<32768xi32, #tpu.memory_space<hbm>> -> memref<1024xi32, #tpu.memory_space<hbm>>
      %dma_start3A_16 = tpu.memref_slice %arg4[%mul3A_13] : memref<32768xi32, #tpu.memory_space<hbm>> -> memref<1024xi32, #tpu.memory_space<hbm>>
      %dma_start3A_17 = arith.constant 0 : i32
      %dma_start3A_18 = tpu.memref_slice %arg7[%dma_start3A_17] : memref<1056xi32, #tpu.memory_space<vmem>> -> memref<1024xi32, #tpu.memory_space<vmem>>
      tpu.enqueue_dma source(%dma_start3A_18 : memref<1024xi32, #tpu.memory_space<vmem>>) target(%dma_start3A_16 : memref<1024xi32, #tpu.memory_space<hbm>>) target_semaphore(%run_scoped3A : memref<!tpu.dma_semaphore, #tpu.memory_space<semaphore_mem>>)
      %dma_wait3A = arith.constant 0 : i32
      %dma_wait3A_19 = tpu.memref_slice %arg7[%dma_wait3A] : memref<1056xi32, #tpu.memory_space<vmem>> -> memref<1024xi32, #tpu.memory_space<vmem>>
      %dma_wait3A_20 = tpu.memref_slice %arg4[%mul3A_13] : memref<32768xi32, #tpu.memory_space<hbm>> -> memref<1024xi32, #tpu.memory_space<hbm>>
      %dma_wait3A_21 = tpu.memref_slice %arg4[%mul3A_13] : memref<32768xi32, #tpu.memory_space<hbm>> -> memref<1024xi32, #tpu.memory_space<hbm>>
      %dma_wait3A_22 = arith.constant 0 : i32
      %dma_wait3A_23 = tpu.memref_slice %arg7[%dma_wait3A_22] : memref<1056xi32, #tpu.memory_space<vmem>> -> memref<1024xi32, #tpu.memory_space<vmem>>
      tpu.wait_dma2 semaphore(%run_scoped3A : memref<!tpu.dma_semaphore, #tpu.memory_space<semaphore_mem>>) src(%dma_wait3A_23 : memref<1024xi32, #tpu.memory_space<vmem>>) dst(%dma_wait3A_21 : memref<1024xi32, #tpu.memory_space<hbm>>)
      tpu.yield
    }) : () -> ()
    return
  }
}

#map = affine_map<(d0, d1) -> (0, 0)>
#map1 = affine_map<(d0, d1) -> (0)>
module attributes {stable_mosaic.version = 14 : i64} {
  func.func @sc_topk(%arg0: i32, %arg1: i32, %arg2: memref<4096x64xf32, #tpu.memory_space<hbm>>, %arg3: memref<32768xf32, #tpu.memory_space<hbm>>, %arg4: memref<32768xi32, #tpu.memory_space<hbm>>, %arg5: memref<128x64xf32, #tpu.memory_space<vmem>>, %arg6: memref<1056xf32, #tpu.memory_space<vmem>>, %arg7: memref<1056xi32, #tpu.memory_space<vmem>>) attributes {dimension_semantics = [#tpu.dimension_semantics<core_parallel>, #tpu.dimension_semantics<subcore_parallel>], iteration_bounds = array<i64: 2, 16>, scalar_prefetch = 0 : i64, scratch_operands = 3 : i64, tpu.core_type = #tpu.core_type<sc_vector_subcore>, window_params = [{transform_indices = #map}, {transform_indices = #map1}, {transform_indices = #map1}]} {
    %mul3A = arith.constant 2 : i32
    %mul3A_0 = arith.muli %arg1, %mul3A : i32
    %add3A = arith.addi %mul3A_0, %arg0 : i32
    %mul3A_1 = arith.constant 128 : i32
    %mul3A_2 = arith.muli %add3A, %mul3A_1 : i32
    "tpu.region"() ({
      %run_scoped3A = tpu.sem_alloc : memref<!tpu.dma_semaphore, #tpu.memory_space<semaphore_mem>>
      %dma_start3A = arith.constant 0 : i32
      %dma_start3A_14 = tpu.memref_slice %arg2[%mul3A_2, %dma_start3A] : memref<4096x64xf32, #tpu.memory_space<hbm>> -> memref<128x64xf32, #tpu.memory_space<hbm>>
      %dma_start3A_15 = arith.constant 0 : i32
      %dma_start3A_16 = tpu.memref_slice %arg2[%mul3A_2, %dma_start3A_15] : memref<4096x64xf32, #tpu.memory_space<hbm>> -> memref<128x64xf32, #tpu.memory_space<hbm>>
      tpu.enqueue_dma source(%dma_start3A_16 : memref<128x64xf32, #tpu.memory_space<hbm>>) target(%arg5 : memref<128x64xf32, #tpu.memory_space<vmem>>) target_semaphore(%run_scoped3A : memref<!tpu.dma_semaphore, #tpu.memory_space<semaphore_mem>>)
      %dma_wait3A = arith.constant 0 : i32
      %dma_wait3A_17 = tpu.memref_slice %arg2[%mul3A_2, %dma_wait3A] : memref<4096x64xf32, #tpu.memory_space<hbm>> -> memref<128x64xf32, #tpu.memory_space<hbm>>
      %dma_wait3A_18 = arith.constant 0 : i32
      %dma_wait3A_19 = tpu.memref_slice %arg2[%mul3A_2, %dma_wait3A_18] : memref<4096x64xf32, #tpu.memory_space<hbm>> -> memref<128x64xf32, #tpu.memory_space<hbm>>
      tpu.wait_dma2 semaphore(%run_scoped3A : memref<!tpu.dma_semaphore, #tpu.memory_space<semaphore_mem>>) src(%dma_wait3A_19 : memref<128x64xf32, #tpu.memory_space<hbm>>) dst(%arg5 : memref<128x64xf32, #tpu.memory_space<vmem>>)
      tpu.yield
    }) : () -> ()
    %iota3A = tpu.iota {dimensions = array<i32: 0>} : vector<16xi32>
    %lt3A = arith.constant 8 : i32
    %lt3A_3 = vector.broadcast %lt3A : i32 to vector<16xi32>
    %lt3A_4 = arith.cmpi slt, %iota3A, %lt3A_3 : vector<16xi32>
    %scan3A = arith.constant 0 : i32
    %scan3A_5 = arith.constant 0 : i32
    %scan3A_6 = arith.constant 32 : i32
    %scan3A_7 = arith.addi %scan3A_5, %scan3A_6 : i32
    %scan3A_8 = arith.constant 1 : i32
    scf.for %scan3A_14 = %scan3A_5 to %scan3A_7 step %scan3A_8  : i32 {
      %mul3A_15 = arith.constant 4 : i32
      %mul3A_16 = arith.muli %scan3A_14, %mul3A_15 : i32
      %add3A_17 = arith.constant 0 : i32
      %add3A_18 = arith.addi %mul3A_16, %add3A_17 : i32
      %get3A = arith.index_cast %add3A_18 : i32 to index
      %get3A_19 = arith.constant 0 : index
      %get3A_20 = tpu.vector_load %arg5[%get3A, %get3A_19] {strides = array<i32>} : memref<128x64xf32, #tpu.memory_space<vmem>>, vector<16xf32>,
      %add3A_21 = arith.constant 0 : i32
      %add3A_22 = vector.broadcast %add3A_21 : i32 to vector<16xi32>
      %add3A_23 = arith.addi %iota3A, %add3A_22 : vector<16xi32>
      %masked_sort3A = arith.constant dense<true> : vector<16xi1>
      %masked_sort3A_24, %masked_sort3A_25, %masked_sort3A_26 = tpu.sort %get3A_20, %add3A_23 masked %masked_sort3A {descending = true} : (vector<16xf32>, vector<16xi32>, vector<16xi1>) -> (vector<16xi1>, vector<16xf32>, vector<16xi32>)
      %get3A_27 = arith.index_cast %add3A_18 : i32 to index
      %get3A_28 = arith.constant 16 : index
      %get3A_29 = tpu.vector_load %arg5[%get3A_27, %get3A_28] {strides = array<i32>} : memref<128x64xf32, #tpu.memory_space<vmem>>, vector<16xf32>,
      %add3A_30 = arith.constant 16 : i32
      %add3A_31 = vector.broadcast %add3A_30 : i32 to vector<16xi32>
      %add3A_32 = arith.addi %iota3A, %add3A_31 : vector<16xi32>
      %masked_sort3A_33 = arith.constant dense<true> : vector<16xi1>
      %masked_sort3A_34, %masked_sort3A_35, %masked_sort3A_36 = tpu.sort %get3A_29, %add3A_32 masked %masked_sort3A_33 {descending = true} : (vector<16xf32>, vector<16xi32>, vector<16xi1>) -> (vector<16xi1>, vector<16xf32>, vector<16xi32>)
      %get3A_37 = arith.index_cast %add3A_18 : i32 to index
      %get3A_38 = arith.constant 32 : index
      %get3A_39 = tpu.vector_load %arg5[%get3A_37, %get3A_38] {strides = array<i32>} : memref<128x64xf32, #tpu.memory_space<vmem>>, vector<16xf32>,
      %add3A_40 = arith.constant 32 : i32
      %add3A_41 = vector.broadcast %add3A_40 : i32 to vector<16xi32>
      %add3A_42 = arith.addi %iota3A, %add3A_41 : vector<16xi32>
      %masked_sort3A_43 = arith.constant dense<true> : vector<16xi1>
      %masked_sort3A_44, %masked_sort3A_45, %masked_sort3A_46 = tpu.sort %get3A_39, %add3A_42 masked %masked_sort3A_43 {descending = true} : (vector<16xf32>, vector<16xi32>, vector<16xi1>) -> (vector<16xi1>, vector<16xf32>, vector<16xi32>)
      %get3A_47 = arith.index_cast %add3A_18 : i32 to index
      %get3A_48 = arith.constant 48 : index
      %get3A_49 = tpu.vector_load %arg5[%get3A_47, %get3A_48] {strides = array<i32>} : memref<128x64xf32, #tpu.memory_space<vmem>>, vector<16xf32>,
      %add3A_50 = arith.constant 48 : i32
      %add3A_51 = vector.broadcast %add3A_50 : i32 to vector<16xi32>
      %add3A_52 = arith.addi %iota3A, %add3A_51 : vector<16xi32>
      %masked_sort3A_53 = arith.constant dense<true> : vector<16xi1>
      %masked_sort3A_54, %masked_sort3A_55, %masked_sort3A_56 = tpu.sort %get3A_49, %add3A_52 masked %masked_sort3A_53 {descending = true} : (vector<16xf32>, vector<16xi32>, vector<16xi1>) -> (vector<16xi1>, vector<16xf32>, vector<16xi32>)
      %rev3A = arith.constant 15 : i32
      %rev3A_57 = vector.broadcast %rev3A : i32 to vector<16xi32>
      %rev3A_58 = tpu.iota {dimensions = array<i32: 0>} : vector<16xi32>
      %rev3A_59 = arith.subi %rev3A_57, %rev3A_58 : vector<16xi32>
      %rev3A_60 = tpu.dynamic_gather %masked_sort3A_35[%rev3A_59] in [0] : vector<16xf32>, vector<16xi32> -> vector<16xf32>
      %rev3A_61 = arith.constant 15 : i32
      %rev3A_62 = vector.broadcast %rev3A_61 : i32 to vector<16xi32>
      %rev3A_63 = tpu.iota {dimensions = array<i32: 0>} : vector<16xi32>
      %rev3A_64 = arith.subi %rev3A_62, %rev3A_63 : vector<16xi32>
      %rev3A_65 = tpu.dynamic_gather %masked_sort3A_36[%rev3A_64] in [0] : vector<16xi32>, vector<16xi32> -> vector<16xi32>
      %ge3A = arith.cmpf oge, %masked_sort3A_25, %rev3A_60 : vector<16xf32>
      %select_n3A = arith.select %ge3A, %masked_sort3A_25, %rev3A_60 : vector<16xi1>, vector<16xf32>
      %select_n3A_66 = arith.select %ge3A, %masked_sort3A_26, %rev3A_65 : vector<16xi1>, vector<16xi32>
      %masked_sort3A_67 = arith.constant dense<true> : vector<16xi1>
      %masked_sort3A_68, %masked_sort3A_69, %masked_sort3A_70 = tpu.sort %select_n3A, %select_n3A_66 masked %masked_sort3A_67 {descending = true} : (vector<16xf32>, vector<16xi32>, vector<16xi1>) -> (vector<16xi1>, vector<16xf32>, vector<16xi32>)
      %rev3A_71 = arith.constant 15 : i32
      %rev3A_72 = vector.broadcast %rev3A_71 : i32 to vector<16xi32>
      %rev3A_73 = tpu.iota {dimensions = array<i32: 0>} : vector<16xi32>
      %rev3A_74 = arith.subi %rev3A_72, %rev3A_73 : vector<16xi32>
      %rev3A_75 = tpu.dynamic_gather %masked_sort3A_55[%rev3A_74] in [0] : vector<16xf32>, vector<16xi32> -> vector<16xf32>
      %rev3A_76 = arith.constant 15 : i32
      %rev3A_77 = vector.broadcast %rev3A_76 : i32 to vector<16xi32>
      %rev3A_78 = tpu.iota {dimensions = array<i32: 0>} : vector<16xi32>
      %rev3A_79 = arith.subi %rev3A_77, %rev3A_78 : vector<16xi32>
      %rev3A_80 = tpu.dynamic_gather %masked_sort3A_56[%rev3A_79] in [0] : vector<16xi32>, vector<16xi32> -> vector<16xi32>
      %ge3A_81 = arith.cmpf oge, %masked_sort3A_45, %rev3A_75 : vector<16xf32>
      %select_n3A_82 = arith.select %ge3A_81, %masked_sort3A_45, %rev3A_75 : vector<16xi1>, vector<16xf32>
      %select_n3A_83 = arith.select %ge3A_81, %masked_sort3A_46, %rev3A_80 : vector<16xi1>, vector<16xi32>
      %masked_sort3A_84 = arith.constant dense<true> : vector<16xi1>
      %masked_sort3A_85, %masked_sort3A_86, %masked_sort3A_87 = tpu.sort %select_n3A_82, %select_n3A_83 masked %masked_sort3A_84 {descending = true} : (vector<16xf32>, vector<16xi32>, vector<16xi1>) -> (vector<16xi1>, vector<16xf32>, vector<16xi32>)
      %rev3A_88 = arith.constant 15 : i32
      %rev3A_89 = vector.broadcast %rev3A_88 : i32 to vector<16xi32>
      %rev3A_90 = tpu.iota {dimensions = array<i32: 0>} : vector<16xi32>
      %rev3A_91 = arith.subi %rev3A_89, %rev3A_90 : vector<16xi32>
      %rev3A_92 = tpu.dynamic_gather %masked_sort3A_86[%rev3A_91] in [0] : vector<16xf32>, vector<16xi32> -> vector<16xf32>
      %rev3A_93 = arith.constant 15 : i32
      %rev3A_94 = vector.broadcast %rev3A_93 : i32 to vector<16xi32>
      %rev3A_95 = tpu.iota {dimensions = array<i32: 0>} : vector<16xi32>
      %rev3A_96 = arith.subi %rev3A_94, %rev3A_95 : vector<16xi32>
      %rev3A_97 = tpu.dynamic_gather %masked_sort3A_87[%rev3A_96] in [0] : vector<16xi32>, vector<16xi32> -> vector<16xi32>
      %ge3A_98 = arith.cmpf oge, %masked_sort3A_69, %rev3A_92 : vector<16xf32>
      %select_n3A_99 = arith.select %ge3A_98, %masked_sort3A_69, %rev3A_92 : vector<16xi1>, vector<16xf32>
      %select_n3A_100 = arith.select %ge3A_98, %masked_sort3A_70, %rev3A_97 : vector<16xi1>, vector<16xi32>
      %masked_sort3A_101 = arith.constant dense<true> : vector<16xi1>
      %masked_sort3A_102, %masked_sort3A_103, %masked_sort3A_104 = tpu.sort %select_n3A_99, %select_n3A_100 masked %masked_sort3A_101 {descending = true} : (vector<16xf32>, vector<16xi32>, vector<16xi1>) -> (vector<16xi1>, vector<16xf32>, vector<16xi32>)
      %reduce_max3A = arith.constant true
      %reduce_max3A_105 = vector.broadcast %reduce_max3A : i1 to vector<16xi1>
      %reduce_max3A_106 = tpu.scan <max>, %masked_sort3A_103 masked %reduce_max3A_105 : vector<16xf32>, vector<16xi1> -> vector<16xf32>
      %reduce_max3A_107 = vector.extract %reduce_max3A_106[15] : f32 from vector<16xf32>
      %sub3A = vector.broadcast %reduce_max3A_107 : f32 to vector<16xf32>
      %sub3A_108 = arith.subf %masked_sort3A_103, %sub3A : vector<16xf32>
      %exp3A = math.exp %sub3A_108 : vector<16xf32>
      %jit3A = arith.constant 0.000000e+00 : f32
      %broadcast_in_dim3A = vector.broadcast %jit3A : f32 to vector<16xf32>
      %select_n3A_109 = arith.select %lt3A_4, %exp3A, %broadcast_in_dim3A : vector<16xi1>, vector<16xf32>
      %reduce_sum3A = arith.constant true
      %reduce_sum3A_110 = vector.broadcast %reduce_sum3A : i1 to vector<16xi1>
      %reduce_sum3A_111 = tpu.scan <sum>, %select_n3A_109 masked %reduce_sum3A_110 : vector<16xf32>, vector<16xi1> -> vector<16xf32>
      %reduce_sum3A_112 = vector.extract %reduce_sum3A_111[15] : f32 from vector<16xf32>
      %div3A = vector.broadcast %reduce_sum3A_112 : f32 to vector<16xf32>
      %div3A_113 = arith.divf %select_n3A_109, %div3A : vector<16xf32>
      %mul3A_114 = arith.constant 8 : i32
      %mul3A_115 = arith.muli %add3A_18, %mul3A_114 : i32
      %swap3A = arith.index_cast %mul3A_115 : i32 to index
      %swap3A_116 = tpu.vector_load %arg6[%swap3A] {strides = array<i32>} : memref<1056xf32, #tpu.memory_space<vmem>>, vector<16xf32>,
      tpu.vector_store %arg6[%swap3A], %div3A_113 {strides = array<i32>} : memref<1056xf32, #tpu.memory_space<vmem>>, vector<16xf32>,
      %mul3A_117 = arith.constant 8 : i32
      %mul3A_118 = arith.muli %add3A_18, %mul3A_117 : i32
      %swap3A_119 = arith.index_cast %mul3A_118 : i32 to index
      %swap3A_120 = tpu.vector_load %arg7[%swap3A_119] {strides = array<i32>} : memref<1056xi32, #tpu.memory_space<vmem>>, vector<16xi32>,
      tpu.vector_store %arg7[%swap3A_119], %masked_sort3A_104 {strides = array<i32>} : memref<1056xi32, #tpu.memory_space<vmem>>, vector<16xi32>,
      %mul3A_121 = arith.constant 4 : i32
      %mul3A_122 = arith.muli %scan3A_14, %mul3A_121 : i32
      %add3A_123 = arith.constant 1 : i32
      %add3A_124 = arith.addi %mul3A_122, %add3A_123 : i32
      %get3A_125 = arith.index_cast %add3A_124 : i32 to index
      %get3A_126 = arith.constant 0 : index
      %get3A_127 = tpu.vector_load %arg5[%get3A_125, %get3A_126] {strides = array<i32>} : memref<128x64xf32, #tpu.memory_space<vmem>>, vector<16xf32>,
      %add3A_128 = arith.constant 0 : i32
      %add3A_129 = vector.broadcast %add3A_128 : i32 to vector<16xi32>
      %add3A_130 = arith.addi %iota3A, %add3A_129 : vector<16xi32>
      %masked_sort3A_131 = arith.constant dense<true> : vector<16xi1>
      %masked_sort3A_132, %masked_sort3A_133, %masked_sort3A_134 = tpu.sort %get3A_127, %add3A_130 masked %masked_sort3A_131 {descending = true} : (vector<16xf32>, vector<16xi32>, vector<16xi1>) -> (vector<16xi1>, vector<16xf32>, vector<16xi32>)
      %get3A_135 = arith.index_cast %add3A_124 : i32 to index
      %get3A_136 = arith.constant 16 : index
      %get3A_137 = tpu.vector_load %arg5[%get3A_135, %get3A_136] {strides = array<i32>} : memref<128x64xf32, #tpu.memory_space<vmem>>, vector<16xf32>,
      %add3A_138 = arith.constant 16 : i32
      %add3A_139 = vector.broadcast %add3A_138 : i32 to vector<16xi32>
      %add3A_140 = arith.addi %iota3A, %add3A_139 : vector<16xi32>
      %masked_sort3A_141 = arith.constant dense<true> : vector<16xi1>
      %masked_sort3A_142, %masked_sort3A_143, %masked_sort3A_144 = tpu.sort %get3A_137, %add3A_140 masked %masked_sort3A_141 {descending = true} : (vector<16xf32>, vector<16xi32>, vector<16xi1>) -> (vector<16xi1>, vector<16xf32>, vector<16xi32>)
      %get3A_145 = arith.index_cast %add3A_124 : i32 to index
      %get3A_146 = arith.constant 32 : index
      %get3A_147 = tpu.vector_load %arg5[%get3A_145, %get3A_146] {strides = array<i32>} : memref<128x64xf32, #tpu.memory_space<vmem>>, vector<16xf32>,
      %add3A_148 = arith.constant 32 : i32
      %add3A_149 = vector.broadcast %add3A_148 : i32 to vector<16xi32>
      %add3A_150 = arith.addi %iota3A, %add3A_149 : vector<16xi32>
      %masked_sort3A_151 = arith.constant dense<true> : vector<16xi1>
      %masked_sort3A_152, %masked_sort3A_153, %masked_sort3A_154 = tpu.sort %get3A_147, %add3A_150 masked %masked_sort3A_151 {descending = true} : (vector<16xf32>, vector<16xi32>, vector<16xi1>) -> (vector<16xi1>, vector<16xf32>, vector<16xi32>)
      %get3A_155 = arith.index_cast %add3A_124 : i32 to index
      %get3A_156 = arith.constant 48 : index
      %get3A_157 = tpu.vector_load %arg5[%get3A_155, %get3A_156] {strides = array<i32>} : memref<128x64xf32, #tpu.memory_space<vmem>>, vector<16xf32>,
      %add3A_158 = arith.constant 48 : i32
      %add3A_159 = vector.broadcast %add3A_158 : i32 to vector<16xi32>
      %add3A_160 = arith.addi %iota3A, %add3A_159 : vector<16xi32>
      %masked_sort3A_161 = arith.constant dense<true> : vector<16xi1>
      %masked_sort3A_162, %masked_sort3A_163, %masked_sort3A_164 = tpu.sort %get3A_157, %add3A_160 masked %masked_sort3A_161 {descending = true} : (vector<16xf32>, vector<16xi32>, vector<16xi1>) -> (vector<16xi1>, vector<16xf32>, vector<16xi32>)
      %rev3A_165 = arith.constant 15 : i32
      %rev3A_166 = vector.broadcast %rev3A_165 : i32 to vector<16xi32>
      %rev3A_167 = tpu.iota {dimensions = array<i32: 0>} : vector<16xi32>
      %rev3A_168 = arith.subi %rev3A_166, %rev3A_167 : vector<16xi32>
      %rev3A_169 = tpu.dynamic_gather %masked_sort3A_143[%rev3A_168] in [0] : vector<16xf32>, vector<16xi32> -> vector<16xf32>
      %rev3A_170 = arith.constant 15 : i32
      %rev3A_171 = vector.broadcast %rev3A_170 : i32 to vector<16xi32>
      %rev3A_172 = tpu.iota {dimensions = array<i32: 0>} : vector<16xi32>
      %rev3A_173 = arith.subi %rev3A_171, %rev3A_172 : vector<16xi32>
      %rev3A_174 = tpu.dynamic_gather %masked_sort3A_144[%rev3A_173] in [0] : vector<16xi32>, vector<16xi32> -> vector<16xi32>
      %ge3A_175 = arith.cmpf oge, %masked_sort3A_133, %rev3A_169 : vector<16xf32>
      %select_n3A_176 = arith.select %ge3A_175, %masked_sort3A_133, %rev3A_169 : vector<16xi1>, vector<16xf32>
      %select_n3A_177 = arith.select %ge3A_175, %masked_sort3A_134, %rev3A_174 : vector<16xi1>, vector<16xi32>
      %masked_sort3A_178 = arith.constant dense<true> : vector<16xi1>
      %masked_sort3A_179, %masked_sort3A_180, %masked_sort3A_181 = tpu.sort %select_n3A_176, %select_n3A_177 masked %masked_sort3A_178 {descending = true} : (vector<16xf32>, vector<16xi32>, vector<16xi1>) -> (vector<16xi1>, vector<16xf32>, vector<16xi32>)
      %rev3A_182 = arith.constant 15 : i32
      %rev3A_183 = vector.broadcast %rev3A_182 : i32 to vector<16xi32>
      %rev3A_184 = tpu.iota {dimensions = array<i32: 0>} : vector<16xi32>
      %rev3A_185 = arith.subi %rev3A_183, %rev3A_184 : vector<16xi32>
      %rev3A_186 = tpu.dynamic_gather %masked_sort3A_163[%rev3A_185] in [0] : vector<16xf32>, vector<16xi32> -> vector<16xf32>
      %rev3A_187 = arith.constant 15 : i32
      %rev3A_188 = vector.broadcast %rev3A_187 : i32 to vector<16xi32>
      %rev3A_189 = tpu.iota {dimensions = array<i32: 0>} : vector<16xi32>
      %rev3A_190 = arith.subi %rev3A_188, %rev3A_189 : vector<16xi32>
      %rev3A_191 = tpu.dynamic_gather %masked_sort3A_164[%rev3A_190] in [0] : vector<16xi32>, vector<16xi32> -> vector<16xi32>
      %ge3A_192 = arith.cmpf oge, %masked_sort3A_153, %rev3A_186 : vector<16xf32>
      %select_n3A_193 = arith.select %ge3A_192, %masked_sort3A_153, %rev3A_186 : vector<16xi1>, vector<16xf32>
      %select_n3A_194 = arith.select %ge3A_192, %masked_sort3A_154, %rev3A_191 : vector<16xi1>, vector<16xi32>
      %masked_sort3A_195 = arith.constant dense<true> : vector<16xi1>
      %masked_sort3A_196, %masked_sort3A_197, %masked_sort3A_198 = tpu.sort %select_n3A_193, %select_n3A_194 masked %masked_sort3A_195 {descending = true} : (vector<16xf32>, vector<16xi32>, vector<16xi1>) -> (vector<16xi1>, vector<16xf32>, vector<16xi32>)
      %rev3A_199 = arith.constant 15 : i32
      %rev3A_200 = vector.broadcast %rev3A_199 : i32 to vector<16xi32>
      %rev3A_201 = tpu.iota {dimensions = array<i32: 0>} : vector<16xi32>
      %rev3A_202 = arith.subi %rev3A_200, %rev3A_201 : vector<16xi32>
      %rev3A_203 = tpu.dynamic_gather %masked_sort3A_197[%rev3A_202] in [0] : vector<16xf32>, vector<16xi32> -> vector<16xf32>
      %rev3A_204 = arith.constant 15 : i32
      %rev3A_205 = vector.broadcast %rev3A_204 : i32 to vector<16xi32>
      %rev3A_206 = tpu.iota {dimensions = array<i32: 0>} : vector<16xi32>
      %rev3A_207 = arith.subi %rev3A_205, %rev3A_206 : vector<16xi32>
      %rev3A_208 = tpu.dynamic_gather %masked_sort3A_198[%rev3A_207] in [0] : vector<16xi32>, vector<16xi32> -> vector<16xi32>
      %ge3A_209 = arith.cmpf oge, %masked_sort3A_180, %rev3A_203 : vector<16xf32>
      %select_n3A_210 = arith.select %ge3A_209, %masked_sort3A_180, %rev3A_203 : vector<16xi1>, vector<16xf32>
      %select_n3A_211 = arith.select %ge3A_209, %masked_sort3A_181, %rev3A_208 : vector<16xi1>, vector<16xi32>
      %masked_sort3A_212 = arith.constant dense<true> : vector<16xi1>
      %masked_sort3A_213, %masked_sort3A_214, %masked_sort3A_215 = tpu.sort %select_n3A_210, %select_n3A_211 masked %masked_sort3A_212 {descending = true} : (vector<16xf32>, vector<16xi32>, vector<16xi1>) -> (vector<16xi1>, vector<16xf32>, vector<16xi32>)
      %reduce_max3A_216 = arith.constant true
      %reduce_max3A_217 = vector.broadcast %reduce_max3A_216 : i1 to vector<16xi1>
      %reduce_max3A_218 = tpu.scan <max>, %masked_sort3A_214 masked %reduce_max3A_217 : vector<16xf32>, vector<16xi1> -> vector<16xf32>
      %reduce_max3A_219 = vector.extract %reduce_max3A_218[15] : f32 from vector<16xf32>
      %sub3A_220 = vector.broadcast %reduce_max3A_219 : f32 to vector<16xf32>
      %sub3A_221 = arith.subf %masked_sort3A_214, %sub3A_220 : vector<16xf32>
      %exp3A_222 = math.exp %sub3A_221 : vector<16xf32>
      %jit3A_223 = arith.constant 0.000000e+00 : f32
      %broadcast_in_dim3A_224 = vector.broadcast %jit3A_223 : f32 to vector<16xf32>
      %select_n3A_225 = arith.select %lt3A_4, %exp3A_222, %broadcast_in_dim3A_224 : vector<16xi1>, vector<16xf32>
      %reduce_sum3A_226 = arith.constant true
      %reduce_sum3A_227 = vector.broadcast %reduce_sum3A_226 : i1 to vector<16xi1>
      %reduce_sum3A_228 = tpu.scan <sum>, %select_n3A_225 masked %reduce_sum3A_227 : vector<16xf32>, vector<16xi1> -> vector<16xf32>
      %reduce_sum3A_229 = vector.extract %reduce_sum3A_228[15] : f32 from vector<16xf32>
      %div3A_230 = vector.broadcast %reduce_sum3A_229 : f32 to vector<16xf32>
      %div3A_231 = arith.divf %select_n3A_225, %div3A_230 : vector<16xf32>
      %mul3A_232 = arith.constant 8 : i32
      %mul3A_233 = arith.muli %add3A_124, %mul3A_232 : i32
      %swap3A_234 = arith.index_cast %mul3A_233 : i32 to index
      %swap3A_235 = tpu.vector_load %arg6[%swap3A_234] {strides = array<i32>} : memref<1056xf32, #tpu.memory_space<vmem>>, vector<16xf32>,
      tpu.vector_store %arg6[%swap3A_234], %div3A_231 {strides = array<i32>} : memref<1056xf32, #tpu.memory_space<vmem>>, vector<16xf32>,
      %mul3A_236 = arith.constant 8 : i32
      %mul3A_237 = arith.muli %add3A_124, %mul3A_236 : i32
      %swap3A_238 = arith.index_cast %mul3A_237 : i32 to index
      %swap3A_239 = tpu.vector_load %arg7[%swap3A_238] {strides = array<i32>} : memref<1056xi32, #tpu.memory_space<vmem>>, vector<16xi32>,
      tpu.vector_store %arg7[%swap3A_238], %masked_sort3A_215 {strides = array<i32>} : memref<1056xi32, #tpu.memory_space<vmem>>, vector<16xi32>,
      %mul3A_240 = arith.constant 4 : i32
      %mul3A_241 = arith.muli %scan3A_14, %mul3A_240 : i32
      %add3A_242 = arith.constant 2 : i32
      %add3A_243 = arith.addi %mul3A_241, %add3A_242 : i32
      %get3A_244 = arith.index_cast %add3A_243 : i32 to index
      %get3A_245 = arith.constant 0 : index
      %get3A_246 = tpu.vector_load %arg5[%get3A_244, %get3A_245] {strides = array<i32>} : memref<128x64xf32, #tpu.memory_space<vmem>>, vector<16xf32>,
      %add3A_247 = arith.constant 0 : i32
      %add3A_248 = vector.broadcast %add3A_247 : i32 to vector<16xi32>
      %add3A_249 = arith.addi %iota3A, %add3A_248 : vector<16xi32>
      %masked_sort3A_250 = arith.constant dense<true> : vector<16xi1>
      %masked_sort3A_251, %masked_sort3A_252, %masked_sort3A_253 = tpu.sort %get3A_246, %add3A_249 masked %masked_sort3A_250 {descending = true} : (vector<16xf32>, vector<16xi32>, vector<16xi1>) -> (vector<16xi1>, vector<16xf32>, vector<16xi32>)
      %get3A_254 = arith.index_cast %add3A_243 : i32 to index
      %get3A_255 = arith.constant 16 : index
      %get3A_256 = tpu.vector_load %arg5[%get3A_254, %get3A_255] {strides = array<i32>} : memref<128x64xf32, #tpu.memory_space<vmem>>, vector<16xf32>,
      %add3A_257 = arith.constant 16 : i32
      %add3A_258 = vector.broadcast %add3A_257 : i32 to vector<16xi32>
      %add3A_259 = arith.addi %iota3A, %add3A_258 : vector<16xi32>
      %masked_sort3A_260 = arith.constant dense<true> : vector<16xi1>
      %masked_sort3A_261, %masked_sort3A_262, %masked_sort3A_263 = tpu.sort %get3A_256, %add3A_259 masked %masked_sort3A_260 {descending = true} : (vector<16xf32>, vector<16xi32>, vector<16xi1>) -> (vector<16xi1>, vector<16xf32>, vector<16xi32>)
      %get3A_264 = arith.index_cast %add3A_243 : i32 to index
      %get3A_265 = arith.constant 32 : index
      %get3A_266 = tpu.vector_load %arg5[%get3A_264, %get3A_265] {strides = array<i32>} : memref<128x64xf32, #tpu.memory_space<vmem>>, vector<16xf32>,
      %add3A_267 = arith.constant 32 : i32
      %add3A_268 = vector.broadcast %add3A_267 : i32 to vector<16xi32>
      %add3A_269 = arith.addi %iota3A, %add3A_268 : vector<16xi32>
      %masked_sort3A_270 = arith.constant dense<true> : vector<16xi1>
      %masked_sort3A_271, %masked_sort3A_272, %masked_sort3A_273 = tpu.sort %get3A_266, %add3A_269 masked %masked_sort3A_270 {descending = true} : (vector<16xf32>, vector<16xi32>, vector<16xi1>) -> (vector<16xi1>, vector<16xf32>, vector<16xi32>)
      %get3A_274 = arith.index_cast %add3A_243 : i32 to index
      %get3A_275 = arith.constant 48 : index
      %get3A_276 = tpu.vector_load %arg5[%get3A_274, %get3A_275] {strides = array<i32>} : memref<128x64xf32, #tpu.memory_space<vmem>>, vector<16xf32>,
      %add3A_277 = arith.constant 48 : i32
      %add3A_278 = vector.broadcast %add3A_277 : i32 to vector<16xi32>
      %add3A_279 = arith.addi %iota3A, %add3A_278 : vector<16xi32>
      %masked_sort3A_280 = arith.constant dense<true> : vector<16xi1>
      %masked_sort3A_281, %masked_sort3A_282, %masked_sort3A_283 = tpu.sort %get3A_276, %add3A_279 masked %masked_sort3A_280 {descending = true} : (vector<16xf32>, vector<16xi32>, vector<16xi1>) -> (vector<16xi1>, vector<16xf32>, vector<16xi32>)
      %rev3A_284 = arith.constant 15 : i32
      %rev3A_285 = vector.broadcast %rev3A_284 : i32 to vector<16xi32>
      %rev3A_286 = tpu.iota {dimensions = array<i32: 0>} : vector<16xi32>
      %rev3A_287 = arith.subi %rev3A_285, %rev3A_286 : vector<16xi32>
      %rev3A_288 = tpu.dynamic_gather %masked_sort3A_262[%rev3A_287] in [0] : vector<16xf32>, vector<16xi32> -> vector<16xf32>
      %rev3A_289 = arith.constant 15 : i32
      %rev3A_290 = vector.broadcast %rev3A_289 : i32 to vector<16xi32>
      %rev3A_291 = tpu.iota {dimensions = array<i32: 0>} : vector<16xi32>
      %rev3A_292 = arith.subi %rev3A_290, %rev3A_291 : vector<16xi32>
      %rev3A_293 = tpu.dynamic_gather %masked_sort3A_263[%rev3A_292] in [0] : vector<16xi32>, vector<16xi32> -> vector<16xi32>
      %ge3A_294 = arith.cmpf oge, %masked_sort3A_252, %rev3A_288 : vector<16xf32>
      %select_n3A_295 = arith.select %ge3A_294, %masked_sort3A_252, %rev3A_288 : vector<16xi1>, vector<16xf32>
      %select_n3A_296 = arith.select %ge3A_294, %masked_sort3A_253, %rev3A_293 : vector<16xi1>, vector<16xi32>
      %masked_sort3A_297 = arith.constant dense<true> : vector<16xi1>
      %masked_sort3A_298, %masked_sort3A_299, %masked_sort3A_300 = tpu.sort %select_n3A_295, %select_n3A_296 masked %masked_sort3A_297 {descending = true} : (vector<16xf32>, vector<16xi32>, vector<16xi1>) -> (vector<16xi1>, vector<16xf32>, vector<16xi32>)
      %rev3A_301 = arith.constant 15 : i32
      %rev3A_302 = vector.broadcast %rev3A_301 : i32 to vector<16xi32>
      %rev3A_303 = tpu.iota {dimensions = array<i32: 0>} : vector<16xi32>
      %rev3A_304 = arith.subi %rev3A_302, %rev3A_303 : vector<16xi32>
      %rev3A_305 = tpu.dynamic_gather %masked_sort3A_282[%rev3A_304] in [0] : vector<16xf32>, vector<16xi32> -> vector<16xf32>
      %rev3A_306 = arith.constant 15 : i32
      %rev3A_307 = vector.broadcast %rev3A_306 : i32 to vector<16xi32>
      %rev3A_308 = tpu.iota {dimensions = array<i32: 0>} : vector<16xi32>
      %rev3A_309 = arith.subi %rev3A_307, %rev3A_308 : vector<16xi32>
      %rev3A_310 = tpu.dynamic_gather %masked_sort3A_283[%rev3A_309] in [0] : vector<16xi32>, vector<16xi32> -> vector<16xi32>
      %ge3A_311 = arith.cmpf oge, %masked_sort3A_272, %rev3A_305 : vector<16xf32>
      %select_n3A_312 = arith.select %ge3A_311, %masked_sort3A_272, %rev3A_305 : vector<16xi1>, vector<16xf32>
      %select_n3A_313 = arith.select %ge3A_311, %masked_sort3A_273, %rev3A_310 : vector<16xi1>, vector<16xi32>
      %masked_sort3A_314 = arith.constant dense<true> : vector<16xi1>
      %masked_sort3A_315, %masked_sort3A_316, %masked_sort3A_317 = tpu.sort %select_n3A_312, %select_n3A_313 masked %masked_sort3A_314 {descending = true} : (vector<16xf32>, vector<16xi32>, vector<16xi1>) -> (vector<16xi1>, vector<16xf32>, vector<16xi32>)
      %rev3A_318 = arith.constant 15 : i32
      %rev3A_319 = vector.broadcast %rev3A_318 : i32 to vector<16xi32>
      %rev3A_320 = tpu.iota {dimensions = array<i32: 0>} : vector<16xi32>
      %rev3A_321 = arith.subi %rev3A_319, %rev3A_320 : vector<16xi32>
      %rev3A_322 = tpu.dynamic_gather %masked_sort3A_316[%rev3A_321] in [0] : vector<16xf32>, vector<16xi32> -> vector<16xf32>
      %rev3A_323 = arith.constant 15 : i32
      %rev3A_324 = vector.broadcast %rev3A_323 : i32 to vector<16xi32>
      %rev3A_325 = tpu.iota {dimensions = array<i32: 0>} : vector<16xi32>
      %rev3A_326 = arith.subi %rev3A_324, %rev3A_325 : vector<16xi32>
      %rev3A_327 = tpu.dynamic_gather %masked_sort3A_317[%rev3A_326] in [0] : vector<16xi32>, vector<16xi32> -> vector<16xi32>
      %ge3A_328 = arith.cmpf oge, %masked_sort3A_299, %rev3A_322 : vector<16xf32>
      %select_n3A_329 = arith.select %ge3A_328, %masked_sort3A_299, %rev3A_322 : vector<16xi1>, vector<16xf32>
      %select_n3A_330 = arith.select %ge3A_328, %masked_sort3A_300, %rev3A_327 : vector<16xi1>, vector<16xi32>
      %masked_sort3A_331 = arith.constant dense<true> : vector<16xi1>
      %masked_sort3A_332, %masked_sort3A_333, %masked_sort3A_334 = tpu.sort %select_n3A_329, %select_n3A_330 masked %masked_sort3A_331 {descending = true} : (vector<16xf32>, vector<16xi32>, vector<16xi1>) -> (vector<16xi1>, vector<16xf32>, vector<16xi32>)
      %reduce_max3A_335 = arith.constant true
      %reduce_max3A_336 = vector.broadcast %reduce_max3A_335 : i1 to vector<16xi1>
      %reduce_max3A_337 = tpu.scan <max>, %masked_sort3A_333 masked %reduce_max3A_336 : vector<16xf32>, vector<16xi1> -> vector<16xf32>
      %reduce_max3A_338 = vector.extract %reduce_max3A_337[15] : f32 from vector<16xf32>
      %sub3A_339 = vector.broadcast %reduce_max3A_338 : f32 to vector<16xf32>
      %sub3A_340 = arith.subf %masked_sort3A_333, %sub3A_339 : vector<16xf32>
      %exp3A_341 = math.exp %sub3A_340 : vector<16xf32>
      %jit3A_342 = arith.constant 0.000000e+00 : f32
      %broadcast_in_dim3A_343 = vector.broadcast %jit3A_342 : f32 to vector<16xf32>
      %select_n3A_344 = arith.select %lt3A_4, %exp3A_341, %broadcast_in_dim3A_343 : vector<16xi1>, vector<16xf32>
      %reduce_sum3A_345 = arith.constant true
      %reduce_sum3A_346 = vector.broadcast %reduce_sum3A_345 : i1 to vector<16xi1>
      %reduce_sum3A_347 = tpu.scan <sum>, %select_n3A_344 masked %reduce_sum3A_346 : vector<16xf32>, vector<16xi1> -> vector<16xf32>
      %reduce_sum3A_348 = vector.extract %reduce_sum3A_347[15] : f32 from vector<16xf32>
      %div3A_349 = vector.broadcast %reduce_sum3A_348 : f32 to vector<16xf32>
      %div3A_350 = arith.divf %select_n3A_344, %div3A_349 : vector<16xf32>
      %mul3A_351 = arith.constant 8 : i32
      %mul3A_352 = arith.muli %add3A_243, %mul3A_351 : i32
      %swap3A_353 = arith.index_cast %mul3A_352 : i32 to index
      %swap3A_354 = tpu.vector_load %arg6[%swap3A_353] {strides = array<i32>} : memref<1056xf32, #tpu.memory_space<vmem>>, vector<16xf32>,
      tpu.vector_store %arg6[%swap3A_353], %div3A_350 {strides = array<i32>} : memref<1056xf32, #tpu.memory_space<vmem>>, vector<16xf32>,
      %mul3A_355 = arith.constant 8 : i32
      %mul3A_356 = arith.muli %add3A_243, %mul3A_355 : i32
      %swap3A_357 = arith.index_cast %mul3A_356 : i32 to index
      %swap3A_358 = tpu.vector_load %arg7[%swap3A_357] {strides = array<i32>} : memref<1056xi32, #tpu.memory_space<vmem>>, vector<16xi32>,
      tpu.vector_store %arg7[%swap3A_357], %masked_sort3A_334 {strides = array<i32>} : memref<1056xi32, #tpu.memory_space<vmem>>, vector<16xi32>,
      %mul3A_359 = arith.constant 4 : i32
      %mul3A_360 = arith.muli %scan3A_14, %mul3A_359 : i32
      %add3A_361 = arith.constant 3 : i32
      %add3A_362 = arith.addi %mul3A_360, %add3A_361 : i32
      %get3A_363 = arith.index_cast %add3A_362 : i32 to index
      %get3A_364 = arith.constant 0 : index
      %get3A_365 = tpu.vector_load %arg5[%get3A_363, %get3A_364] {strides = array<i32>} : memref<128x64xf32, #tpu.memory_space<vmem>>, vector<16xf32>,
      %add3A_366 = arith.constant 0 : i32
      %add3A_367 = vector.broadcast %add3A_366 : i32 to vector<16xi32>
      %add3A_368 = arith.addi %iota3A, %add3A_367 : vector<16xi32>
      %masked_sort3A_369 = arith.constant dense<true> : vector<16xi1>
      %masked_sort3A_370, %masked_sort3A_371, %masked_sort3A_372 = tpu.sort %get3A_365, %add3A_368 masked %masked_sort3A_369 {descending = true} : (vector<16xf32>, vector<16xi32>, vector<16xi1>) -> (vector<16xi1>, vector<16xf32>, vector<16xi32>)
      %get3A_373 = arith.index_cast %add3A_362 : i32 to index
      %get3A_374 = arith.constant 16 : index
      %get3A_375 = tpu.vector_load %arg5[%get3A_373, %get3A_374] {strides = array<i32>} : memref<128x64xf32, #tpu.memory_space<vmem>>, vector<16xf32>,
      %add3A_376 = arith.constant 16 : i32
      %add3A_377 = vector.broadcast %add3A_376 : i32 to vector<16xi32>
      %add3A_378 = arith.addi %iota3A, %add3A_377 : vector<16xi32>
      %masked_sort3A_379 = arith.constant dense<true> : vector<16xi1>
      %masked_sort3A_380, %masked_sort3A_381, %masked_sort3A_382 = tpu.sort %get3A_375, %add3A_378 masked %masked_sort3A_379 {descending = true} : (vector<16xf32>, vector<16xi32>, vector<16xi1>) -> (vector<16xi1>, vector<16xf32>, vector<16xi32>)
      %get3A_383 = arith.index_cast %add3A_362 : i32 to index
      %get3A_384 = arith.constant 32 : index
      %get3A_385 = tpu.vector_load %arg5[%get3A_383, %get3A_384] {strides = array<i32>} : memref<128x64xf32, #tpu.memory_space<vmem>>, vector<16xf32>,
      %add3A_386 = arith.constant 32 : i32
      %add3A_387 = vector.broadcast %add3A_386 : i32 to vector<16xi32>
      %add3A_388 = arith.addi %iota3A, %add3A_387 : vector<16xi32>
      %masked_sort3A_389 = arith.constant dense<true> : vector<16xi1>
      %masked_sort3A_390, %masked_sort3A_391, %masked_sort3A_392 = tpu.sort %get3A_385, %add3A_388 masked %masked_sort3A_389 {descending = true} : (vector<16xf32>, vector<16xi32>, vector<16xi1>) -> (vector<16xi1>, vector<16xf32>, vector<16xi32>)
      %get3A_393 = arith.index_cast %add3A_362 : i32 to index
      %get3A_394 = arith.constant 48 : index
      %get3A_395 = tpu.vector_load %arg5[%get3A_393, %get3A_394] {strides = array<i32>} : memref<128x64xf32, #tpu.memory_space<vmem>>, vector<16xf32>,
      %add3A_396 = arith.constant 48 : i32
      %add3A_397 = vector.broadcast %add3A_396 : i32 to vector<16xi32>
      %add3A_398 = arith.addi %iota3A, %add3A_397 : vector<16xi32>
      %masked_sort3A_399 = arith.constant dense<true> : vector<16xi1>
      %masked_sort3A_400, %masked_sort3A_401, %masked_sort3A_402 = tpu.sort %get3A_395, %add3A_398 masked %masked_sort3A_399 {descending = true} : (vector<16xf32>, vector<16xi32>, vector<16xi1>) -> (vector<16xi1>, vector<16xf32>, vector<16xi32>)
      %rev3A_403 = arith.constant 15 : i32
      %rev3A_404 = vector.broadcast %rev3A_403 : i32 to vector<16xi32>
      %rev3A_405 = tpu.iota {dimensions = array<i32: 0>} : vector<16xi32>
      %rev3A_406 = arith.subi %rev3A_404, %rev3A_405 : vector<16xi32>
      %rev3A_407 = tpu.dynamic_gather %masked_sort3A_381[%rev3A_406] in [0] : vector<16xf32>, vector<16xi32> -> vector<16xf32>
      %rev3A_408 = arith.constant 15 : i32
      %rev3A_409 = vector.broadcast %rev3A_408 : i32 to vector<16xi32>
      %rev3A_410 = tpu.iota {dimensions = array<i32: 0>} : vector<16xi32>
      %rev3A_411 = arith.subi %rev3A_409, %rev3A_410 : vector<16xi32>
      %rev3A_412 = tpu.dynamic_gather %masked_sort3A_382[%rev3A_411] in [0] : vector<16xi32>, vector<16xi32> -> vector<16xi32>
      %ge3A_413 = arith.cmpf oge, %masked_sort3A_371, %rev3A_407 : vector<16xf32>
      %select_n3A_414 = arith.select %ge3A_413, %masked_sort3A_371, %rev3A_407 : vector<16xi1>, vector<16xf32>
      %select_n3A_415 = arith.select %ge3A_413, %masked_sort3A_372, %rev3A_412 : vector<16xi1>, vector<16xi32>
      %masked_sort3A_416 = arith.constant dense<true> : vector<16xi1>
      %masked_sort3A_417, %masked_sort3A_418, %masked_sort3A_419 = tpu.sort %select_n3A_414, %select_n3A_415 masked %masked_sort3A_416 {descending = true} : (vector<16xf32>, vector<16xi32>, vector<16xi1>) -> (vector<16xi1>, vector<16xf32>, vector<16xi32>)
      %rev3A_420 = arith.constant 15 : i32
      %rev3A_421 = vector.broadcast %rev3A_420 : i32 to vector<16xi32>
      %rev3A_422 = tpu.iota {dimensions = array<i32: 0>} : vector<16xi32>
      %rev3A_423 = arith.subi %rev3A_421, %rev3A_422 : vector<16xi32>
      %rev3A_424 = tpu.dynamic_gather %masked_sort3A_401[%rev3A_423] in [0] : vector<16xf32>, vector<16xi32> -> vector<16xf32>
      %rev3A_425 = arith.constant 15 : i32
      %rev3A_426 = vector.broadcast %rev3A_425 : i32 to vector<16xi32>
      %rev3A_427 = tpu.iota {dimensions = array<i32: 0>} : vector<16xi32>
      %rev3A_428 = arith.subi %rev3A_426, %rev3A_427 : vector<16xi32>
      %rev3A_429 = tpu.dynamic_gather %masked_sort3A_402[%rev3A_428] in [0] : vector<16xi32>, vector<16xi32> -> vector<16xi32>
      %ge3A_430 = arith.cmpf oge, %masked_sort3A_391, %rev3A_424 : vector<16xf32>
      %select_n3A_431 = arith.select %ge3A_430, %masked_sort3A_391, %rev3A_424 : vector<16xi1>, vector<16xf32>
      %select_n3A_432 = arith.select %ge3A_430, %masked_sort3A_392, %rev3A_429 : vector<16xi1>, vector<16xi32>
      %masked_sort3A_433 = arith.constant dense<true> : vector<16xi1>
      %masked_sort3A_434, %masked_sort3A_435, %masked_sort3A_436 = tpu.sort %select_n3A_431, %select_n3A_432 masked %masked_sort3A_433 {descending = true} : (vector<16xf32>, vector<16xi32>, vector<16xi1>) -> (vector<16xi1>, vector<16xf32>, vector<16xi32>)
      %rev3A_437 = arith.constant 15 : i32
      %rev3A_438 = vector.broadcast %rev3A_437 : i32 to vector<16xi32>
      %rev3A_439 = tpu.iota {dimensions = array<i32: 0>} : vector<16xi32>
      %rev3A_440 = arith.subi %rev3A_438, %rev3A_439 : vector<16xi32>
      %rev3A_441 = tpu.dynamic_gather %masked_sort3A_435[%rev3A_440] in [0] : vector<16xf32>, vector<16xi32> -> vector<16xf32>
      %rev3A_442 = arith.constant 15 : i32
      %rev3A_443 = vector.broadcast %rev3A_442 : i32 to vector<16xi32>
      %rev3A_444 = tpu.iota {dimensions = array<i32: 0>} : vector<16xi32>
      %rev3A_445 = arith.subi %rev3A_443, %rev3A_444 : vector<16xi32>
      %rev3A_446 = tpu.dynamic_gather %masked_sort3A_436[%rev3A_445] in [0] : vector<16xi32>, vector<16xi32> -> vector<16xi32>
      %ge3A_447 = arith.cmpf oge, %masked_sort3A_418, %rev3A_441 : vector<16xf32>
      %select_n3A_448 = arith.select %ge3A_447, %masked_sort3A_418, %rev3A_441 : vector<16xi1>, vector<16xf32>
      %select_n3A_449 = arith.select %ge3A_447, %masked_sort3A_419, %rev3A_446 : vector<16xi1>, vector<16xi32>
      %masked_sort3A_450 = arith.constant dense<true> : vector<16xi1>
      %masked_sort3A_451, %masked_sort3A_452, %masked_sort3A_453 = tpu.sort %select_n3A_448, %select_n3A_449 masked %masked_sort3A_450 {descending = true} : (vector<16xf32>, vector<16xi32>, vector<16xi1>) -> (vector<16xi1>, vector<16xf32>, vector<16xi32>)
      %reduce_max3A_454 = arith.constant true
      %reduce_max3A_455 = vector.broadcast %reduce_max3A_454 : i1 to vector<16xi1>
      %reduce_max3A_456 = tpu.scan <max>, %masked_sort3A_452 masked %reduce_max3A_455 : vector<16xf32>, vector<16xi1> -> vector<16xf32>
      %reduce_max3A_457 = vector.extract %reduce_max3A_456[15] : f32 from vector<16xf32>
      %sub3A_458 = vector.broadcast %reduce_max3A_457 : f32 to vector<16xf32>
      %sub3A_459 = arith.subf %masked_sort3A_452, %sub3A_458 : vector<16xf32>
      %exp3A_460 = math.exp %sub3A_459 : vector<16xf32>
      %jit3A_461 = arith.constant 0.000000e+00 : f32
      %broadcast_in_dim3A_462 = vector.broadcast %jit3A_461 : f32 to vector<16xf32>
      %select_n3A_463 = arith.select %lt3A_4, %exp3A_460, %broadcast_in_dim3A_462 : vector<16xi1>, vector<16xf32>
      %reduce_sum3A_464 = arith.constant true
      %reduce_sum3A_465 = vector.broadcast %reduce_sum3A_464 : i1 to vector<16xi1>
      %reduce_sum3A_466 = tpu.scan <sum>, %select_n3A_463 masked %reduce_sum3A_465 : vector<16xf32>, vector<16xi1> -> vector<16xf32>
      %reduce_sum3A_467 = vector.extract %reduce_sum3A_466[15] : f32 from vector<16xf32>
      %div3A_468 = vector.broadcast %reduce_sum3A_467 : f32 to vector<16xf32>
      %div3A_469 = arith.divf %select_n3A_463, %div3A_468 : vector<16xf32>
      %mul3A_470 = arith.constant 8 : i32
      %mul3A_471 = arith.muli %add3A_362, %mul3A_470 : i32
      %swap3A_472 = arith.index_cast %mul3A_471 : i32 to index
      %swap3A_473 = tpu.vector_load %arg6[%swap3A_472] {strides = array<i32>} : memref<1056xf32, #tpu.memory_space<vmem>>, vector<16xf32>,
      tpu.vector_store %arg6[%swap3A_472], %div3A_469 {strides = array<i32>} : memref<1056xf32, #tpu.memory_space<vmem>>, vector<16xf32>,
      %mul3A_474 = arith.constant 8 : i32
      %mul3A_475 = arith.muli %add3A_362, %mul3A_474 : i32
      %swap3A_476 = arith.index_cast %mul3A_475 : i32 to index
      %swap3A_477 = tpu.vector_load %arg7[%swap3A_476] {strides = array<i32>} : memref<1056xi32, #tpu.memory_space<vmem>>, vector<16xi32>,
      tpu.vector_store %arg7[%swap3A_476], %masked_sort3A_453 {strides = array<i32>} : memref<1056xi32, #tpu.memory_space<vmem>>, vector<16xi32>,
    }
    %scan3A_9 = arith.constant 32 : i32
    %mul3A_10 = arith.constant 8 : i32
    %mul3A_11 = arith.muli %mul3A_2, %mul3A_10 : i32
    "tpu.region"() ({
      %run_scoped3A = tpu.sem_alloc : memref<!tpu.dma_semaphore, #tpu.memory_space<semaphore_mem>>
      %dma_start3A = arith.constant 0 : i32
      %dma_start3A_14 = tpu.memref_slice %arg6[%dma_start3A] : memref<1056xf32, #tpu.memory_space<vmem>> -> memref<1024xf32, #tpu.memory_space<vmem>>
      %dma_start3A_15 = tpu.memref_slice %arg3[%mul3A_11] : memref<32768xf32, #tpu.memory_space<hbm>> -> memref<1024xf32, #tpu.memory_space<hbm>>
      %dma_start3A_16 = tpu.memref_slice %arg3[%mul3A_11] : memref<32768xf32, #tpu.memory_space<hbm>> -> memref<1024xf32, #tpu.memory_space<hbm>>
      %dma_start3A_17 = arith.constant 0 : i32
      %dma_start3A_18 = tpu.memref_slice %arg6[%dma_start3A_17] : memref<1056xf32, #tpu.memory_space<vmem>> -> memref<1024xf32, #tpu.memory_space<vmem>>
      tpu.enqueue_dma source(%dma_start3A_18 : memref<1024xf32, #tpu.memory_space<vmem>>) target(%dma_start3A_16 : memref<1024xf32, #tpu.memory_space<hbm>>) target_semaphore(%run_scoped3A : memref<!tpu.dma_semaphore, #tpu.memory_space<semaphore_mem>>)
      %dma_wait3A = arith.constant 0 : i32
      %dma_wait3A_19 = tpu.memref_slice %arg6[%dma_wait3A] : memref<1056xf32, #tpu.memory_space<vmem>> -> memref<1024xf32, #tpu.memory_space<vmem>>
      %dma_wait3A_20 = tpu.memref_slice %arg3[%mul3A_11] : memref<32768xf32, #tpu.memory_space<hbm>> -> memref<1024xf32, #tpu.memory_space<hbm>>
      %dma_wait3A_21 = tpu.memref_slice %arg3[%mul3A_11] : memref<32768xf32, #tpu.memory_space<hbm>> -> memref<1024xf32, #tpu.memory_space<hbm>>
      %dma_wait3A_22 = arith.constant 0 : i32
      %dma_wait3A_23 = tpu.memref_slice %arg6[%dma_wait3A_22] : memref<1056xf32, #tpu.memory_space<vmem>> -> memref<1024xf32, #tpu.memory_space<vmem>>
      tpu.wait_dma2 semaphore(%run_scoped3A : memref<!tpu.dma_semaphore, #tpu.memory_space<semaphore_mem>>) src(%dma_wait3A_23 : memref<1024xf32, #tpu.memory_space<vmem>>) dst(%dma_wait3A_21 : memref<1024xf32, #tpu.memory_space<hbm>>)
      tpu.yield
    }) : () -> ()
    %mul3A_12 = arith.constant 8 : i32
    %mul3A_13 = arith.muli %mul3A_2, %mul3A_12 : i32
    "tpu.region"() ({
      %run_scoped3A = tpu.sem_alloc : memref<!tpu.dma_semaphore, #tpu.memory_space<semaphore_mem>>
      %dma_start3A = arith.constant 0 : i32
      %dma_start3A_14 = tpu.memref_slice %arg7[%dma_start3A] : memref<1056xi32, #tpu.memory_space<vmem>> -> memref<1024xi32, #tpu.memory_space<vmem>>
      %dma_start3A_15 = tpu.memref_slice %arg4[%mul3A_13] : memref<32768xi32, #tpu.memory_space<hbm>> -> memref<1024xi32, #tpu.memory_space<hbm>>
      %dma_start3A_16 = tpu.memref_slice %arg4[%mul3A_13] : memref<32768xi32, #tpu.memory_space<hbm>> -> memref<1024xi32, #tpu.memory_space<hbm>>
      %dma_start3A_17 = arith.constant 0 : i32
      %dma_start3A_18 = tpu.memref_slice %arg7[%dma_start3A_17] : memref<1056xi32, #tpu.memory_space<vmem>> -> memref<1024xi32, #tpu.memory_space<vmem>>
      tpu.enqueue_dma source(%dma_start3A_18 : memref<1024xi32, #tpu.memory_space<vmem>>) target(%dma_start3A_16 : memref<1024xi32, #tpu.memory_space<hbm>>) target_semaphore(%run_scoped3A : memref<!tpu.dma_semaphore, #tpu.memory_space<semaphore_mem>>)
      %dma_wait3A = arith.constant 0 : i32
      %dma_wait3A_19 = tpu.memref_slice %arg7[%dma_wait3A] : memref<1056xi32, #tpu.memory_space<vmem>> -> memref<1024xi32, #tpu.memory_space<vmem>>
      %dma_wait3A_20 = tpu.memref_slice %arg4[%mul3A_13] : memref<32768xi32, #tpu.memory_space<hbm>> -> memref<1024xi32, #tpu.memory_space<hbm>>
      %dma_wait3A_21 = tpu.memref_slice %arg4[%mul3A_13] : memref<32768xi32, #tpu.memory_space<hbm>> -> memref<1024xi32, #tpu.memory_space<hbm>>
      %dma_wait3A_22 = arith.constant 0 : i32
      %dma_wait3A_23 = tpu.memref_slice %arg7[%dma_wait3A_22] : memref<1056xi32, #tpu.memory_space<vmem>> -> memref<1024xi32, #tpu.memory_space<vmem>>
      tpu.wait_dma2 semaphore(%run_scoped3A : memref<!tpu.dma_semaphore, #tpu.memory_space<semaphore_mem>>) src(%dma_wait3A_23 : memref<1024xi32, #tpu.memory_space<vmem>>) dst(%dma_wait3A_21 : memref<1024xi32, #tpu.memory_space<hbm>>)
      tpu.yield
    }) : () -> ()
    return
  }
}

#map = affine_map<(d0, d1) -> (0, 0)>
#map1 = affine_map<(d0, d1) -> (0)>
module attributes {stable_mosaic.version = 14 : i64} {
  func.func @sc_topk(%arg0: i32, %arg1: i32, %arg2: memref<4096x64xf32, #tpu.memory_space<hbm>>, %arg3: memref<32768xf32, #tpu.memory_space<hbm>>, %arg4: memref<32768xi32, #tpu.memory_space<hbm>>, %arg5: memref<128x64xf32, #tpu.memory_space<vmem>>, %arg6: memref<1056xf32, #tpu.memory_space<vmem>>, %arg7: memref<1056xi32, #tpu.memory_space<vmem>>) attributes {dimension_semantics = [#tpu.dimension_semantics<core_parallel>, #tpu.dimension_semantics<subcore_parallel>], iteration_bounds = array<i64: 2, 16>, scalar_prefetch = 0 : i64, scratch_operands = 3 : i64, tpu.core_type = #tpu.core_type<sc_vector_subcore>, window_params = [{transform_indices = #map}, {transform_indices = #map1}, {transform_indices = #map1}]} {
    %mul3A = arith.constant 2 : i32
    %mul3A_0 = arith.muli %arg1, %mul3A : i32
    %add3A = arith.addi %mul3A_0, %arg0 : i32
    %mul3A_1 = arith.constant 128 : i32
    %mul3A_2 = arith.muli %add3A, %mul3A_1 : i32
    "tpu.region"() ({
      %run_scoped3A = tpu.sem_alloc : memref<!tpu.dma_semaphore, #tpu.memory_space<semaphore_mem>>
      %dma_start3A = arith.constant 0 : i32
      %dma_start3A_14 = tpu.memref_slice %arg2[%mul3A_2, %dma_start3A] : memref<4096x64xf32, #tpu.memory_space<hbm>> -> memref<128x64xf32, #tpu.memory_space<hbm>>
      %dma_start3A_15 = arith.constant 0 : i32
      %dma_start3A_16 = tpu.memref_slice %arg2[%mul3A_2, %dma_start3A_15] : memref<4096x64xf32, #tpu.memory_space<hbm>> -> memref<128x64xf32, #tpu.memory_space<hbm>>
      tpu.enqueue_dma source(%dma_start3A_16 : memref<128x64xf32, #tpu.memory_space<hbm>>) target(%arg5 : memref<128x64xf32, #tpu.memory_space<vmem>>) target_semaphore(%run_scoped3A : memref<!tpu.dma_semaphore, #tpu.memory_space<semaphore_mem>>)
      %dma_wait3A = arith.constant 0 : i32
      %dma_wait3A_17 = tpu.memref_slice %arg2[%mul3A_2, %dma_wait3A] : memref<4096x64xf32, #tpu.memory_space<hbm>> -> memref<128x64xf32, #tpu.memory_space<hbm>>
      %dma_wait3A_18 = arith.constant 0 : i32
      %dma_wait3A_19 = tpu.memref_slice %arg2[%mul3A_2, %dma_wait3A_18] : memref<4096x64xf32, #tpu.memory_space<hbm>> -> memref<128x64xf32, #tpu.memory_space<hbm>>
      tpu.wait_dma2 semaphore(%run_scoped3A : memref<!tpu.dma_semaphore, #tpu.memory_space<semaphore_mem>>) src(%dma_wait3A_19 : memref<128x64xf32, #tpu.memory_space<hbm>>) dst(%arg5 : memref<128x64xf32, #tpu.memory_space<vmem>>)
      tpu.yield
    }) : () -> ()
    %iota3A = tpu.iota {dimensions = array<i32: 0>} : vector<16xi32>
    %lt3A = arith.constant 8 : i32
    %lt3A_3 = vector.broadcast %lt3A : i32 to vector<16xi32>
    %lt3A_4 = arith.cmpi slt, %iota3A, %lt3A_3 : vector<16xi32>
    %scan3A = arith.constant 0 : i32
    %scan3A_5 = arith.constant 0 : i32
    %scan3A_6 = arith.constant 32 : i32
    %scan3A_7 = arith.addi %scan3A_5, %scan3A_6 : i32
    %scan3A_8 = arith.constant 1 : i32
    scf.for %scan3A_14 = %scan3A_5 to %scan3A_7 step %scan3A_8  : i32 {
      %mul3A_15 = arith.constant 4 : i32
      %mul3A_16 = arith.muli %scan3A_14, %mul3A_15 : i32
      %add3A_17 = arith.constant 0 : i32
      %add3A_18 = arith.addi %mul3A_16, %add3A_17 : i32
      %get3A = arith.index_cast %add3A_18 : i32 to index
      %get3A_19 = arith.constant 0 : index
      %get3A_20 = tpu.vector_load %arg5[%get3A, %get3A_19] {strides = array<i32>} : memref<128x64xf32, #tpu.memory_space<vmem>>, vector<16xf32>,
      %add3A_21 = arith.constant 0 : i32
      %add3A_22 = vector.broadcast %add3A_21 : i32 to vector<16xi32>
      %add3A_23 = arith.addi %iota3A, %add3A_22 : vector<16xi32>
      %masked_sort3A = arith.constant dense<true> : vector<16xi1>
      %masked_sort3A_24, %masked_sort3A_25, %masked_sort3A_26 = tpu.sort %get3A_20, %add3A_23 masked %masked_sort3A {descending = true} : (vector<16xf32>, vector<16xi32>, vector<16xi1>) -> (vector<16xi1>, vector<16xf32>, vector<16xi32>)
      %get3A_27 = arith.index_cast %add3A_18 : i32 to index
      %get3A_28 = arith.constant 16 : index
      %get3A_29 = tpu.vector_load %arg5[%get3A_27, %get3A_28] {strides = array<i32>} : memref<128x64xf32, #tpu.memory_space<vmem>>, vector<16xf32>,
      %add3A_30 = arith.constant 16 : i32
      %add3A_31 = vector.broadcast %add3A_30 : i32 to vector<16xi32>
      %add3A_32 = arith.addi %iota3A, %add3A_31 : vector<16xi32>
      %masked_sort3A_33 = arith.constant dense<true> : vector<16xi1>
      %masked_sort3A_34, %masked_sort3A_35, %masked_sort3A_36 = tpu.sort %get3A_29, %add3A_32 masked %masked_sort3A_33 {descending = true} : (vector<16xf32>, vector<16xi32>, vector<16xi1>) -> (vector<16xi1>, vector<16xf32>, vector<16xi32>)
      %get3A_37 = arith.index_cast %add3A_18 : i32 to index
      %get3A_38 = arith.constant 32 : index
      %get3A_39 = tpu.vector_load %arg5[%get3A_37, %get3A_38] {strides = array<i32>} : memref<128x64xf32, #tpu.memory_space<vmem>>, vector<16xf32>,
      %add3A_40 = arith.constant 32 : i32
      %add3A_41 = vector.broadcast %add3A_40 : i32 to vector<16xi32>
      %add3A_42 = arith.addi %iota3A, %add3A_41 : vector<16xi32>
      %masked_sort3A_43 = arith.constant dense<true> : vector<16xi1>
      %masked_sort3A_44, %masked_sort3A_45, %masked_sort3A_46 = tpu.sort %get3A_39, %add3A_42 masked %masked_sort3A_43 {descending = true} : (vector<16xf32>, vector<16xi32>, vector<16xi1>) -> (vector<16xi1>, vector<16xf32>, vector<16xi32>)
      %get3A_47 = arith.index_cast %add3A_18 : i32 to index
      %get3A_48 = arith.constant 48 : index
      %get3A_49 = tpu.vector_load %arg5[%get3A_47, %get3A_48] {strides = array<i32>} : memref<128x64xf32, #tpu.memory_space<vmem>>, vector<16xf32>,
      %add3A_50 = arith.constant 48 : i32
      %add3A_51 = vector.broadcast %add3A_50 : i32 to vector<16xi32>
      %add3A_52 = arith.addi %iota3A, %add3A_51 : vector<16xi32>
      %masked_sort3A_53 = arith.constant dense<true> : vector<16xi1>
      %masked_sort3A_54, %masked_sort3A_55, %masked_sort3A_56 = tpu.sort %get3A_49, %add3A_52 masked %masked_sort3A_53 {descending = true} : (vector<16xf32>, vector<16xi32>, vector<16xi1>) -> (vector<16xi1>, vector<16xf32>, vector<16xi32>)
      %rev3A = arith.constant 15 : i32
      %rev3A_57 = vector.broadcast %rev3A : i32 to vector<16xi32>
      %rev3A_58 = tpu.iota {dimensions = array<i32: 0>} : vector<16xi32>
      %rev3A_59 = arith.subi %rev3A_57, %rev3A_58 : vector<16xi32>
      %rev3A_60 = tpu.dynamic_gather %masked_sort3A_35[%rev3A_59] in [0] : vector<16xf32>, vector<16xi32> -> vector<16xf32>
      %rev3A_61 = arith.constant 15 : i32
      %rev3A_62 = vector.broadcast %rev3A_61 : i32 to vector<16xi32>
      %rev3A_63 = tpu.iota {dimensions = array<i32: 0>} : vector<16xi32>
      %rev3A_64 = arith.subi %rev3A_62, %rev3A_63 : vector<16xi32>
      %rev3A_65 = tpu.dynamic_gather %masked_sort3A_36[%rev3A_64] in [0] : vector<16xi32>, vector<16xi32> -> vector<16xi32>
      %ge3A = arith.cmpf oge, %masked_sort3A_25, %rev3A_60 : vector<16xf32>
      %select_n3A = arith.select %ge3A, %masked_sort3A_25, %rev3A_60 : vector<16xi1>, vector<16xf32>
      %select_n3A_66 = arith.select %ge3A, %masked_sort3A_26, %rev3A_65 : vector<16xi1>, vector<16xi32>
      %masked_sort3A_67 = arith.constant dense<true> : vector<16xi1>
      %masked_sort3A_68, %masked_sort3A_69, %masked_sort3A_70 = tpu.sort %select_n3A, %select_n3A_66 masked %masked_sort3A_67 {descending = true} : (vector<16xf32>, vector<16xi32>, vector<16xi1>) -> (vector<16xi1>, vector<16xf32>, vector<16xi32>)
      %rev3A_71 = arith.constant 15 : i32
      %rev3A_72 = vector.broadcast %rev3A_71 : i32 to vector<16xi32>
      %rev3A_73 = tpu.iota {dimensions = array<i32: 0>} : vector<16xi32>
      %rev3A_74 = arith.subi %rev3A_72, %rev3A_73 : vector<16xi32>
      %rev3A_75 = tpu.dynamic_gather %masked_sort3A_55[%rev3A_74] in [0] : vector<16xf32>, vector<16xi32> -> vector<16xf32>
      %rev3A_76 = arith.constant 15 : i32
      %rev3A_77 = vector.broadcast %rev3A_76 : i32 to vector<16xi32>
      %rev3A_78 = tpu.iota {dimensions = array<i32: 0>} : vector<16xi32>
      %rev3A_79 = arith.subi %rev3A_77, %rev3A_78 : vector<16xi32>
      %rev3A_80 = tpu.dynamic_gather %masked_sort3A_56[%rev3A_79] in [0] : vector<16xi32>, vector<16xi32> -> vector<16xi32>
      %ge3A_81 = arith.cmpf oge, %masked_sort3A_45, %rev3A_75 : vector<16xf32>
      %select_n3A_82 = arith.select %ge3A_81, %masked_sort3A_45, %rev3A_75 : vector<16xi1>, vector<16xf32>
      %select_n3A_83 = arith.select %ge3A_81, %masked_sort3A_46, %rev3A_80 : vector<16xi1>, vector<16xi32>
      %masked_sort3A_84 = arith.constant dense<true> : vector<16xi1>
      %masked_sort3A_85, %masked_sort3A_86, %masked_sort3A_87 = tpu.sort %select_n3A_82, %select_n3A_83 masked %masked_sort3A_84 {descending = true} : (vector<16xf32>, vector<16xi32>, vector<16xi1>) -> (vector<16xi1>, vector<16xf32>, vector<16xi32>)
      %rev3A_88 = arith.constant 15 : i32
      %rev3A_89 = vector.broadcast %rev3A_88 : i32 to vector<16xi32>
      %rev3A_90 = tpu.iota {dimensions = array<i32: 0>} : vector<16xi32>
      %rev3A_91 = arith.subi %rev3A_89, %rev3A_90 : vector<16xi32>
      %rev3A_92 = tpu.dynamic_gather %masked_sort3A_86[%rev3A_91] in [0] : vector<16xf32>, vector<16xi32> -> vector<16xf32>
      %rev3A_93 = arith.constant 15 : i32
      %rev3A_94 = vector.broadcast %rev3A_93 : i32 to vector<16xi32>
      %rev3A_95 = tpu.iota {dimensions = array<i32: 0>} : vector<16xi32>
      %rev3A_96 = arith.subi %rev3A_94, %rev3A_95 : vector<16xi32>
      %rev3A_97 = tpu.dynamic_gather %masked_sort3A_87[%rev3A_96] in [0] : vector<16xi32>, vector<16xi32> -> vector<16xi32>
      %ge3A_98 = arith.cmpf oge, %masked_sort3A_69, %rev3A_92 : vector<16xf32>
      %select_n3A_99 = arith.select %ge3A_98, %masked_sort3A_69, %rev3A_92 : vector<16xi1>, vector<16xf32>
      %select_n3A_100 = arith.select %ge3A_98, %masked_sort3A_70, %rev3A_97 : vector<16xi1>, vector<16xi32>
      %masked_sort3A_101 = arith.constant dense<true> : vector<16xi1>
      %masked_sort3A_102, %masked_sort3A_103, %masked_sort3A_104 = tpu.sort %select_n3A_99, %select_n3A_100 masked %masked_sort3A_101 {descending = true} : (vector<16xf32>, vector<16xi32>, vector<16xi1>) -> (vector<16xi1>, vector<16xf32>, vector<16xi32>)
      %reduce_max3A = arith.constant true
      %reduce_max3A_105 = vector.broadcast %reduce_max3A : i1 to vector<16xi1>
      %reduce_max3A_106 = tpu.scan <max>, %masked_sort3A_103 masked %reduce_max3A_105 : vector<16xf32>, vector<16xi1> -> vector<16xf32>
      %reduce_max3A_107 = vector.extract %reduce_max3A_106[15] : f32 from vector<16xf32>
      %sub3A = vector.broadcast %reduce_max3A_107 : f32 to vector<16xf32>
      %sub3A_108 = arith.subf %masked_sort3A_103, %sub3A : vector<16xf32>
      %exp3A = math.exp %sub3A_108 : vector<16xf32>
      %jit3A = arith.constant 0.000000e+00 : f32
      %broadcast_in_dim3A = vector.broadcast %jit3A : f32 to vector<16xf32>
      %select_n3A_109 = arith.select %lt3A_4, %exp3A, %broadcast_in_dim3A : vector<16xi1>, vector<16xf32>
      %reduce_sum3A = arith.constant true
      %reduce_sum3A_110 = vector.broadcast %reduce_sum3A : i1 to vector<16xi1>
      %reduce_sum3A_111 = tpu.scan <sum>, %select_n3A_109 masked %reduce_sum3A_110 : vector<16xf32>, vector<16xi1> -> vector<16xf32>
      %reduce_sum3A_112 = vector.extract %reduce_sum3A_111[15] : f32 from vector<16xf32>
      %div3A = vector.broadcast %reduce_sum3A_112 : f32 to vector<16xf32>
      %div3A_113 = arith.divf %select_n3A_109, %div3A : vector<16xf32>
      %mul3A_114 = arith.constant 8 : i32
      %mul3A_115 = arith.muli %add3A_18, %mul3A_114 : i32
      %swap3A = arith.index_cast %mul3A_115 : i32 to index
      %swap3A_116 = tpu.vector_load %arg6[%swap3A] {strides = array<i32>} : memref<1056xf32, #tpu.memory_space<vmem>>, vector<16xf32>,
      tpu.vector_store %arg6[%swap3A], %div3A_113 {strides = array<i32>} : memref<1056xf32, #tpu.memory_space<vmem>>, vector<16xf32>,
      %mul3A_117 = arith.constant 8 : i32
      %mul3A_118 = arith.muli %add3A_18, %mul3A_117 : i32
      %swap3A_119 = arith.index_cast %mul3A_118 : i32 to index
      %swap3A_120 = tpu.vector_load %arg7[%swap3A_119] {strides = array<i32>} : memref<1056xi32, #tpu.memory_space<vmem>>, vector<16xi32>,
      tpu.vector_store %arg7[%swap3A_119], %masked_sort3A_104 {strides = array<i32>} : memref<1056xi32, #tpu.memory_space<vmem>>, vector<16xi32>,
      %mul3A_121 = arith.constant 4 : i32
      %mul3A_122 = arith.muli %scan3A_14, %mul3A_121 : i32
      %add3A_123 = arith.constant 1 : i32
      %add3A_124 = arith.addi %mul3A_122, %add3A_123 : i32
      %get3A_125 = arith.index_cast %add3A_124 : i32 to index
      %get3A_126 = arith.constant 0 : index
      %get3A_127 = tpu.vector_load %arg5[%get3A_125, %get3A_126] {strides = array<i32>} : memref<128x64xf32, #tpu.memory_space<vmem>>, vector<16xf32>,
      %add3A_128 = arith.constant 0 : i32
      %add3A_129 = vector.broadcast %add3A_128 : i32 to vector<16xi32>
      %add3A_130 = arith.addi %iota3A, %add3A_129 : vector<16xi32>
      %masked_sort3A_131 = arith.constant dense<true> : vector<16xi1>
      %masked_sort3A_132, %masked_sort3A_133, %masked_sort3A_134 = tpu.sort %get3A_127, %add3A_130 masked %masked_sort3A_131 {descending = true} : (vector<16xf32>, vector<16xi32>, vector<16xi1>) -> (vector<16xi1>, vector<16xf32>, vector<16xi32>)
      %get3A_135 = arith.index_cast %add3A_124 : i32 to index
      %get3A_136 = arith.constant 16 : index
      %get3A_137 = tpu.vector_load %arg5[%get3A_135, %get3A_136] {strides = array<i32>} : memref<128x64xf32, #tpu.memory_space<vmem>>, vector<16xf32>,
      %add3A_138 = arith.constant 16 : i32
      %add3A_139 = vector.broadcast %add3A_138 : i32 to vector<16xi32>
      %add3A_140 = arith.addi %iota3A, %add3A_139 : vector<16xi32>
      %masked_sort3A_141 = arith.constant dense<true> : vector<16xi1>
      %masked_sort3A_142, %masked_sort3A_143, %masked_sort3A_144 = tpu.sort %get3A_137, %add3A_140 masked %masked_sort3A_141 {descending = true} : (vector<16xf32>, vector<16xi32>, vector<16xi1>) -> (vector<16xi1>, vector<16xf32>, vector<16xi32>)
      %get3A_145 = arith.index_cast %add3A_124 : i32 to index
      %get3A_146 = arith.constant 32 : index
      %get3A_147 = tpu.vector_load %arg5[%get3A_145, %get3A_146] {strides = array<i32>} : memref<128x64xf32, #tpu.memory_space<vmem>>, vector<16xf32>,
      %add3A_148 = arith.constant 32 : i32
      %add3A_149 = vector.broadcast %add3A_148 : i32 to vector<16xi32>
      %add3A_150 = arith.addi %iota3A, %add3A_149 : vector<16xi32>
      %masked_sort3A_151 = arith.constant dense<true> : vector<16xi1>
      %masked_sort3A_152, %masked_sort3A_153, %masked_sort3A_154 = tpu.sort %get3A_147, %add3A_150 masked %masked_sort3A_151 {descending = true} : (vector<16xf32>, vector<16xi32>, vector<16xi1>) -> (vector<16xi1>, vector<16xf32>, vector<16xi32>)
      %get3A_155 = arith.index_cast %add3A_124 : i32 to index
      %get3A_156 = arith.constant 48 : index
      %get3A_157 = tpu.vector_load %arg5[%get3A_155, %get3A_156] {strides = array<i32>} : memref<128x64xf32, #tpu.memory_space<vmem>>, vector<16xf32>,
      %add3A_158 = arith.constant 48 : i32
      %add3A_159 = vector.broadcast %add3A_158 : i32 to vector<16xi32>
      %add3A_160 = arith.addi %iota3A, %add3A_159 : vector<16xi32>
      %masked_sort3A_161 = arith.constant dense<true> : vector<16xi1>
      %masked_sort3A_162, %masked_sort3A_163, %masked_sort3A_164 = tpu.sort %get3A_157, %add3A_160 masked %masked_sort3A_161 {descending = true} : (vector<16xf32>, vector<16xi32>, vector<16xi1>) -> (vector<16xi1>, vector<16xf32>, vector<16xi32>)
      %rev3A_165 = arith.constant 15 : i32
      %rev3A_166 = vector.broadcast %rev3A_165 : i32 to vector<16xi32>
      %rev3A_167 = tpu.iota {dimensions = array<i32: 0>} : vector<16xi32>
      %rev3A_168 = arith.subi %rev3A_166, %rev3A_167 : vector<16xi32>
      %rev3A_169 = tpu.dynamic_gather %masked_sort3A_143[%rev3A_168] in [0] : vector<16xf32>, vector<16xi32> -> vector<16xf32>
      %rev3A_170 = arith.constant 15 : i32
      %rev3A_171 = vector.broadcast %rev3A_170 : i32 to vector<16xi32>
      %rev3A_172 = tpu.iota {dimensions = array<i32: 0>} : vector<16xi32>
      %rev3A_173 = arith.subi %rev3A_171, %rev3A_172 : vector<16xi32>
      %rev3A_174 = tpu.dynamic_gather %masked_sort3A_144[%rev3A_173] in [0] : vector<16xi32>, vector<16xi32> -> vector<16xi32>
      %ge3A_175 = arith.cmpf oge, %masked_sort3A_133, %rev3A_169 : vector<16xf32>
      %select_n3A_176 = arith.select %ge3A_175, %masked_sort3A_133, %rev3A_169 : vector<16xi1>, vector<16xf32>
      %select_n3A_177 = arith.select %ge3A_175, %masked_sort3A_134, %rev3A_174 : vector<16xi1>, vector<16xi32>
      %masked_sort3A_178 = arith.constant dense<true> : vector<16xi1>
      %masked_sort3A_179, %masked_sort3A_180, %masked_sort3A_181 = tpu.sort %select_n3A_176, %select_n3A_177 masked %masked_sort3A_178 {descending = true} : (vector<16xf32>, vector<16xi32>, vector<16xi1>) -> (vector<16xi1>, vector<16xf32>, vector<16xi32>)
      %rev3A_182 = arith.constant 15 : i32
      %rev3A_183 = vector.broadcast %rev3A_182 : i32 to vector<16xi32>
      %rev3A_184 = tpu.iota {dimensions = array<i32: 0>} : vector<16xi32>
      %rev3A_185 = arith.subi %rev3A_183, %rev3A_184 : vector<16xi32>
      %rev3A_186 = tpu.dynamic_gather %masked_sort3A_163[%rev3A_185] in [0] : vector<16xf32>, vector<16xi32> -> vector<16xf32>
      %rev3A_187 = arith.constant 15 : i32
      %rev3A_188 = vector.broadcast %rev3A_187 : i32 to vector<16xi32>
      %rev3A_189 = tpu.iota {dimensions = array<i32: 0>} : vector<16xi32>
      %rev3A_190 = arith.subi %rev3A_188, %rev3A_189 : vector<16xi32>
      %rev3A_191 = tpu.dynamic_gather %masked_sort3A_164[%rev3A_190] in [0] : vector<16xi32>, vector<16xi32> -> vector<16xi32>
      %ge3A_192 = arith.cmpf oge, %masked_sort3A_153, %rev3A_186 : vector<16xf32>
      %select_n3A_193 = arith.select %ge3A_192, %masked_sort3A_153, %rev3A_186 : vector<16xi1>, vector<16xf32>
      %select_n3A_194 = arith.select %ge3A_192, %masked_sort3A_154, %rev3A_191 : vector<16xi1>, vector<16xi32>
      %masked_sort3A_195 = arith.constant dense<true> : vector<16xi1>
      %masked_sort3A_196, %masked_sort3A_197, %masked_sort3A_198 = tpu.sort %select_n3A_193, %select_n3A_194 masked %masked_sort3A_195 {descending = true} : (vector<16xf32>, vector<16xi32>, vector<16xi1>) -> (vector<16xi1>, vector<16xf32>, vector<16xi32>)
      %rev3A_199 = arith.constant 15 : i32
      %rev3A_200 = vector.broadcast %rev3A_199 : i32 to vector<16xi32>
      %rev3A_201 = tpu.iota {dimensions = array<i32: 0>} : vector<16xi32>
      %rev3A_202 = arith.subi %rev3A_200, %rev3A_201 : vector<16xi32>
      %rev3A_203 = tpu.dynamic_gather %masked_sort3A_197[%rev3A_202] in [0] : vector<16xf32>, vector<16xi32> -> vector<16xf32>
      %rev3A_204 = arith.constant 15 : i32
      %rev3A_205 = vector.broadcast %rev3A_204 : i32 to vector<16xi32>
      %rev3A_206 = tpu.iota {dimensions = array<i32: 0>} : vector<16xi32>
      %rev3A_207 = arith.subi %rev3A_205, %rev3A_206 : vector<16xi32>
      %rev3A_208 = tpu.dynamic_gather %masked_sort3A_198[%rev3A_207] in [0] : vector<16xi32>, vector<16xi32> -> vector<16xi32>
      %ge3A_209 = arith.cmpf oge, %masked_sort3A_180, %rev3A_203 : vector<16xf32>
      %select_n3A_210 = arith.select %ge3A_209, %masked_sort3A_180, %rev3A_203 : vector<16xi1>, vector<16xf32>
      %select_n3A_211 = arith.select %ge3A_209, %masked_sort3A_181, %rev3A_208 : vector<16xi1>, vector<16xi32>
      %masked_sort3A_212 = arith.constant dense<true> : vector<16xi1>
      %masked_sort3A_213, %masked_sort3A_214, %masked_sort3A_215 = tpu.sort %select_n3A_210, %select_n3A_211 masked %masked_sort3A_212 {descending = true} : (vector<16xf32>, vector<16xi32>, vector<16xi1>) -> (vector<16xi1>, vector<16xf32>, vector<16xi32>)
      %reduce_max3A_216 = arith.constant true
      %reduce_max3A_217 = vector.broadcast %reduce_max3A_216 : i1 to vector<16xi1>
      %reduce_max3A_218 = tpu.scan <max>, %masked_sort3A_214 masked %reduce_max3A_217 : vector<16xf32>, vector<16xi1> -> vector<16xf32>
      %reduce_max3A_219 = vector.extract %reduce_max3A_218[15] : f32 from vector<16xf32>
      %sub3A_220 = vector.broadcast %reduce_max3A_219 : f32 to vector<16xf32>
      %sub3A_221 = arith.subf %masked_sort3A_214, %sub3A_220 : vector<16xf32>
      %exp3A_222 = math.exp %sub3A_221 : vector<16xf32>
      %jit3A_223 = arith.constant 0.000000e+00 : f32
      %broadcast_in_dim3A_224 = vector.broadcast %jit3A_223 : f32 to vector<16xf32>
      %select_n3A_225 = arith.select %lt3A_4, %exp3A_222, %broadcast_in_dim3A_224 : vector<16xi1>, vector<16xf32>
      %reduce_sum3A_226 = arith.constant true
      %reduce_sum3A_227 = vector.broadcast %reduce_sum3A_226 : i1 to vector<16xi1>
      %reduce_sum3A_228 = tpu.scan <sum>, %select_n3A_225 masked %reduce_sum3A_227 : vector<16xf32>, vector<16xi1> -> vector<16xf32>
      %reduce_sum3A_229 = vector.extract %reduce_sum3A_228[15] : f32 from vector<16xf32>
      %div3A_230 = vector.broadcast %reduce_sum3A_229 : f32 to vector<16xf32>
      %div3A_231 = arith.divf %select_n3A_225, %div3A_230 : vector<16xf32>
      %mul3A_232 = arith.constant 8 : i32
      %mul3A_233 = arith.muli %add3A_124, %mul3A_232 : i32
      %swap3A_234 = arith.index_cast %mul3A_233 : i32 to index
      %swap3A_235 = tpu.vector_load %arg6[%swap3A_234] {strides = array<i32>} : memref<1056xf32, #tpu.memory_space<vmem>>, vector<16xf32>,
      tpu.vector_store %arg6[%swap3A_234], %div3A_231 {strides = array<i32>} : memref<1056xf32, #tpu.memory_space<vmem>>, vector<16xf32>,
      %mul3A_236 = arith.constant 8 : i32
      %mul3A_237 = arith.muli %add3A_124, %mul3A_236 : i32
      %swap3A_238 = arith.index_cast %mul3A_237 : i32 to index
      %swap3A_239 = tpu.vector_load %arg7[%swap3A_238] {strides = array<i32>} : memref<1056xi32, #tpu.memory_space<vmem>>, vector<16xi32>,
      tpu.vector_store %arg7[%swap3A_238], %masked_sort3A_215 {strides = array<i32>} : memref<1056xi32, #tpu.memory_space<vmem>>, vector<16xi32>,
      %mul3A_240 = arith.constant 4 : i32
      %mul3A_241 = arith.muli %scan3A_14, %mul3A_240 : i32
      %add3A_242 = arith.constant 2 : i32
      %add3A_243 = arith.addi %mul3A_241, %add3A_242 : i32
      %get3A_244 = arith.index_cast %add3A_243 : i32 to index
      %get3A_245 = arith.constant 0 : index
      %get3A_246 = tpu.vector_load %arg5[%get3A_244, %get3A_245] {strides = array<i32>} : memref<128x64xf32, #tpu.memory_space<vmem>>, vector<16xf32>,
      %add3A_247 = arith.constant 0 : i32
      %add3A_248 = vector.broadcast %add3A_247 : i32 to vector<16xi32>
      %add3A_249 = arith.addi %iota3A, %add3A_248 : vector<16xi32>
      %masked_sort3A_250 = arith.constant dense<true> : vector<16xi1>
      %masked_sort3A_251, %masked_sort3A_252, %masked_sort3A_253 = tpu.sort %get3A_246, %add3A_249 masked %masked_sort3A_250 {descending = true} : (vector<16xf32>, vector<16xi32>, vector<16xi1>) -> (vector<16xi1>, vector<16xf32>, vector<16xi32>)
      %get3A_254 = arith.index_cast %add3A_243 : i32 to index
      %get3A_255 = arith.constant 16 : index
      %get3A_256 = tpu.vector_load %arg5[%get3A_254, %get3A_255] {strides = array<i32>} : memref<128x64xf32, #tpu.memory_space<vmem>>, vector<16xf32>,
      %add3A_257 = arith.constant 16 : i32
      %add3A_258 = vector.broadcast %add3A_257 : i32 to vector<16xi32>
      %add3A_259 = arith.addi %iota3A, %add3A_258 : vector<16xi32>
      %masked_sort3A_260 = arith.constant dense<true> : vector<16xi1>
      %masked_sort3A_261, %masked_sort3A_262, %masked_sort3A_263 = tpu.sort %get3A_256, %add3A_259 masked %masked_sort3A_260 {descending = true} : (vector<16xf32>, vector<16xi32>, vector<16xi1>) -> (vector<16xi1>, vector<16xf32>, vector<16xi32>)
      %get3A_264 = arith.index_cast %add3A_243 : i32 to index
      %get3A_265 = arith.constant 32 : index
      %get3A_266 = tpu.vector_load %arg5[%get3A_264, %get3A_265] {strides = array<i32>} : memref<128x64xf32, #tpu.memory_space<vmem>>, vector<16xf32>,
      %add3A_267 = arith.constant 32 : i32
      %add3A_268 = vector.broadcast %add3A_267 : i32 to vector<16xi32>
      %add3A_269 = arith.addi %iota3A, %add3A_268 : vector<16xi32>
      %masked_sort3A_270 = arith.constant dense<true> : vector<16xi1>
      %masked_sort3A_271, %masked_sort3A_272, %masked_sort3A_273 = tpu.sort %get3A_266, %add3A_269 masked %masked_sort3A_270 {descending = true} : (vector<16xf32>, vector<16xi32>, vector<16xi1>) -> (vector<16xi1>, vector<16xf32>, vector<16xi32>)
      %get3A_274 = arith.index_cast %add3A_243 : i32 to index
      %get3A_275 = arith.constant 48 : index
      %get3A_276 = tpu.vector_load %arg5[%get3A_274, %get3A_275] {strides = array<i32>} : memref<128x64xf32, #tpu.memory_space<vmem>>, vector<16xf32>,
      %add3A_277 = arith.constant 48 : i32
      %add3A_278 = vector.broadcast %add3A_277 : i32 to vector<16xi32>
      %add3A_279 = arith.addi %iota3A, %add3A_278 : vector<16xi32>
      %masked_sort3A_280 = arith.constant dense<true> : vector<16xi1>
      %masked_sort3A_281, %masked_sort3A_282, %masked_sort3A_283 = tpu.sort %get3A_276, %add3A_279 masked %masked_sort3A_280 {descending = true} : (vector<16xf32>, vector<16xi32>, vector<16xi1>) -> (vector<16xi1>, vector<16xf32>, vector<16xi32>)
      %rev3A_284 = arith.constant 15 : i32
      %rev3A_285 = vector.broadcast %rev3A_284 : i32 to vector<16xi32>
      %rev3A_286 = tpu.iota {dimensions = array<i32: 0>} : vector<16xi32>
      %rev3A_287 = arith.subi %rev3A_285, %rev3A_286 : vector<16xi32>
      %rev3A_288 = tpu.dynamic_gather %masked_sort3A_262[%rev3A_287] in [0] : vector<16xf32>, vector<16xi32> -> vector<16xf32>
      %rev3A_289 = arith.constant 15 : i32
      %rev3A_290 = vector.broadcast %rev3A_289 : i32 to vector<16xi32>
      %rev3A_291 = tpu.iota {dimensions = array<i32: 0>} : vector<16xi32>
      %rev3A_292 = arith.subi %rev3A_290, %rev3A_291 : vector<16xi32>
      %rev3A_293 = tpu.dynamic_gather %masked_sort3A_263[%rev3A_292] in [0] : vector<16xi32>, vector<16xi32> -> vector<16xi32>
      %ge3A_294 = arith.cmpf oge, %masked_sort3A_252, %rev3A_288 : vector<16xf32>
      %select_n3A_295 = arith.select %ge3A_294, %masked_sort3A_252, %rev3A_288 : vector<16xi1>, vector<16xf32>
      %select_n3A_296 = arith.select %ge3A_294, %masked_sort3A_253, %rev3A_293 : vector<16xi1>, vector<16xi32>
      %masked_sort3A_297 = arith.constant dense<true> : vector<16xi1>
      %masked_sort3A_298, %masked_sort3A_299, %masked_sort3A_300 = tpu.sort %select_n3A_295, %select_n3A_296 masked %masked_sort3A_297 {descending = true} : (vector<16xf32>, vector<16xi32>, vector<16xi1>) -> (vector<16xi1>, vector<16xf32>, vector<16xi32>)
      %rev3A_301 = arith.constant 15 : i32
      %rev3A_302 = vector.broadcast %rev3A_301 : i32 to vector<16xi32>
      %rev3A_303 = tpu.iota {dimensions = array<i32: 0>} : vector<16xi32>
      %rev3A_304 = arith.subi %rev3A_302, %rev3A_303 : vector<16xi32>
      %rev3A_305 = tpu.dynamic_gather %masked_sort3A_282[%rev3A_304] in [0] : vector<16xf32>, vector<16xi32> -> vector<16xf32>
      %rev3A_306 = arith.constant 15 : i32
      %rev3A_307 = vector.broadcast %rev3A_306 : i32 to vector<16xi32>
      %rev3A_308 = tpu.iota {dimensions = array<i32: 0>} : vector<16xi32>
      %rev3A_309 = arith.subi %rev3A_307, %rev3A_308 : vector<16xi32>
      %rev3A_310 = tpu.dynamic_gather %masked_sort3A_283[%rev3A_309] in [0] : vector<16xi32>, vector<16xi32> -> vector<16xi32>
      %ge3A_311 = arith.cmpf oge, %masked_sort3A_272, %rev3A_305 : vector<16xf32>
      %select_n3A_312 = arith.select %ge3A_311, %masked_sort3A_272, %rev3A_305 : vector<16xi1>, vector<16xf32>
      %select_n3A_313 = arith.select %ge3A_311, %masked_sort3A_273, %rev3A_310 : vector<16xi1>, vector<16xi32>
      %masked_sort3A_314 = arith.constant dense<true> : vector<16xi1>
      %masked_sort3A_315, %masked_sort3A_316, %masked_sort3A_317 = tpu.sort %select_n3A_312, %select_n3A_313 masked %masked_sort3A_314 {descending = true} : (vector<16xf32>, vector<16xi32>, vector<16xi1>) -> (vector<16xi1>, vector<16xf32>, vector<16xi32>)
      %rev3A_318 = arith.constant 15 : i32
      %rev3A_319 = vector.broadcast %rev3A_318 : i32 to vector<16xi32>
      %rev3A_320 = tpu.iota {dimensions = array<i32: 0>} : vector<16xi32>
      %rev3A_321 = arith.subi %rev3A_319, %rev3A_320 : vector<16xi32>
      %rev3A_322 = tpu.dynamic_gather %masked_sort3A_316[%rev3A_321] in [0] : vector<16xf32>, vector<16xi32> -> vector<16xf32>
      %rev3A_323 = arith.constant 15 : i32
      %rev3A_324 = vector.broadcast %rev3A_323 : i32 to vector<16xi32>
      %rev3A_325 = tpu.iota {dimensions = array<i32: 0>} : vector<16xi32>
      %rev3A_326 = arith.subi %rev3A_324, %rev3A_325 : vector<16xi32>
      %rev3A_327 = tpu.dynamic_gather %masked_sort3A_317[%rev3A_326] in [0] : vector<16xi32>, vector<16xi32> -> vector<16xi32>
      %ge3A_328 = arith.cmpf oge, %masked_sort3A_299, %rev3A_322 : vector<16xf32>
      %select_n3A_329 = arith.select %ge3A_328, %masked_sort3A_299, %rev3A_322 : vector<16xi1>, vector<16xf32>
      %select_n3A_330 = arith.select %ge3A_328, %masked_sort3A_300, %rev3A_327 : vector<16xi1>, vector<16xi32>
      %masked_sort3A_331 = arith.constant dense<true> : vector<16xi1>
      %masked_sort3A_332, %masked_sort3A_333, %masked_sort3A_334 = tpu.sort %select_n3A_329, %select_n3A_330 masked %masked_sort3A_331 {descending = true} : (vector<16xf32>, vector<16xi32>, vector<16xi1>) -> (vector<16xi1>, vector<16xf32>, vector<16xi32>)
      %reduce_max3A_335 = arith.constant true
      %reduce_max3A_336 = vector.broadcast %reduce_max3A_335 : i1 to vector<16xi1>
      %reduce_max3A_337 = tpu.scan <max>, %masked_sort3A_333 masked %reduce_max3A_336 : vector<16xf32>, vector<16xi1> -> vector<16xf32>
      %reduce_max3A_338 = vector.extract %reduce_max3A_337[15] : f32 from vector<16xf32>
      %sub3A_339 = vector.broadcast %reduce_max3A_338 : f32 to vector<16xf32>
      %sub3A_340 = arith.subf %masked_sort3A_333, %sub3A_339 : vector<16xf32>
      %exp3A_341 = math.exp %sub3A_340 : vector<16xf32>
      %jit3A_342 = arith.constant 0.000000e+00 : f32
      %broadcast_in_dim3A_343 = vector.broadcast %jit3A_342 : f32 to vector<16xf32>
      %select_n3A_344 = arith.select %lt3A_4, %exp3A_341, %broadcast_in_dim3A_343 : vector<16xi1>, vector<16xf32>
      %reduce_sum3A_345 = arith.constant true
      %reduce_sum3A_346 = vector.broadcast %reduce_sum3A_345 : i1 to vector<16xi1>
      %reduce_sum3A_347 = tpu.scan <sum>, %select_n3A_344 masked %reduce_sum3A_346 : vector<16xf32>, vector<16xi1> -> vector<16xf32>
      %reduce_sum3A_348 = vector.extract %reduce_sum3A_347[15] : f32 from vector<16xf32>
      %div3A_349 = vector.broadcast %reduce_sum3A_348 : f32 to vector<16xf32>
      %div3A_350 = arith.divf %select_n3A_344, %div3A_349 : vector<16xf32>
      %mul3A_351 = arith.constant 8 : i32
      %mul3A_352 = arith.muli %add3A_243, %mul3A_351 : i32
      %swap3A_353 = arith.index_cast %mul3A_352 : i32 to index
      %swap3A_354 = tpu.vector_load %arg6[%swap3A_353] {strides = array<i32>} : memref<1056xf32, #tpu.memory_space<vmem>>, vector<16xf32>,
      tpu.vector_store %arg6[%swap3A_353], %div3A_350 {strides = array<i32>} : memref<1056xf32, #tpu.memory_space<vmem>>, vector<16xf32>,
      %mul3A_355 = arith.constant 8 : i32
      %mul3A_356 = arith.muli %add3A_243, %mul3A_355 : i32
      %swap3A_357 = arith.index_cast %mul3A_356 : i32 to index
      %swap3A_358 = tpu.vector_load %arg7[%swap3A_357] {strides = array<i32>} : memref<1056xi32, #tpu.memory_space<vmem>>, vector<16xi32>,
      tpu.vector_store %arg7[%swap3A_357], %masked_sort3A_334 {strides = array<i32>} : memref<1056xi32, #tpu.memory_space<vmem>>, vector<16xi32>,
      %mul3A_359 = arith.constant 4 : i32
      %mul3A_360 = arith.muli %scan3A_14, %mul3A_359 : i32
      %add3A_361 = arith.constant 3 : i32
      %add3A_362 = arith.addi %mul3A_360, %add3A_361 : i32
      %get3A_363 = arith.index_cast %add3A_362 : i32 to index
      %get3A_364 = arith.constant 0 : index
      %get3A_365 = tpu.vector_load %arg5[%get3A_363, %get3A_364] {strides = array<i32>} : memref<128x64xf32, #tpu.memory_space<vmem>>, vector<16xf32>,
      %add3A_366 = arith.constant 0 : i32
      %add3A_367 = vector.broadcast %add3A_366 : i32 to vector<16xi32>
      %add3A_368 = arith.addi %iota3A, %add3A_367 : vector<16xi32>
      %masked_sort3A_369 = arith.constant dense<true> : vector<16xi1>
      %masked_sort3A_370, %masked_sort3A_371, %masked_sort3A_372 = tpu.sort %get3A_365, %add3A_368 masked %masked_sort3A_369 {descending = true} : (vector<16xf32>, vector<16xi32>, vector<16xi1>) -> (vector<16xi1>, vector<16xf32>, vector<16xi32>)
      %get3A_373 = arith.index_cast %add3A_362 : i32 to index
      %get3A_374 = arith.constant 16 : index
      %get3A_375 = tpu.vector_load %arg5[%get3A_373, %get3A_374] {strides = array<i32>} : memref<128x64xf32, #tpu.memory_space<vmem>>, vector<16xf32>,
      %add3A_376 = arith.constant 16 : i32
      %add3A_377 = vector.broadcast %add3A_376 : i32 to vector<16xi32>
      %add3A_378 = arith.addi %iota3A, %add3A_377 : vector<16xi32>
      %masked_sort3A_379 = arith.constant dense<true> : vector<16xi1>
      %masked_sort3A_380, %masked_sort3A_381, %masked_sort3A_382 = tpu.sort %get3A_375, %add3A_378 masked %masked_sort3A_379 {descending = true} : (vector<16xf32>, vector<16xi32>, vector<16xi1>) -> (vector<16xi1>, vector<16xf32>, vector<16xi32>)
      %get3A_383 = arith.index_cast %add3A_362 : i32 to index
      %get3A_384 = arith.constant 32 : index
      %get3A_385 = tpu.vector_load %arg5[%get3A_383, %get3A_384] {strides = array<i32>} : memref<128x64xf32, #tpu.memory_space<vmem>>, vector<16xf32>,
      %add3A_386 = arith.constant 32 : i32
      %add3A_387 = vector.broadcast %add3A_386 : i32 to vector<16xi32>
      %add3A_388 = arith.addi %iota3A, %add3A_387 : vector<16xi32>
      %masked_sort3A_389 = arith.constant dense<true> : vector<16xi1>
      %masked_sort3A_390, %masked_sort3A_391, %masked_sort3A_392 = tpu.sort %get3A_385, %add3A_388 masked %masked_sort3A_389 {descending = true} : (vector<16xf32>, vector<16xi32>, vector<16xi1>) -> (vector<16xi1>, vector<16xf32>, vector<16xi32>)
      %get3A_393 = arith.index_cast %add3A_362 : i32 to index
      %get3A_394 = arith.constant 48 : index
      %get3A_395 = tpu.vector_load %arg5[%get3A_393, %get3A_394] {strides = array<i32>} : memref<128x64xf32, #tpu.memory_space<vmem>>, vector<16xf32>,
      %add3A_396 = arith.constant 48 : i32
      %add3A_397 = vector.broadcast %add3A_396 : i32 to vector<16xi32>
      %add3A_398 = arith.addi %iota3A, %add3A_397 : vector<16xi32>
      %masked_sort3A_399 = arith.constant dense<true> : vector<16xi1>
      %masked_sort3A_400, %masked_sort3A_401, %masked_sort3A_402 = tpu.sort %get3A_395, %add3A_398 masked %masked_sort3A_399 {descending = true} : (vector<16xf32>, vector<16xi32>, vector<16xi1>) -> (vector<16xi1>, vector<16xf32>, vector<16xi32>)
      %rev3A_403 = arith.constant 15 : i32
      %rev3A_404 = vector.broadcast %rev3A_403 : i32 to vector<16xi32>
      %rev3A_405 = tpu.iota {dimensions = array<i32: 0>} : vector<16xi32>
      %rev3A_406 = arith.subi %rev3A_404, %rev3A_405 : vector<16xi32>
      %rev3A_407 = tpu.dynamic_gather %masked_sort3A_381[%rev3A_406] in [0] : vector<16xf32>, vector<16xi32> -> vector<16xf32>
      %rev3A_408 = arith.constant 15 : i32
      %rev3A_409 = vector.broadcast %rev3A_408 : i32 to vector<16xi32>
      %rev3A_410 = tpu.iota {dimensions = array<i32: 0>} : vector<16xi32>
      %rev3A_411 = arith.subi %rev3A_409, %rev3A_410 : vector<16xi32>
      %rev3A_412 = tpu.dynamic_gather %masked_sort3A_382[%rev3A_411] in [0] : vector<16xi32>, vector<16xi32> -> vector<16xi32>
      %ge3A_413 = arith.cmpf oge, %masked_sort3A_371, %rev3A_407 : vector<16xf32>
      %select_n3A_414 = arith.select %ge3A_413, %masked_sort3A_371, %rev3A_407 : vector<16xi1>, vector<16xf32>
      %select_n3A_415 = arith.select %ge3A_413, %masked_sort3A_372, %rev3A_412 : vector<16xi1>, vector<16xi32>
      %masked_sort3A_416 = arith.constant dense<true> : vector<16xi1>
      %masked_sort3A_417, %masked_sort3A_418, %masked_sort3A_419 = tpu.sort %select_n3A_414, %select_n3A_415 masked %masked_sort3A_416 {descending = true} : (vector<16xf32>, vector<16xi32>, vector<16xi1>) -> (vector<16xi1>, vector<16xf32>, vector<16xi32>)
      %rev3A_420 = arith.constant 15 : i32
      %rev3A_421 = vector.broadcast %rev3A_420 : i32 to vector<16xi32>
      %rev3A_422 = tpu.iota {dimensions = array<i32: 0>} : vector<16xi32>
      %rev3A_423 = arith.subi %rev3A_421, %rev3A_422 : vector<16xi32>
      %rev3A_424 = tpu.dynamic_gather %masked_sort3A_401[%rev3A_423] in [0] : vector<16xf32>, vector<16xi32> -> vector<16xf32>
      %rev3A_425 = arith.constant 15 : i32
      %rev3A_426 = vector.broadcast %rev3A_425 : i32 to vector<16xi32>
      %rev3A_427 = tpu.iota {dimensions = array<i32: 0>} : vector<16xi32>
      %rev3A_428 = arith.subi %rev3A_426, %rev3A_427 : vector<16xi32>
      %rev3A_429 = tpu.dynamic_gather %masked_sort3A_402[%rev3A_428] in [0] : vector<16xi32>, vector<16xi32> -> vector<16xi32>
      %ge3A_430 = arith.cmpf oge, %masked_sort3A_391, %rev3A_424 : vector<16xf32>
      %select_n3A_431 = arith.select %ge3A_430, %masked_sort3A_391, %rev3A_424 : vector<16xi1>, vector<16xf32>
      %select_n3A_432 = arith.select %ge3A_430, %masked_sort3A_392, %rev3A_429 : vector<16xi1>, vector<16xi32>
      %masked_sort3A_433 = arith.constant dense<true> : vector<16xi1>
      %masked_sort3A_434, %masked_sort3A_435, %masked_sort3A_436 = tpu.sort %select_n3A_431, %select_n3A_432 masked %masked_sort3A_433 {descending = true} : (vector<16xf32>, vector<16xi32>, vector<16xi1>) -> (vector<16xi1>, vector<16xf32>, vector<16xi32>)
      %rev3A_437 = arith.constant 15 : i32
      %rev3A_438 = vector.broadcast %rev3A_437 : i32 to vector<16xi32>
      %rev3A_439 = tpu.iota {dimensions = array<i32: 0>} : vector<16xi32>
      %rev3A_440 = arith.subi %rev3A_438, %rev3A_439 : vector<16xi32>
      %rev3A_441 = tpu.dynamic_gather %masked_sort3A_435[%rev3A_440] in [0] : vector<16xf32>, vector<16xi32> -> vector<16xf32>
      %rev3A_442 = arith.constant 15 : i32
      %rev3A_443 = vector.broadcast %rev3A_442 : i32 to vector<16xi32>
      %rev3A_444 = tpu.iota {dimensions = array<i32: 0>} : vector<16xi32>
      %rev3A_445 = arith.subi %rev3A_443, %rev3A_444 : vector<16xi32>
      %rev3A_446 = tpu.dynamic_gather %masked_sort3A_436[%rev3A_445] in [0] : vector<16xi32>, vector<16xi32> -> vector<16xi32>
      %ge3A_447 = arith.cmpf oge, %masked_sort3A_418, %rev3A_441 : vector<16xf32>
      %select_n3A_448 = arith.select %ge3A_447, %masked_sort3A_418, %rev3A_441 : vector<16xi1>, vector<16xf32>
      %select_n3A_449 = arith.select %ge3A_447, %masked_sort3A_419, %rev3A_446 : vector<16xi1>, vector<16xi32>
      %masked_sort3A_450 = arith.constant dense<true> : vector<16xi1>
      %masked_sort3A_451, %masked_sort3A_452, %masked_sort3A_453 = tpu.sort %select_n3A_448, %select_n3A_449 masked %masked_sort3A_450 {descending = true} : (vector<16xf32>, vector<16xi32>, vector<16xi1>) -> (vector<16xi1>, vector<16xf32>, vector<16xi32>)
      %reduce_max3A_454 = arith.constant true
      %reduce_max3A_455 = vector.broadcast %reduce_max3A_454 : i1 to vector<16xi1>
      %reduce_max3A_456 = tpu.scan <max>, %masked_sort3A_452 masked %reduce_max3A_455 : vector<16xf32>, vector<16xi1> -> vector<16xf32>
      %reduce_max3A_457 = vector.extract %reduce_max3A_456[15] : f32 from vector<16xf32>
      %sub3A_458 = vector.broadcast %reduce_max3A_457 : f32 to vector<16xf32>
      %sub3A_459 = arith.subf %masked_sort3A_452, %sub3A_458 : vector<16xf32>
      %exp3A_460 = math.exp %sub3A_459 : vector<16xf32>
      %jit3A_461 = arith.constant 0.000000e+00 : f32
      %broadcast_in_dim3A_462 = vector.broadcast %jit3A_461 : f32 to vector<16xf32>
      %select_n3A_463 = arith.select %lt3A_4, %exp3A_460, %broadcast_in_dim3A_462 : vector<16xi1>, vector<16xf32>
      %reduce_sum3A_464 = arith.constant true
      %reduce_sum3A_465 = vector.broadcast %reduce_sum3A_464 : i1 to vector<16xi1>
      %reduce_sum3A_466 = tpu.scan <sum>, %select_n3A_463 masked %reduce_sum3A_465 : vector<16xf32>, vector<16xi1> -> vector<16xf32>
      %reduce_sum3A_467 = vector.extract %reduce_sum3A_466[15] : f32 from vector<16xf32>
      %div3A_468 = vector.broadcast %reduce_sum3A_467 : f32 to vector<16xf32>
      %div3A_469 = arith.divf %select_n3A_463, %div3A_468 : vector<16xf32>
      %mul3A_470 = arith.constant 8 : i32
      %mul3A_471 = arith.muli %add3A_362, %mul3A_470 : i32
      %swap3A_472 = arith.index_cast %mul3A_471 : i32 to index
      %swap3A_473 = tpu.vector_load %arg6[%swap3A_472] {strides = array<i32>} : memref<1056xf32, #tpu.memory_space<vmem>>, vector<16xf32>,
      tpu.vector_store %arg6[%swap3A_472], %div3A_469 {strides = array<i32>} : memref<1056xf32, #tpu.memory_space<vmem>>, vector<16xf32>,
      %mul3A_474 = arith.constant 8 : i32
      %mul3A_475 = arith.muli %add3A_362, %mul3A_474 : i32
      %swap3A_476 = arith.index_cast %mul3A_475 : i32 to index
      %swap3A_477 = tpu.vector_load %arg7[%swap3A_476] {strides = array<i32>} : memref<1056xi32, #tpu.memory_space<vmem>>, vector<16xi32>,
      tpu.vector_store %arg7[%swap3A_476], %masked_sort3A_453 {strides = array<i32>} : memref<1056xi32, #tpu.memory_space<vmem>>, vector<16xi32>,
    }
    %scan3A_9 = arith.constant 32 : i32
    %mul3A_10 = arith.constant 8 : i32
    %mul3A_11 = arith.muli %mul3A_2, %mul3A_10 : i32
    "tpu.region"() ({
      %run_scoped3A = tpu.sem_alloc : memref<!tpu.dma_semaphore, #tpu.memory_space<semaphore_mem>>
      %dma_start3A = arith.constant 0 : i32
      %dma_start3A_14 = tpu.memref_slice %arg6[%dma_start3A] : memref<1056xf32, #tpu.memory_space<vmem>> -> memref<1024xf32, #tpu.memory_space<vmem>>
      %dma_start3A_15 = tpu.memref_slice %arg3[%mul3A_11] : memref<32768xf32, #tpu.memory_space<hbm>> -> memref<1024xf32, #tpu.memory_space<hbm>>
      %dma_start3A_16 = tpu.memref_slice %arg3[%mul3A_11] : memref<32768xf32, #tpu.memory_space<hbm>> -> memref<1024xf32, #tpu.memory_space<hbm>>
      %dma_start3A_17 = arith.constant 0 : i32
      %dma_start3A_18 = tpu.memref_slice %arg6[%dma_start3A_17] : memref<1056xf32, #tpu.memory_space<vmem>> -> memref<1024xf32, #tpu.memory_space<vmem>>
      tpu.enqueue_dma source(%dma_start3A_18 : memref<1024xf32, #tpu.memory_space<vmem>>) target(%dma_start3A_16 : memref<1024xf32, #tpu.memory_space<hbm>>) target_semaphore(%run_scoped3A : memref<!tpu.dma_semaphore, #tpu.memory_space<semaphore_mem>>)
      %dma_wait3A = arith.constant 0 : i32
      %dma_wait3A_19 = tpu.memref_slice %arg6[%dma_wait3A] : memref<1056xf32, #tpu.memory_space<vmem>> -> memref<1024xf32, #tpu.memory_space<vmem>>
      %dma_wait3A_20 = tpu.memref_slice %arg3[%mul3A_11] : memref<32768xf32, #tpu.memory_space<hbm>> -> memref<1024xf32, #tpu.memory_space<hbm>>
      %dma_wait3A_21 = tpu.memref_slice %arg3[%mul3A_11] : memref<32768xf32, #tpu.memory_space<hbm>> -> memref<1024xf32, #tpu.memory_space<hbm>>
      %dma_wait3A_22 = arith.constant 0 : i32
      %dma_wait3A_23 = tpu.memref_slice %arg6[%dma_wait3A_22] : memref<1056xf32, #tpu.memory_space<vmem>> -> memref<1024xf32, #tpu.memory_space<vmem>>
      tpu.wait_dma2 semaphore(%run_scoped3A : memref<!tpu.dma_semaphore, #tpu.memory_space<semaphore_mem>>) src(%dma_wait3A_23 : memref<1024xf32, #tpu.memory_space<vmem>>) dst(%dma_wait3A_21 : memref<1024xf32, #tpu.memory_space<hbm>>)
      tpu.yield
    }) : () -> ()
    %mul3A_12 = arith.constant 8 : i32
    %mul3A_13 = arith.muli %mul3A_2, %mul3A_12 : i32
    "tpu.region"() ({
      %run_scoped3A = tpu.sem_alloc : memref<!tpu.dma_semaphore, #tpu.memory_space<semaphore_mem>>
      %dma_start3A = arith.constant 0 : i32
      %dma_start3A_14 = tpu.memref_slice %arg7[%dma_start3A] : memref<1056xi32, #tpu.memory_space<vmem>> -> memref<1024xi32, #tpu.memory_space<vmem>>
      %dma_start3A_15 = tpu.memref_slice %arg4[%mul3A_13] : memref<32768xi32, #tpu.memory_space<hbm>> -> memref<1024xi32, #tpu.memory_space<hbm>>
      %dma_start3A_16 = tpu.memref_slice %arg4[%mul3A_13] : memref<32768xi32, #tpu.memory_space<hbm>> -> memref<1024xi32, #tpu.memory_space<hbm>>
      %dma_start3A_17 = arith.constant 0 : i32
      %dma_start3A_18 = tpu.memref_slice %arg7[%dma_start3A_17] : memref<1056xi32, #tpu.memory_space<vmem>> -> memref<1024xi32, #tpu.memory_space<vmem>>
      tpu.enqueue_dma source(%dma_start3A_18 : memref<1024xi32, #tpu.memory_space<vmem>>) target(%dma_start3A_16 : memref<1024xi32, #tpu.memory_space<hbm>>) target_semaphore(%run_scoped3A : memref<!tpu.dma_semaphore, #tpu.memory_space<semaphore_mem>>)
      %dma_wait3A = arith.constant 0 : i32
      %dma_wait3A_19 = tpu.memref_slice %arg7[%dma_wait3A] : memref<1056xi32, #tpu.memory_space<vmem>> -> memref<1024xi32, #tpu.memory_space<vmem>>
      %dma_wait3A_20 = tpu.memref_slice %arg4[%mul3A_13] : memref<32768xi32, #tpu.memory_space<hbm>> -> memref<1024xi32, #tpu.memory_space<hbm>>
      %dma_wait3A_21 = tpu.memref_slice %arg4[%mul3A_13] : memref<32768xi32, #tpu.memory_space<hbm>> -> memref<1024xi32, #tpu.memory_space<hbm>>
      %dma_wait3A_22 = arith.constant 0 : i32
      %dma_wait3A_23 = tpu.memref_slice %arg7[%dma_wait3A_22] : memref<1056xi32, #tpu.memory_space<vmem>> -> memref<1024xi32, #tpu.memory_space<vmem>>
      tpu.wait_dma2 semaphore(%run_scoped3A : memref<!tpu.dma_semaphore, #tpu.memory_space<semaphore_mem>>) src(%dma_wait3A_23 : memref<1024xi32, #tpu.memory_space<vmem>>) dst(%dma_wait3A_21 : memref<1024xi32, #tpu.memory_space<hbm>>)
      tpu.yield
    }) : () -> ()
    return
  }
}

#map = affine_map<(d0, d1) -> (0, 0)>
#map1 = affine_map<(d0, d1) -> (0)>
module attributes {stable_mosaic.version = 14 : i64} {
  func.func @sc_topk(%arg0: i32, %arg1: i32, %arg2: memref<4096x64xf32, #tpu.memory_space<hbm>>, %arg3: memref<32768xf32, #tpu.memory_space<hbm>>, %arg4: memref<32768xi32, #tpu.memory_space<hbm>>, %arg5: memref<128x64xf32, #tpu.memory_space<vmem>>, %arg6: memref<1056xf32, #tpu.memory_space<vmem>>, %arg7: memref<1056xi32, #tpu.memory_space<vmem>>) attributes {dimension_semantics = [#tpu.dimension_semantics<core_parallel>, #tpu.dimension_semantics<subcore_parallel>], iteration_bounds = array<i64: 2, 16>, scalar_prefetch = 0 : i64, scratch_operands = 3 : i64, tpu.core_type = #tpu.core_type<sc_vector_subcore>, window_params = [{transform_indices = #map}, {transform_indices = #map1}, {transform_indices = #map1}]} {
    %mul3A = arith.constant 2 : i32
    %mul3A_0 = arith.muli %arg1, %mul3A : i32
    %add3A = arith.addi %mul3A_0, %arg0 : i32
    %mul3A_1 = arith.constant 128 : i32
    %mul3A_2 = arith.muli %add3A, %mul3A_1 : i32
    "tpu.region"() ({
      %run_scoped3A = tpu.sem_alloc : memref<!tpu.dma_semaphore, #tpu.memory_space<semaphore_mem>>
      %dma_start3A = arith.constant 0 : i32
      %dma_start3A_14 = tpu.memref_slice %arg2[%mul3A_2, %dma_start3A] : memref<4096x64xf32, #tpu.memory_space<hbm>> -> memref<128x64xf32, #tpu.memory_space<hbm>>
      %dma_start3A_15 = arith.constant 0 : i32
      %dma_start3A_16 = tpu.memref_slice %arg2[%mul3A_2, %dma_start3A_15] : memref<4096x64xf32, #tpu.memory_space<hbm>> -> memref<128x64xf32, #tpu.memory_space<hbm>>
      tpu.enqueue_dma source(%dma_start3A_16 : memref<128x64xf32, #tpu.memory_space<hbm>>) target(%arg5 : memref<128x64xf32, #tpu.memory_space<vmem>>) target_semaphore(%run_scoped3A : memref<!tpu.dma_semaphore, #tpu.memory_space<semaphore_mem>>)
      %dma_wait3A = arith.constant 0 : i32
      %dma_wait3A_17 = tpu.memref_slice %arg2[%mul3A_2, %dma_wait3A] : memref<4096x64xf32, #tpu.memory_space<hbm>> -> memref<128x64xf32, #tpu.memory_space<hbm>>
      %dma_wait3A_18 = arith.constant 0 : i32
      %dma_wait3A_19 = tpu.memref_slice %arg2[%mul3A_2, %dma_wait3A_18] : memref<4096x64xf32, #tpu.memory_space<hbm>> -> memref<128x64xf32, #tpu.memory_space<hbm>>
      tpu.wait_dma2 semaphore(%run_scoped3A : memref<!tpu.dma_semaphore, #tpu.memory_space<semaphore_mem>>) src(%dma_wait3A_19 : memref<128x64xf32, #tpu.memory_space<hbm>>) dst(%arg5 : memref<128x64xf32, #tpu.memory_space<vmem>>)
      tpu.yield
    }) : () -> ()
    %iota3A = tpu.iota {dimensions = array<i32: 0>} : vector<16xi32>
    %lt3A = arith.constant 8 : i32
    %lt3A_3 = vector.broadcast %lt3A : i32 to vector<16xi32>
    %lt3A_4 = arith.cmpi slt, %iota3A, %lt3A_3 : vector<16xi32>
    %scan3A = arith.constant 0 : i32
    %scan3A_5 = arith.constant 0 : i32
    %scan3A_6 = arith.constant 32 : i32
    %scan3A_7 = arith.addi %scan3A_5, %scan3A_6 : i32
    %scan3A_8 = arith.constant 1 : i32
    scf.for %scan3A_14 = %scan3A_5 to %scan3A_7 step %scan3A_8  : i32 {
      %mul3A_15 = arith.constant 4 : i32
      %mul3A_16 = arith.muli %scan3A_14, %mul3A_15 : i32
      %add3A_17 = arith.constant 0 : i32
      %add3A_18 = arith.addi %mul3A_16, %add3A_17 : i32
      %get3A = arith.index_cast %add3A_18 : i32 to index
      %get3A_19 = arith.constant 0 : index
      %get3A_20 = tpu.vector_load %arg5[%get3A, %get3A_19] {strides = array<i32>} : memref<128x64xf32, #tpu.memory_space<vmem>>, vector<16xf32>,
      %add3A_21 = arith.constant 0 : i32
      %add3A_22 = vector.broadcast %add3A_21 : i32 to vector<16xi32>
      %add3A_23 = arith.addi %iota3A, %add3A_22 : vector<16xi32>
      %masked_sort3A = arith.constant dense<true> : vector<16xi1>
      %masked_sort3A_24, %masked_sort3A_25, %masked_sort3A_26 = tpu.sort %get3A_20, %add3A_23 masked %masked_sort3A {descending = true} : (vector<16xf32>, vector<16xi32>, vector<16xi1>) -> (vector<16xi1>, vector<16xf32>, vector<16xi32>)
      %get3A_27 = arith.index_cast %add3A_18 : i32 to index
      %get3A_28 = arith.constant 16 : index
      %get3A_29 = tpu.vector_load %arg5[%get3A_27, %get3A_28] {strides = array<i32>} : memref<128x64xf32, #tpu.memory_space<vmem>>, vector<16xf32>,
      %add3A_30 = arith.constant 16 : i32
      %add3A_31 = vector.broadcast %add3A_30 : i32 to vector<16xi32>
      %add3A_32 = arith.addi %iota3A, %add3A_31 : vector<16xi32>
      %masked_sort3A_33 = arith.constant dense<true> : vector<16xi1>
      %masked_sort3A_34, %masked_sort3A_35, %masked_sort3A_36 = tpu.sort %get3A_29, %add3A_32 masked %masked_sort3A_33 {descending = true} : (vector<16xf32>, vector<16xi32>, vector<16xi1>) -> (vector<16xi1>, vector<16xf32>, vector<16xi32>)
      %get3A_37 = arith.index_cast %add3A_18 : i32 to index
      %get3A_38 = arith.constant 32 : index
      %get3A_39 = tpu.vector_load %arg5[%get3A_37, %get3A_38] {strides = array<i32>} : memref<128x64xf32, #tpu.memory_space<vmem>>, vector<16xf32>,
      %add3A_40 = arith.constant 32 : i32
      %add3A_41 = vector.broadcast %add3A_40 : i32 to vector<16xi32>
      %add3A_42 = arith.addi %iota3A, %add3A_41 : vector<16xi32>
      %masked_sort3A_43 = arith.constant dense<true> : vector<16xi1>
      %masked_sort3A_44, %masked_sort3A_45, %masked_sort3A_46 = tpu.sort %get3A_39, %add3A_42 masked %masked_sort3A_43 {descending = true} : (vector<16xf32>, vector<16xi32>, vector<16xi1>) -> (vector<16xi1>, vector<16xf32>, vector<16xi32>)
      %get3A_47 = arith.index_cast %add3A_18 : i32 to index
      %get3A_48 = arith.constant 48 : index
      %get3A_49 = tpu.vector_load %arg5[%get3A_47, %get3A_48] {strides = array<i32>} : memref<128x64xf32, #tpu.memory_space<vmem>>, vector<16xf32>,
      %add3A_50 = arith.constant 48 : i32
      %add3A_51 = vector.broadcast %add3A_50 : i32 to vector<16xi32>
      %add3A_52 = arith.addi %iota3A, %add3A_51 : vector<16xi32>
      %masked_sort3A_53 = arith.constant dense<true> : vector<16xi1>
      %masked_sort3A_54, %masked_sort3A_55, %masked_sort3A_56 = tpu.sort %get3A_49, %add3A_52 masked %masked_sort3A_53 {descending = true} : (vector<16xf32>, vector<16xi32>, vector<16xi1>) -> (vector<16xi1>, vector<16xf32>, vector<16xi32>)
      %rev3A = arith.constant 15 : i32
      %rev3A_57 = vector.broadcast %rev3A : i32 to vector<16xi32>
      %rev3A_58 = tpu.iota {dimensions = array<i32: 0>} : vector<16xi32>
      %rev3A_59 = arith.subi %rev3A_57, %rev3A_58 : vector<16xi32>
      %rev3A_60 = tpu.dynamic_gather %masked_sort3A_35[%rev3A_59] in [0] : vector<16xf32>, vector<16xi32> -> vector<16xf32>
      %rev3A_61 = arith.constant 15 : i32
      %rev3A_62 = vector.broadcast %rev3A_61 : i32 to vector<16xi32>
      %rev3A_63 = tpu.iota {dimensions = array<i32: 0>} : vector<16xi32>
      %rev3A_64 = arith.subi %rev3A_62, %rev3A_63 : vector<16xi32>
      %rev3A_65 = tpu.dynamic_gather %masked_sort3A_36[%rev3A_64] in [0] : vector<16xi32>, vector<16xi32> -> vector<16xi32>
      %ge3A = arith.cmpf oge, %masked_sort3A_25, %rev3A_60 : vector<16xf32>
      %select_n3A = arith.select %ge3A, %masked_sort3A_25, %rev3A_60 : vector<16xi1>, vector<16xf32>
      %select_n3A_66 = arith.select %ge3A, %masked_sort3A_26, %rev3A_65 : vector<16xi1>, vector<16xi32>
      %masked_sort3A_67 = arith.constant dense<true> : vector<16xi1>
      %masked_sort3A_68, %masked_sort3A_69, %masked_sort3A_70 = tpu.sort %select_n3A, %select_n3A_66 masked %masked_sort3A_67 {descending = true} : (vector<16xf32>, vector<16xi32>, vector<16xi1>) -> (vector<16xi1>, vector<16xf32>, vector<16xi32>)
      %rev3A_71 = arith.constant 15 : i32
      %rev3A_72 = vector.broadcast %rev3A_71 : i32 to vector<16xi32>
      %rev3A_73 = tpu.iota {dimensions = array<i32: 0>} : vector<16xi32>
      %rev3A_74 = arith.subi %rev3A_72, %rev3A_73 : vector<16xi32>
      %rev3A_75 = tpu.dynamic_gather %masked_sort3A_55[%rev3A_74] in [0] : vector<16xf32>, vector<16xi32> -> vector<16xf32>
      %rev3A_76 = arith.constant 15 : i32
      %rev3A_77 = vector.broadcast %rev3A_76 : i32 to vector<16xi32>
      %rev3A_78 = tpu.iota {dimensions = array<i32: 0>} : vector<16xi32>
      %rev3A_79 = arith.subi %rev3A_77, %rev3A_78 : vector<16xi32>
      %rev3A_80 = tpu.dynamic_gather %masked_sort3A_56[%rev3A_79] in [0] : vector<16xi32>, vector<16xi32> -> vector<16xi32>
      %ge3A_81 = arith.cmpf oge, %masked_sort3A_45, %rev3A_75 : vector<16xf32>
      %select_n3A_82 = arith.select %ge3A_81, %masked_sort3A_45, %rev3A_75 : vector<16xi1>, vector<16xf32>
      %select_n3A_83 = arith.select %ge3A_81, %masked_sort3A_46, %rev3A_80 : vector<16xi1>, vector<16xi32>
      %masked_sort3A_84 = arith.constant dense<true> : vector<16xi1>
      %masked_sort3A_85, %masked_sort3A_86, %masked_sort3A_87 = tpu.sort %select_n3A_82, %select_n3A_83 masked %masked_sort3A_84 {descending = true} : (vector<16xf32>, vector<16xi32>, vector<16xi1>) -> (vector<16xi1>, vector<16xf32>, vector<16xi32>)
      %rev3A_88 = arith.constant 15 : i32
      %rev3A_89 = vector.broadcast %rev3A_88 : i32 to vector<16xi32>
      %rev3A_90 = tpu.iota {dimensions = array<i32: 0>} : vector<16xi32>
      %rev3A_91 = arith.subi %rev3A_89, %rev3A_90 : vector<16xi32>
      %rev3A_92 = tpu.dynamic_gather %masked_sort3A_86[%rev3A_91] in [0] : vector<16xf32>, vector<16xi32> -> vector<16xf32>
      %rev3A_93 = arith.constant 15 : i32
      %rev3A_94 = vector.broadcast %rev3A_93 : i32 to vector<16xi32>
      %rev3A_95 = tpu.iota {dimensions = array<i32: 0>} : vector<16xi32>
      %rev3A_96 = arith.subi %rev3A_94, %rev3A_95 : vector<16xi32>
      %rev3A_97 = tpu.dynamic_gather %masked_sort3A_87[%rev3A_96] in [0] : vector<16xi32>, vector<16xi32> -> vector<16xi32>
      %ge3A_98 = arith.cmpf oge, %masked_sort3A_69, %rev3A_92 : vector<16xf32>
      %select_n3A_99 = arith.select %ge3A_98, %masked_sort3A_69, %rev3A_92 : vector<16xi1>, vector<16xf32>
      %select_n3A_100 = arith.select %ge3A_98, %masked_sort3A_70, %rev3A_97 : vector<16xi1>, vector<16xi32>
      %masked_sort3A_101 = arith.constant dense<true> : vector<16xi1>
      %masked_sort3A_102, %masked_sort3A_103, %masked_sort3A_104 = tpu.sort %select_n3A_99, %select_n3A_100 masked %masked_sort3A_101 {descending = true} : (vector<16xf32>, vector<16xi32>, vector<16xi1>) -> (vector<16xi1>, vector<16xf32>, vector<16xi32>)
      %reduce_max3A = arith.constant true
      %reduce_max3A_105 = vector.broadcast %reduce_max3A : i1 to vector<16xi1>
      %reduce_max3A_106 = tpu.scan <max>, %masked_sort3A_103 masked %reduce_max3A_105 : vector<16xf32>, vector<16xi1> -> vector<16xf32>
      %reduce_max3A_107 = vector.extract %reduce_max3A_106[15] : f32 from vector<16xf32>
      %sub3A = vector.broadcast %reduce_max3A_107 : f32 to vector<16xf32>
      %sub3A_108 = arith.subf %masked_sort3A_103, %sub3A : vector<16xf32>
      %exp3A = math.exp %sub3A_108 : vector<16xf32>
      %jit3A = arith.constant 0.000000e+00 : f32
      %broadcast_in_dim3A = vector.broadcast %jit3A : f32 to vector<16xf32>
      %select_n3A_109 = arith.select %lt3A_4, %exp3A, %broadcast_in_dim3A : vector<16xi1>, vector<16xf32>
      %reduce_sum3A = arith.constant true
      %reduce_sum3A_110 = vector.broadcast %reduce_sum3A : i1 to vector<16xi1>
      %reduce_sum3A_111 = tpu.scan <sum>, %select_n3A_109 masked %reduce_sum3A_110 : vector<16xf32>, vector<16xi1> -> vector<16xf32>
      %reduce_sum3A_112 = vector.extract %reduce_sum3A_111[15] : f32 from vector<16xf32>
      %div3A = vector.broadcast %reduce_sum3A_112 : f32 to vector<16xf32>
      %div3A_113 = arith.divf %select_n3A_109, %div3A : vector<16xf32>
      %mul3A_114 = arith.constant 8 : i32
      %mul3A_115 = arith.muli %add3A_18, %mul3A_114 : i32
      %swap3A = arith.index_cast %mul3A_115 : i32 to index
      %swap3A_116 = tpu.vector_load %arg6[%swap3A] {strides = array<i32>} : memref<1056xf32, #tpu.memory_space<vmem>>, vector<16xf32>,
      tpu.vector_store %arg6[%swap3A], %div3A_113 {strides = array<i32>} : memref<1056xf32, #tpu.memory_space<vmem>>, vector<16xf32>,
      %mul3A_117 = arith.constant 8 : i32
      %mul3A_118 = arith.muli %add3A_18, %mul3A_117 : i32
      %swap3A_119 = arith.index_cast %mul3A_118 : i32 to index
      %swap3A_120 = tpu.vector_load %arg7[%swap3A_119] {strides = array<i32>} : memref<1056xi32, #tpu.memory_space<vmem>>, vector<16xi32>,
      tpu.vector_store %arg7[%swap3A_119], %masked_sort3A_104 {strides = array<i32>} : memref<1056xi32, #tpu.memory_space<vmem>>, vector<16xi32>,
      %mul3A_121 = arith.constant 4 : i32
      %mul3A_122 = arith.muli %scan3A_14, %mul3A_121 : i32
      %add3A_123 = arith.constant 1 : i32
      %add3A_124 = arith.addi %mul3A_122, %add3A_123 : i32
      %get3A_125 = arith.index_cast %add3A_124 : i32 to index
      %get3A_126 = arith.constant 0 : index
      %get3A_127 = tpu.vector_load %arg5[%get3A_125, %get3A_126] {strides = array<i32>} : memref<128x64xf32, #tpu.memory_space<vmem>>, vector<16xf32>,
      %add3A_128 = arith.constant 0 : i32
      %add3A_129 = vector.broadcast %add3A_128 : i32 to vector<16xi32>
      %add3A_130 = arith.addi %iota3A, %add3A_129 : vector<16xi32>
      %masked_sort3A_131 = arith.constant dense<true> : vector<16xi1>
      %masked_sort3A_132, %masked_sort3A_133, %masked_sort3A_134 = tpu.sort %get3A_127, %add3A_130 masked %masked_sort3A_131 {descending = true} : (vector<16xf32>, vector<16xi32>, vector<16xi1>) -> (vector<16xi1>, vector<16xf32>, vector<16xi32>)
      %get3A_135 = arith.index_cast %add3A_124 : i32 to index
      %get3A_136 = arith.constant 16 : index
      %get3A_137 = tpu.vector_load %arg5[%get3A_135, %get3A_136] {strides = array<i32>} : memref<128x64xf32, #tpu.memory_space<vmem>>, vector<16xf32>,
      %add3A_138 = arith.constant 16 : i32
      %add3A_139 = vector.broadcast %add3A_138 : i32 to vector<16xi32>
      %add3A_140 = arith.addi %iota3A, %add3A_139 : vector<16xi32>
      %masked_sort3A_141 = arith.constant dense<true> : vector<16xi1>
      %masked_sort3A_142, %masked_sort3A_143, %masked_sort3A_144 = tpu.sort %get3A_137, %add3A_140 masked %masked_sort3A_141 {descending = true} : (vector<16xf32>, vector<16xi32>, vector<16xi1>) -> (vector<16xi1>, vector<16xf32>, vector<16xi32>)
      %get3A_145 = arith.index_cast %add3A_124 : i32 to index
      %get3A_146 = arith.constant 32 : index
      %get3A_147 = tpu.vector_load %arg5[%get3A_145, %get3A_146] {strides = array<i32>} : memref<128x64xf32, #tpu.memory_space<vmem>>, vector<16xf32>,
      %add3A_148 = arith.constant 32 : i32
      %add3A_149 = vector.broadcast %add3A_148 : i32 to vector<16xi32>
      %add3A_150 = arith.addi %iota3A, %add3A_149 : vector<16xi32>
      %masked_sort3A_151 = arith.constant dense<true> : vector<16xi1>
      %masked_sort3A_152, %masked_sort3A_153, %masked_sort3A_154 = tpu.sort %get3A_147, %add3A_150 masked %masked_sort3A_151 {descending = true} : (vector<16xf32>, vector<16xi32>, vector<16xi1>) -> (vector<16xi1>, vector<16xf32>, vector<16xi32>)
      %get3A_155 = arith.index_cast %add3A_124 : i32 to index
      %get3A_156 = arith.constant 48 : index
      %get3A_157 = tpu.vector_load %arg5[%get3A_155, %get3A_156] {strides = array<i32>} : memref<128x64xf32, #tpu.memory_space<vmem>>, vector<16xf32>,
      %add3A_158 = arith.constant 48 : i32
      %add3A_159 = vector.broadcast %add3A_158 : i32 to vector<16xi32>
      %add3A_160 = arith.addi %iota3A, %add3A_159 : vector<16xi32>
      %masked_sort3A_161 = arith.constant dense<true> : vector<16xi1>
      %masked_sort3A_162, %masked_sort3A_163, %masked_sort3A_164 = tpu.sort %get3A_157, %add3A_160 masked %masked_sort3A_161 {descending = true} : (vector<16xf32>, vector<16xi32>, vector<16xi1>) -> (vector<16xi1>, vector<16xf32>, vector<16xi32>)
      %rev3A_165 = arith.constant 15 : i32
      %rev3A_166 = vector.broadcast %rev3A_165 : i32 to vector<16xi32>
      %rev3A_167 = tpu.iota {dimensions = array<i32: 0>} : vector<16xi32>
      %rev3A_168 = arith.subi %rev3A_166, %rev3A_167 : vector<16xi32>
      %rev3A_169 = tpu.dynamic_gather %masked_sort3A_143[%rev3A_168] in [0] : vector<16xf32>, vector<16xi32> -> vector<16xf32>
      %rev3A_170 = arith.constant 15 : i32
      %rev3A_171 = vector.broadcast %rev3A_170 : i32 to vector<16xi32>
      %rev3A_172 = tpu.iota {dimensions = array<i32: 0>} : vector<16xi32>
      %rev3A_173 = arith.subi %rev3A_171, %rev3A_172 : vector<16xi32>
      %rev3A_174 = tpu.dynamic_gather %masked_sort3A_144[%rev3A_173] in [0] : vector<16xi32>, vector<16xi32> -> vector<16xi32>
      %ge3A_175 = arith.cmpf oge, %masked_sort3A_133, %rev3A_169 : vector<16xf32>
      %select_n3A_176 = arith.select %ge3A_175, %masked_sort3A_133, %rev3A_169 : vector<16xi1>, vector<16xf32>
      %select_n3A_177 = arith.select %ge3A_175, %masked_sort3A_134, %rev3A_174 : vector<16xi1>, vector<16xi32>
      %masked_sort3A_178 = arith.constant dense<true> : vector<16xi1>
      %masked_sort3A_179, %masked_sort3A_180, %masked_sort3A_181 = tpu.sort %select_n3A_176, %select_n3A_177 masked %masked_sort3A_178 {descending = true} : (vector<16xf32>, vector<16xi32>, vector<16xi1>) -> (vector<16xi1>, vector<16xf32>, vector<16xi32>)
      %rev3A_182 = arith.constant 15 : i32
      %rev3A_183 = vector.broadcast %rev3A_182 : i32 to vector<16xi32>
      %rev3A_184 = tpu.iota {dimensions = array<i32: 0>} : vector<16xi32>
      %rev3A_185 = arith.subi %rev3A_183, %rev3A_184 : vector<16xi32>
      %rev3A_186 = tpu.dynamic_gather %masked_sort3A_163[%rev3A_185] in [0] : vector<16xf32>, vector<16xi32> -> vector<16xf32>
      %rev3A_187 = arith.constant 15 : i32
      %rev3A_188 = vector.broadcast %rev3A_187 : i32 to vector<16xi32>
      %rev3A_189 = tpu.iota {dimensions = array<i32: 0>} : vector<16xi32>
      %rev3A_190 = arith.subi %rev3A_188, %rev3A_189 : vector<16xi32>
      %rev3A_191 = tpu.dynamic_gather %masked_sort3A_164[%rev3A_190] in [0] : vector<16xi32>, vector<16xi32> -> vector<16xi32>
      %ge3A_192 = arith.cmpf oge, %masked_sort3A_153, %rev3A_186 : vector<16xf32>
      %select_n3A_193 = arith.select %ge3A_192, %masked_sort3A_153, %rev3A_186 : vector<16xi1>, vector<16xf32>
      %select_n3A_194 = arith.select %ge3A_192, %masked_sort3A_154, %rev3A_191 : vector<16xi1>, vector<16xi32>
      %masked_sort3A_195 = arith.constant dense<true> : vector<16xi1>
      %masked_sort3A_196, %masked_sort3A_197, %masked_sort3A_198 = tpu.sort %select_n3A_193, %select_n3A_194 masked %masked_sort3A_195 {descending = true} : (vector<16xf32>, vector<16xi32>, vector<16xi1>) -> (vector<16xi1>, vector<16xf32>, vector<16xi32>)
      %rev3A_199 = arith.constant 15 : i32
      %rev3A_200 = vector.broadcast %rev3A_199 : i32 to vector<16xi32>
      %rev3A_201 = tpu.iota {dimensions = array<i32: 0>} : vector<16xi32>
      %rev3A_202 = arith.subi %rev3A_200, %rev3A_201 : vector<16xi32>
      %rev3A_203 = tpu.dynamic_gather %masked_sort3A_197[%rev3A_202] in [0] : vector<16xf32>, vector<16xi32> -> vector<16xf32>
      %rev3A_204 = arith.constant 15 : i32
      %rev3A_205 = vector.broadcast %rev3A_204 : i32 to vector<16xi32>
      %rev3A_206 = tpu.iota {dimensions = array<i32: 0>} : vector<16xi32>
      %rev3A_207 = arith.subi %rev3A_205, %rev3A_206 : vector<16xi32>
      %rev3A_208 = tpu.dynamic_gather %masked_sort3A_198[%rev3A_207] in [0] : vector<16xi32>, vector<16xi32> -> vector<16xi32>
      %ge3A_209 = arith.cmpf oge, %masked_sort3A_180, %rev3A_203 : vector<16xf32>
      %select_n3A_210 = arith.select %ge3A_209, %masked_sort3A_180, %rev3A_203 : vector<16xi1>, vector<16xf32>
      %select_n3A_211 = arith.select %ge3A_209, %masked_sort3A_181, %rev3A_208 : vector<16xi1>, vector<16xi32>
      %masked_sort3A_212 = arith.constant dense<true> : vector<16xi1>
      %masked_sort3A_213, %masked_sort3A_214, %masked_sort3A_215 = tpu.sort %select_n3A_210, %select_n3A_211 masked %masked_sort3A_212 {descending = true} : (vector<16xf32>, vector<16xi32>, vector<16xi1>) -> (vector<16xi1>, vector<16xf32>, vector<16xi32>)
      %reduce_max3A_216 = arith.constant true
      %reduce_max3A_217 = vector.broadcast %reduce_max3A_216 : i1 to vector<16xi1>
      %reduce_max3A_218 = tpu.scan <max>, %masked_sort3A_214 masked %reduce_max3A_217 : vector<16xf32>, vector<16xi1> -> vector<16xf32>
      %reduce_max3A_219 = vector.extract %reduce_max3A_218[15] : f32 from vector<16xf32>
      %sub3A_220 = vector.broadcast %reduce_max3A_219 : f32 to vector<16xf32>
      %sub3A_221 = arith.subf %masked_sort3A_214, %sub3A_220 : vector<16xf32>
      %exp3A_222 = math.exp %sub3A_221 : vector<16xf32>
      %jit3A_223 = arith.constant 0.000000e+00 : f32
      %broadcast_in_dim3A_224 = vector.broadcast %jit3A_223 : f32 to vector<16xf32>
      %select_n3A_225 = arith.select %lt3A_4, %exp3A_222, %broadcast_in_dim3A_224 : vector<16xi1>, vector<16xf32>
      %reduce_sum3A_226 = arith.constant true
      %reduce_sum3A_227 = vector.broadcast %reduce_sum3A_226 : i1 to vector<16xi1>
      %reduce_sum3A_228 = tpu.scan <sum>, %select_n3A_225 masked %reduce_sum3A_227 : vector<16xf32>, vector<16xi1> -> vector<16xf32>
      %reduce_sum3A_229 = vector.extract %reduce_sum3A_228[15] : f32 from vector<16xf32>
      %div3A_230 = vector.broadcast %reduce_sum3A_229 : f32 to vector<16xf32>
      %div3A_231 = arith.divf %select_n3A_225, %div3A_230 : vector<16xf32>
      %mul3A_232 = arith.constant 8 : i32
      %mul3A_233 = arith.muli %add3A_124, %mul3A_232 : i32
      %swap3A_234 = arith.index_cast %mul3A_233 : i32 to index
      %swap3A_235 = tpu.vector_load %arg6[%swap3A_234] {strides = array<i32>} : memref<1056xf32, #tpu.memory_space<vmem>>, vector<16xf32>,
      tpu.vector_store %arg6[%swap3A_234], %div3A_231 {strides = array<i32>} : memref<1056xf32, #tpu.memory_space<vmem>>, vector<16xf32>,
      %mul3A_236 = arith.constant 8 : i32
      %mul3A_237 = arith.muli %add3A_124, %mul3A_236 : i32
      %swap3A_238 = arith.index_cast %mul3A_237 : i32 to index
      %swap3A_239 = tpu.vector_load %arg7[%swap3A_238] {strides = array<i32>} : memref<1056xi32, #tpu.memory_space<vmem>>, vector<16xi32>,
      tpu.vector_store %arg7[%swap3A_238], %masked_sort3A_215 {strides = array<i32>} : memref<1056xi32, #tpu.memory_space<vmem>>, vector<16xi32>,
      %mul3A_240 = arith.constant 4 : i32
      %mul3A_241 = arith.muli %scan3A_14, %mul3A_240 : i32
      %add3A_242 = arith.constant 2 : i32
      %add3A_243 = arith.addi %mul3A_241, %add3A_242 : i32
      %get3A_244 = arith.index_cast %add3A_243 : i32 to index
      %get3A_245 = arith.constant 0 : index
      %get3A_246 = tpu.vector_load %arg5[%get3A_244, %get3A_245] {strides = array<i32>} : memref<128x64xf32, #tpu.memory_space<vmem>>, vector<16xf32>,
      %add3A_247 = arith.constant 0 : i32
      %add3A_248 = vector.broadcast %add3A_247 : i32 to vector<16xi32>
      %add3A_249 = arith.addi %iota3A, %add3A_248 : vector<16xi32>
      %masked_sort3A_250 = arith.constant dense<true> : vector<16xi1>
      %masked_sort3A_251, %masked_sort3A_252, %masked_sort3A_253 = tpu.sort %get3A_246, %add3A_249 masked %masked_sort3A_250 {descending = true} : (vector<16xf32>, vector<16xi32>, vector<16xi1>) -> (vector<16xi1>, vector<16xf32>, vector<16xi32>)
      %get3A_254 = arith.index_cast %add3A_243 : i32 to index
      %get3A_255 = arith.constant 16 : index
      %get3A_256 = tpu.vector_load %arg5[%get3A_254, %get3A_255] {strides = array<i32>} : memref<128x64xf32, #tpu.memory_space<vmem>>, vector<16xf32>,
      %add3A_257 = arith.constant 16 : i32
      %add3A_258 = vector.broadcast %add3A_257 : i32 to vector<16xi32>
      %add3A_259 = arith.addi %iota3A, %add3A_258 : vector<16xi32>
      %masked_sort3A_260 = arith.constant dense<true> : vector<16xi1>
      %masked_sort3A_261, %masked_sort3A_262, %masked_sort3A_263 = tpu.sort %get3A_256, %add3A_259 masked %masked_sort3A_260 {descending = true} : (vector<16xf32>, vector<16xi32>, vector<16xi1>) -> (vector<16xi1>, vector<16xf32>, vector<16xi32>)
      %get3A_264 = arith.index_cast %add3A_243 : i32 to index
      %get3A_265 = arith.constant 32 : index
      %get3A_266 = tpu.vector_load %arg5[%get3A_264, %get3A_265] {strides = array<i32>} : memref<128x64xf32, #tpu.memory_space<vmem>>, vector<16xf32>,
      %add3A_267 = arith.constant 32 : i32
      %add3A_268 = vector.broadcast %add3A_267 : i32 to vector<16xi32>
      %add3A_269 = arith.addi %iota3A, %add3A_268 : vector<16xi32>
      %masked_sort3A_270 = arith.constant dense<true> : vector<16xi1>
      %masked_sort3A_271, %masked_sort3A_272, %masked_sort3A_273 = tpu.sort %get3A_266, %add3A_269 masked %masked_sort3A_270 {descending = true} : (vector<16xf32>, vector<16xi32>, vector<16xi1>) -> (vector<16xi1>, vector<16xf32>, vector<16xi32>)
      %get3A_274 = arith.index_cast %add3A_243 : i32 to index
      %get3A_275 = arith.constant 48 : index
      %get3A_276 = tpu.vector_load %arg5[%get3A_274, %get3A_275] {strides = array<i32>} : memref<128x64xf32, #tpu.memory_space<vmem>>, vector<16xf32>,
      %add3A_277 = arith.constant 48 : i32
      %add3A_278 = vector.broadcast %add3A_277 : i32 to vector<16xi32>
      %add3A_279 = arith.addi %iota3A, %add3A_278 : vector<16xi32>
      %masked_sort3A_280 = arith.constant dense<true> : vector<16xi1>
      %masked_sort3A_281, %masked_sort3A_282, %masked_sort3A_283 = tpu.sort %get3A_276, %add3A_279 masked %masked_sort3A_280 {descending = true} : (vector<16xf32>, vector<16xi32>, vector<16xi1>) -> (vector<16xi1>, vector<16xf32>, vector<16xi32>)
      %rev3A_284 = arith.constant 15 : i32
      %rev3A_285 = vector.broadcast %rev3A_284 : i32 to vector<16xi32>
      %rev3A_286 = tpu.iota {dimensions = array<i32: 0>} : vector<16xi32>
      %rev3A_287 = arith.subi %rev3A_285, %rev3A_286 : vector<16xi32>
      %rev3A_288 = tpu.dynamic_gather %masked_sort3A_262[%rev3A_287] in [0] : vector<16xf32>, vector<16xi32> -> vector<16xf32>
      %rev3A_289 = arith.constant 15 : i32
      %rev3A_290 = vector.broadcast %rev3A_289 : i32 to vector<16xi32>
      %rev3A_291 = tpu.iota {dimensions = array<i32: 0>} : vector<16xi32>
      %rev3A_292 = arith.subi %rev3A_290, %rev3A_291 : vector<16xi32>
      %rev3A_293 = tpu.dynamic_gather %masked_sort3A_263[%rev3A_292] in [0] : vector<16xi32>, vector<16xi32> -> vector<16xi32>
      %ge3A_294 = arith.cmpf oge, %masked_sort3A_252, %rev3A_288 : vector<16xf32>
      %select_n3A_295 = arith.select %ge3A_294, %masked_sort3A_252, %rev3A_288 : vector<16xi1>, vector<16xf32>
      %select_n3A_296 = arith.select %ge3A_294, %masked_sort3A_253, %rev3A_293 : vector<16xi1>, vector<16xi32>
      %masked_sort3A_297 = arith.constant dense<true> : vector<16xi1>
      %masked_sort3A_298, %masked_sort3A_299, %masked_sort3A_300 = tpu.sort %select_n3A_295, %select_n3A_296 masked %masked_sort3A_297 {descending = true} : (vector<16xf32>, vector<16xi32>, vector<16xi1>) -> (vector<16xi1>, vector<16xf32>, vector<16xi32>)
      %rev3A_301 = arith.constant 15 : i32
      %rev3A_302 = vector.broadcast %rev3A_301 : i32 to vector<16xi32>
      %rev3A_303 = tpu.iota {dimensions = array<i32: 0>} : vector<16xi32>
      %rev3A_304 = arith.subi %rev3A_302, %rev3A_303 : vector<16xi32>
      %rev3A_305 = tpu.dynamic_gather %masked_sort3A_282[%rev3A_304] in [0] : vector<16xf32>, vector<16xi32> -> vector<16xf32>
      %rev3A_306 = arith.constant 15 : i32
      %rev3A_307 = vector.broadcast %rev3A_306 : i32 to vector<16xi32>
      %rev3A_308 = tpu.iota {dimensions = array<i32: 0>} : vector<16xi32>
      %rev3A_309 = arith.subi %rev3A_307, %rev3A_308 : vector<16xi32>
      %rev3A_310 = tpu.dynamic_gather %masked_sort3A_283[%rev3A_309] in [0] : vector<16xi32>, vector<16xi32> -> vector<16xi32>
      %ge3A_311 = arith.cmpf oge, %masked_sort3A_272, %rev3A_305 : vector<16xf32>
      %select_n3A_312 = arith.select %ge3A_311, %masked_sort3A_272, %rev3A_305 : vector<16xi1>, vector<16xf32>
      %select_n3A_313 = arith.select %ge3A_311, %masked_sort3A_273, %rev3A_310 : vector<16xi1>, vector<16xi32>
      %masked_sort3A_314 = arith.constant dense<true> : vector<16xi1>
      %masked_sort3A_315, %masked_sort3A_316, %masked_sort3A_317 = tpu.sort %select_n3A_312, %select_n3A_313 masked %masked_sort3A_314 {descending = true} : (vector<16xf32>, vector<16xi32>, vector<16xi1>) -> (vector<16xi1>, vector<16xf32>, vector<16xi32>)
      %rev3A_318 = arith.constant 15 : i32
      %rev3A_319 = vector.broadcast %rev3A_318 : i32 to vector<16xi32>
      %rev3A_320 = tpu.iota {dimensions = array<i32: 0>} : vector<16xi32>
      %rev3A_321 = arith.subi %rev3A_319, %rev3A_320 : vector<16xi32>
      %rev3A_322 = tpu.dynamic_gather %masked_sort3A_316[%rev3A_321] in [0] : vector<16xf32>, vector<16xi32> -> vector<16xf32>
      %rev3A_323 = arith.constant 15 : i32
      %rev3A_324 = vector.broadcast %rev3A_323 : i32 to vector<16xi32>
      %rev3A_325 = tpu.iota {dimensions = array<i32: 0>} : vector<16xi32>
      %rev3A_326 = arith.subi %rev3A_324, %rev3A_325 : vector<16xi32>
      %rev3A_327 = tpu.dynamic_gather %masked_sort3A_317[%rev3A_326] in [0] : vector<16xi32>, vector<16xi32> -> vector<16xi32>
      %ge3A_328 = arith.cmpf oge, %masked_sort3A_299, %rev3A_322 : vector<16xf32>
      %select_n3A_329 = arith.select %ge3A_328, %masked_sort3A_299, %rev3A_322 : vector<16xi1>, vector<16xf32>
      %select_n3A_330 = arith.select %ge3A_328, %masked_sort3A_300, %rev3A_327 : vector<16xi1>, vector<16xi32>
      %masked_sort3A_331 = arith.constant dense<true> : vector<16xi1>
      %masked_sort3A_332, %masked_sort3A_333, %masked_sort3A_334 = tpu.sort %select_n3A_329, %select_n3A_330 masked %masked_sort3A_331 {descending = true} : (vector<16xf32>, vector<16xi32>, vector<16xi1>) -> (vector<16xi1>, vector<16xf32>, vector<16xi32>)
      %reduce_max3A_335 = arith.constant true
      %reduce_max3A_336 = vector.broadcast %reduce_max3A_335 : i1 to vector<16xi1>
      %reduce_max3A_337 = tpu.scan <max>, %masked_sort3A_333 masked %reduce_max3A_336 : vector<16xf32>, vector<16xi1> -> vector<16xf32>
      %reduce_max3A_338 = vector.extract %reduce_max3A_337[15] : f32 from vector<16xf32>
      %sub3A_339 = vector.broadcast %reduce_max3A_338 : f32 to vector<16xf32>
      %sub3A_340 = arith.subf %masked_sort3A_333, %sub3A_339 : vector<16xf32>
      %exp3A_341 = math.exp %sub3A_340 : vector<16xf32>
      %jit3A_342 = arith.constant 0.000000e+00 : f32
      %broadcast_in_dim3A_343 = vector.broadcast %jit3A_342 : f32 to vector<16xf32>
      %select_n3A_344 = arith.select %lt3A_4, %exp3A_341, %broadcast_in_dim3A_343 : vector<16xi1>, vector<16xf32>
      %reduce_sum3A_345 = arith.constant true
      %reduce_sum3A_346 = vector.broadcast %reduce_sum3A_345 : i1 to vector<16xi1>
      %reduce_sum3A_347 = tpu.scan <sum>, %select_n3A_344 masked %reduce_sum3A_346 : vector<16xf32>, vector<16xi1> -> vector<16xf32>
      %reduce_sum3A_348 = vector.extract %reduce_sum3A_347[15] : f32 from vector<16xf32>
      %div3A_349 = vector.broadcast %reduce_sum3A_348 : f32 to vector<16xf32>
      %div3A_350 = arith.divf %select_n3A_344, %div3A_349 : vector<16xf32>
      %mul3A_351 = arith.constant 8 : i32
      %mul3A_352 = arith.muli %add3A_243, %mul3A_351 : i32
      %swap3A_353 = arith.index_cast %mul3A_352 : i32 to index
      %swap3A_354 = tpu.vector_load %arg6[%swap3A_353] {strides = array<i32>} : memref<1056xf32, #tpu.memory_space<vmem>>, vector<16xf32>,
      tpu.vector_store %arg6[%swap3A_353], %div3A_350 {strides = array<i32>} : memref<1056xf32, #tpu.memory_space<vmem>>, vector<16xf32>,
      %mul3A_355 = arith.constant 8 : i32
      %mul3A_356 = arith.muli %add3A_243, %mul3A_355 : i32
      %swap3A_357 = arith.index_cast %mul3A_356 : i32 to index
      %swap3A_358 = tpu.vector_load %arg7[%swap3A_357] {strides = array<i32>} : memref<1056xi32, #tpu.memory_space<vmem>>, vector<16xi32>,
      tpu.vector_store %arg7[%swap3A_357], %masked_sort3A_334 {strides = array<i32>} : memref<1056xi32, #tpu.memory_space<vmem>>, vector<16xi32>,
      %mul3A_359 = arith.constant 4 : i32
      %mul3A_360 = arith.muli %scan3A_14, %mul3A_359 : i32
      %add3A_361 = arith.constant 3 : i32
      %add3A_362 = arith.addi %mul3A_360, %add3A_361 : i32
      %get3A_363 = arith.index_cast %add3A_362 : i32 to index
      %get3A_364 = arith.constant 0 : index
      %get3A_365 = tpu.vector_load %arg5[%get3A_363, %get3A_364] {strides = array<i32>} : memref<128x64xf32, #tpu.memory_space<vmem>>, vector<16xf32>,
      %add3A_366 = arith.constant 0 : i32
      %add3A_367 = vector.broadcast %add3A_366 : i32 to vector<16xi32>
      %add3A_368 = arith.addi %iota3A, %add3A_367 : vector<16xi32>
      %masked_sort3A_369 = arith.constant dense<true> : vector<16xi1>
      %masked_sort3A_370, %masked_sort3A_371, %masked_sort3A_372 = tpu.sort %get3A_365, %add3A_368 masked %masked_sort3A_369 {descending = true} : (vector<16xf32>, vector<16xi32>, vector<16xi1>) -> (vector<16xi1>, vector<16xf32>, vector<16xi32>)
      %get3A_373 = arith.index_cast %add3A_362 : i32 to index
      %get3A_374 = arith.constant 16 : index
      %get3A_375 = tpu.vector_load %arg5[%get3A_373, %get3A_374] {strides = array<i32>} : memref<128x64xf32, #tpu.memory_space<vmem>>, vector<16xf32>,
      %add3A_376 = arith.constant 16 : i32
      %add3A_377 = vector.broadcast %add3A_376 : i32 to vector<16xi32>
      %add3A_378 = arith.addi %iota3A, %add3A_377 : vector<16xi32>
      %masked_sort3A_379 = arith.constant dense<true> : vector<16xi1>
      %masked_sort3A_380, %masked_sort3A_381, %masked_sort3A_382 = tpu.sort %get3A_375, %add3A_378 masked %masked_sort3A_379 {descending = true} : (vector<16xf32>, vector<16xi32>, vector<16xi1>) -> (vector<16xi1>, vector<16xf32>, vector<16xi32>)
      %get3A_383 = arith.index_cast %add3A_362 : i32 to index
      %get3A_384 = arith.constant 32 : index
      %get3A_385 = tpu.vector_load %arg5[%get3A_383, %get3A_384] {strides = array<i32>} : memref<128x64xf32, #tpu.memory_space<vmem>>, vector<16xf32>,
      %add3A_386 = arith.constant 32 : i32
      %add3A_387 = vector.broadcast %add3A_386 : i32 to vector<16xi32>
      %add3A_388 = arith.addi %iota3A, %add3A_387 : vector<16xi32>
      %masked_sort3A_389 = arith.constant dense<true> : vector<16xi1>
      %masked_sort3A_390, %masked_sort3A_391, %masked_sort3A_392 = tpu.sort %get3A_385, %add3A_388 masked %masked_sort3A_389 {descending = true} : (vector<16xf32>, vector<16xi32>, vector<16xi1>) -> (vector<16xi1>, vector<16xf32>, vector<16xi32>)
      %get3A_393 = arith.index_cast %add3A_362 : i32 to index
      %get3A_394 = arith.constant 48 : index
      %get3A_395 = tpu.vector_load %arg5[%get3A_393, %get3A_394] {strides = array<i32>} : memref<128x64xf32, #tpu.memory_space<vmem>>, vector<16xf32>,
      %add3A_396 = arith.constant 48 : i32
      %add3A_397 = vector.broadcast %add3A_396 : i32 to vector<16xi32>
      %add3A_398 = arith.addi %iota3A, %add3A_397 : vector<16xi32>
      %masked_sort3A_399 = arith.constant dense<true> : vector<16xi1>
      %masked_sort3A_400, %masked_sort3A_401, %masked_sort3A_402 = tpu.sort %get3A_395, %add3A_398 masked %masked_sort3A_399 {descending = true} : (vector<16xf32>, vector<16xi32>, vector<16xi1>) -> (vector<16xi1>, vector<16xf32>, vector<16xi32>)
      %rev3A_403 = arith.constant 15 : i32
      %rev3A_404 = vector.broadcast %rev3A_403 : i32 to vector<16xi32>
      %rev3A_405 = tpu.iota {dimensions = array<i32: 0>} : vector<16xi32>
      %rev3A_406 = arith.subi %rev3A_404, %rev3A_405 : vector<16xi32>
      %rev3A_407 = tpu.dynamic_gather %masked_sort3A_381[%rev3A_406] in [0] : vector<16xf32>, vector<16xi32> -> vector<16xf32>
      %rev3A_408 = arith.constant 15 : i32
      %rev3A_409 = vector.broadcast %rev3A_408 : i32 to vector<16xi32>
      %rev3A_410 = tpu.iota {dimensions = array<i32: 0>} : vector<16xi32>
      %rev3A_411 = arith.subi %rev3A_409, %rev3A_410 : vector<16xi32>
      %rev3A_412 = tpu.dynamic_gather %masked_sort3A_382[%rev3A_411] in [0] : vector<16xi32>, vector<16xi32> -> vector<16xi32>
      %ge3A_413 = arith.cmpf oge, %masked_sort3A_371, %rev3A_407 : vector<16xf32>
      %select_n3A_414 = arith.select %ge3A_413, %masked_sort3A_371, %rev3A_407 : vector<16xi1>, vector<16xf32>
      %select_n3A_415 = arith.select %ge3A_413, %masked_sort3A_372, %rev3A_412 : vector<16xi1>, vector<16xi32>
      %masked_sort3A_416 = arith.constant dense<true> : vector<16xi1>
      %masked_sort3A_417, %masked_sort3A_418, %masked_sort3A_419 = tpu.sort %select_n3A_414, %select_n3A_415 masked %masked_sort3A_416 {descending = true} : (vector<16xf32>, vector<16xi32>, vector<16xi1>) -> (vector<16xi1>, vector<16xf32>, vector<16xi32>)
      %rev3A_420 = arith.constant 15 : i32
      %rev3A_421 = vector.broadcast %rev3A_420 : i32 to vector<16xi32>
      %rev3A_422 = tpu.iota {dimensions = array<i32: 0>} : vector<16xi32>
      %rev3A_423 = arith.subi %rev3A_421, %rev3A_422 : vector<16xi32>
      %rev3A_424 = tpu.dynamic_gather %masked_sort3A_401[%rev3A_423] in [0] : vector<16xf32>, vector<16xi32> -> vector<16xf32>
      %rev3A_425 = arith.constant 15 : i32
      %rev3A_426 = vector.broadcast %rev3A_425 : i32 to vector<16xi32>
      %rev3A_427 = tpu.iota {dimensions = array<i32: 0>} : vector<16xi32>
      %rev3A_428 = arith.subi %rev3A_426, %rev3A_427 : vector<16xi32>
      %rev3A_429 = tpu.dynamic_gather %masked_sort3A_402[%rev3A_428] in [0] : vector<16xi32>, vector<16xi32> -> vector<16xi32>
      %ge3A_430 = arith.cmpf oge, %masked_sort3A_391, %rev3A_424 : vector<16xf32>
      %select_n3A_431 = arith.select %ge3A_430, %masked_sort3A_391, %rev3A_424 : vector<16xi1>, vector<16xf32>
      %select_n3A_432 = arith.select %ge3A_430, %masked_sort3A_392, %rev3A_429 : vector<16xi1>, vector<16xi32>
      %masked_sort3A_433 = arith.constant dense<true> : vector<16xi1>
      %masked_sort3A_434, %masked_sort3A_435, %masked_sort3A_436 = tpu.sort %select_n3A_431, %select_n3A_432 masked %masked_sort3A_433 {descending = true} : (vector<16xf32>, vector<16xi32>, vector<16xi1>) -> (vector<16xi1>, vector<16xf32>, vector<16xi32>)
      %rev3A_437 = arith.constant 15 : i32
      %rev3A_438 = vector.broadcast %rev3A_437 : i32 to vector<16xi32>
      %rev3A_439 = tpu.iota {dimensions = array<i32: 0>} : vector<16xi32>
      %rev3A_440 = arith.subi %rev3A_438, %rev3A_439 : vector<16xi32>
      %rev3A_441 = tpu.dynamic_gather %masked_sort3A_435[%rev3A_440] in [0] : vector<16xf32>, vector<16xi32> -> vector<16xf32>
      %rev3A_442 = arith.constant 15 : i32
      %rev3A_443 = vector.broadcast %rev3A_442 : i32 to vector<16xi32>
      %rev3A_444 = tpu.iota {dimensions = array<i32: 0>} : vector<16xi32>
      %rev3A_445 = arith.subi %rev3A_443, %rev3A_444 : vector<16xi32>
      %rev3A_446 = tpu.dynamic_gather %masked_sort3A_436[%rev3A_445] in [0] : vector<16xi32>, vector<16xi32> -> vector<16xi32>
      %ge3A_447 = arith.cmpf oge, %masked_sort3A_418, %rev3A_441 : vector<16xf32>
      %select_n3A_448 = arith.select %ge3A_447, %masked_sort3A_418, %rev3A_441 : vector<16xi1>, vector<16xf32>
      %select_n3A_449 = arith.select %ge3A_447, %masked_sort3A_419, %rev3A_446 : vector<16xi1>, vector<16xi32>
      %masked_sort3A_450 = arith.constant dense<true> : vector<16xi1>
      %masked_sort3A_451, %masked_sort3A_452, %masked_sort3A_453 = tpu.sort %select_n3A_448, %select_n3A_449 masked %masked_sort3A_450 {descending = true} : (vector<16xf32>, vector<16xi32>, vector<16xi1>) -> (vector<16xi1>, vector<16xf32>, vector<16xi32>)
      %reduce_max3A_454 = arith.constant true
      %reduce_max3A_455 = vector.broadcast %reduce_max3A_454 : i1 to vector<16xi1>
      %reduce_max3A_456 = tpu.scan <max>, %masked_sort3A_452 masked %reduce_max3A_455 : vector<16xf32>, vector<16xi1> -> vector<16xf32>
      %reduce_max3A_457 = vector.extract %reduce_max3A_456[15] : f32 from vector<16xf32>
      %sub3A_458 = vector.broadcast %reduce_max3A_457 : f32 to vector<16xf32>
      %sub3A_459 = arith.subf %masked_sort3A_452, %sub3A_458 : vector<16xf32>
      %exp3A_460 = math.exp %sub3A_459 : vector<16xf32>
      %jit3A_461 = arith.constant 0.000000e+00 : f32
      %broadcast_in_dim3A_462 = vector.broadcast %jit3A_461 : f32 to vector<16xf32>
      %select_n3A_463 = arith.select %lt3A_4, %exp3A_460, %broadcast_in_dim3A_462 : vector<16xi1>, vector<16xf32>
      %reduce_sum3A_464 = arith.constant true
      %reduce_sum3A_465 = vector.broadcast %reduce_sum3A_464 : i1 to vector<16xi1>
      %reduce_sum3A_466 = tpu.scan <sum>, %select_n3A_463 masked %reduce_sum3A_465 : vector<16xf32>, vector<16xi1> -> vector<16xf32>
      %reduce_sum3A_467 = vector.extract %reduce_sum3A_466[15] : f32 from vector<16xf32>
      %div3A_468 = vector.broadcast %reduce_sum3A_467 : f32 to vector<16xf32>
      %div3A_469 = arith.divf %select_n3A_463, %div3A_468 : vector<16xf32>
      %mul3A_470 = arith.constant 8 : i32
      %mul3A_471 = arith.muli %add3A_362, %mul3A_470 : i32
      %swap3A_472 = arith.index_cast %mul3A_471 : i32 to index
      %swap3A_473 = tpu.vector_load %arg6[%swap3A_472] {strides = array<i32>} : memref<1056xf32, #tpu.memory_space<vmem>>, vector<16xf32>,
      tpu.vector_store %arg6[%swap3A_472], %div3A_469 {strides = array<i32>} : memref<1056xf32, #tpu.memory_space<vmem>>, vector<16xf32>,
      %mul3A_474 = arith.constant 8 : i32
      %mul3A_475 = arith.muli %add3A_362, %mul3A_474 : i32
      %swap3A_476 = arith.index_cast %mul3A_475 : i32 to index
      %swap3A_477 = tpu.vector_load %arg7[%swap3A_476] {strides = array<i32>} : memref<1056xi32, #tpu.memory_space<vmem>>, vector<16xi32>,
      tpu.vector_store %arg7[%swap3A_476], %masked_sort3A_453 {strides = array<i32>} : memref<1056xi32, #tpu.memory_space<vmem>>, vector<16xi32>,
    }
    %scan3A_9 = arith.constant 32 : i32
    %mul3A_10 = arith.constant 8 : i32
    %mul3A_11 = arith.muli %mul3A_2, %mul3A_10 : i32
    "tpu.region"() ({
      %run_scoped3A = tpu.sem_alloc : memref<!tpu.dma_semaphore, #tpu.memory_space<semaphore_mem>>
      %dma_start3A = arith.constant 0 : i32
      %dma_start3A_14 = tpu.memref_slice %arg6[%dma_start3A] : memref<1056xf32, #tpu.memory_space<vmem>> -> memref<1024xf32, #tpu.memory_space<vmem>>
      %dma_start3A_15 = tpu.memref_slice %arg3[%mul3A_11] : memref<32768xf32, #tpu.memory_space<hbm>> -> memref<1024xf32, #tpu.memory_space<hbm>>
      %dma_start3A_16 = tpu.memref_slice %arg3[%mul3A_11] : memref<32768xf32, #tpu.memory_space<hbm>> -> memref<1024xf32, #tpu.memory_space<hbm>>
      %dma_start3A_17 = arith.constant 0 : i32
      %dma_start3A_18 = tpu.memref_slice %arg6[%dma_start3A_17] : memref<1056xf32, #tpu.memory_space<vmem>> -> memref<1024xf32, #tpu.memory_space<vmem>>
      tpu.enqueue_dma source(%dma_start3A_18 : memref<1024xf32, #tpu.memory_space<vmem>>) target(%dma_start3A_16 : memref<1024xf32, #tpu.memory_space<hbm>>) target_semaphore(%run_scoped3A : memref<!tpu.dma_semaphore, #tpu.memory_space<semaphore_mem>>)
      %dma_wait3A = arith.constant 0 : i32
      %dma_wait3A_19 = tpu.memref_slice %arg6[%dma_wait3A] : memref<1056xf32, #tpu.memory_space<vmem>> -> memref<1024xf32, #tpu.memory_space<vmem>>
      %dma_wait3A_20 = tpu.memref_slice %arg3[%mul3A_11] : memref<32768xf32, #tpu.memory_space<hbm>> -> memref<1024xf32, #tpu.memory_space<hbm>>
      %dma_wait3A_21 = tpu.memref_slice %arg3[%mul3A_11] : memref<32768xf32, #tpu.memory_space<hbm>> -> memref<1024xf32, #tpu.memory_space<hbm>>
      %dma_wait3A_22 = arith.constant 0 : i32
      %dma_wait3A_23 = tpu.memref_slice %arg6[%dma_wait3A_22] : memref<1056xf32, #tpu.memory_space<vmem>> -> memref<1024xf32, #tpu.memory_space<vmem>>
      tpu.wait_dma2 semaphore(%run_scoped3A : memref<!tpu.dma_semaphore, #tpu.memory_space<semaphore_mem>>) src(%dma_wait3A_23 : memref<1024xf32, #tpu.memory_space<vmem>>) dst(%dma_wait3A_21 : memref<1024xf32, #tpu.memory_space<hbm>>)
      tpu.yield
    }) : () -> ()
    %mul3A_12 = arith.constant 8 : i32
    %mul3A_13 = arith.muli %mul3A_2, %mul3A_12 : i32
    "tpu.region"() ({
      %run_scoped3A = tpu.sem_alloc : memref<!tpu.dma_semaphore, #tpu.memory_space<semaphore_mem>>
      %dma_start3A = arith.constant 0 : i32
      %dma_start3A_14 = tpu.memref_slice %arg7[%dma_start3A] : memref<1056xi32, #tpu.memory_space<vmem>> -> memref<1024xi32, #tpu.memory_space<vmem>>
      %dma_start3A_15 = tpu.memref_slice %arg4[%mul3A_13] : memref<32768xi32, #tpu.memory_space<hbm>> -> memref<1024xi32, #tpu.memory_space<hbm>>
      %dma_start3A_16 = tpu.memref_slice %arg4[%mul3A_13] : memref<32768xi32, #tpu.memory_space<hbm>> -> memref<1024xi32, #tpu.memory_space<hbm>>
      %dma_start3A_17 = arith.constant 0 : i32
      %dma_start3A_18 = tpu.memref_slice %arg7[%dma_start3A_17] : memref<1056xi32, #tpu.memory_space<vmem>> -> memref<1024xi32, #tpu.memory_space<vmem>>
      tpu.enqueue_dma source(%dma_start3A_18 : memref<1024xi32, #tpu.memory_space<vmem>>) target(%dma_start3A_16 : memref<1024xi32, #tpu.memory_space<hbm>>) target_semaphore(%run_scoped3A : memref<!tpu.dma_semaphore, #tpu.memory_space<semaphore_mem>>)
      %dma_wait3A = arith.constant 0 : i32
      %dma_wait3A_19 = tpu.memref_slice %arg7[%dma_wait3A] : memref<1056xi32, #tpu.memory_space<vmem>> -> memref<1024xi32, #tpu.memory_space<vmem>>
      %dma_wait3A_20 = tpu.memref_slice %arg4[%mul3A_13] : memref<32768xi32, #tpu.memory_space<hbm>> -> memref<1024xi32, #tpu.memory_space<hbm>>
      %dma_wait3A_21 = tpu.memref_slice %arg4[%mul3A_13] : memref<32768xi32, #tpu.memory_space<hbm>> -> memref<1024xi32, #tpu.memory_space<hbm>>
      %dma_wait3A_22 = arith.constant 0 : i32
      %dma_wait3A_23 = tpu.memref_slice %arg7[%dma_wait3A_22] : memref<1056xi32, #tpu.memory_space<vmem>> -> memref<1024xi32, #tpu.memory_space<vmem>>
      tpu.wait_dma2 semaphore(%run_scoped3A : memref<!tpu.dma_semaphore, #tpu.memory_space<semaphore_mem>>) src(%dma_wait3A_23 : memref<1024xi32, #tpu.memory_space<vmem>>) dst(%dma_wait3A_21 : memref<1024xi32, #tpu.memory_space<hbm>>)
      tpu.yield
    }) : () -> ()
    return
  }
}

module attributes {stable_mosaic.version = 14 : i64} {
  func.func @_gate_matmul_block(%arg0: i32, %arg1: memref<512x4096xf32, #tpu.memory_space<vmem>>, %arg2: memref<64x4096xf32, #tpu.memory_space<vmem>>, %arg3: memref<512x64xf32, #tpu.memory_space<vmem>>) attributes {dimension_semantics = [#tpu.dimension_semantics<arbitrary>], iteration_bounds = array<i64: 8>, scalar_prefetch = 0 : i64, scratch_operands = 0 : i64, tpu.core_type = #tpu.core_type<tc>, window_params = [{transform_indices = @transform_0, window_bounds = array<i64: 512, 4096>}, {pipeline_mode = #tpu.pipeline_mode<synchronous>, transform_indices = @transform_1, window_bounds = array<i64: 64, 4096>}, {transform_indices = @transform_2, window_bounds = array<i64: 512, 64>}]} {
    %get3A = arith.constant 0 : index
    %get3A_0 = arith.constant 0 : index
    %get3A_1 = vector.load %arg1[%get3A, %get3A_0] : memref<512x4096xf32, #tpu.memory_space<vmem>>, vector<512x4096xf32>
    %get3A_2 = arith.constant 0 : index
    %get3A_3 = arith.constant 0 : index
    %get3A_4 = vector.load %arg2[%get3A_2, %get3A_3] : memref<64x4096xf32, #tpu.memory_space<vmem>>, vector<64x4096xf32>
    %dot_general3A = arith.constant dense<0.000000e+00> : vector<512x64xf32>
    %dot_general3A_5 = tpu.matmul %get3A_1, %get3A_4, %dot_general3A {dimension_numbers = #tpu.dot_dimension_numbers<[1], [1], [0], [0], [0, 0, 1, 0], [], []>, transpose_lhs_hint = false} : vector<512x4096xf32>, vector<64x4096xf32>, vector<512x64xf32> -> vector<512x64xf32>
    %swap3A = arith.constant 0 : index
    %swap3A_6 = arith.constant 0 : index
    %swap3A_7 = vector.load %arg3[%swap3A, %swap3A_6] : memref<512x64xf32, #tpu.memory_space<vmem>>, vector<512x64xf32>
    tpu.vector_store %arg3[%swap3A, %swap3A_6], %dot_general3A_5 {strides = array<i32>} : memref<512x64xf32, #tpu.memory_space<vmem>>, vector<512x64xf32>,
    return
  }
  func.func @transform_0(%arg0: i32) -> (i32, i32) {
    %add3A = arith.constant 8 : i32
    %add3A_0 = arith.addi %add3A, %arg0 : i32
    %c0_i32 = arith.constant 0 : i32
    %c0_i32_1 = arith.constant 0 : i32
    return %add3A_0, %c0_i32 : i32, i32
  }
  func.func @transform_1(%arg0: i32) -> (i32, i32) {
    %c0_i32 = arith.constant 0 : i32
    %c0_i32_0 = arith.constant 0 : i32
    %c0_i32_1 = arith.constant 0 : i32
    return %c0_i32, %c0_i32_0 : i32, i32
  }
  func.func @transform_2(%arg0: i32) -> (i32, i32) {
    %c0_i32 = arith.constant 0 : i32
    %c0_i32_0 = arith.constant 0 : i32
    return %arg0, %c0_i32 : i32, i32
  }
}

module attributes {stable_mosaic.version = 14 : i64} {
  func.func @_gate_matmul_block(%arg0: i32, %arg1: memref<512x4096xf32, #tpu.memory_space<vmem>>, %arg2: memref<64x4096xf32, #tpu.memory_space<vmem>>, %arg3: memref<512x64xf32, #tpu.memory_space<vmem>>) attributes {dimension_semantics = [#tpu.dimension_semantics<arbitrary>], iteration_bounds = array<i64: 8>, scalar_prefetch = 0 : i64, scratch_operands = 0 : i64, tpu.core_type = #tpu.core_type<tc>, window_params = [{transform_indices = @transform_0, window_bounds = array<i64: 512, 4096>}, {pipeline_mode = #tpu.pipeline_mode<synchronous>, transform_indices = @transform_1, window_bounds = array<i64: 64, 4096>}, {transform_indices = @transform_2, window_bounds = array<i64: 512, 64>}]} {
    %get3A = arith.constant 0 : index
    %get3A_0 = arith.constant 0 : index
    %get3A_1 = vector.load %arg1[%get3A, %get3A_0] : memref<512x4096xf32, #tpu.memory_space<vmem>>, vector<512x4096xf32>
    %get3A_2 = arith.constant 0 : index
    %get3A_3 = arith.constant 0 : index
    %get3A_4 = vector.load %arg2[%get3A_2, %get3A_3] : memref<64x4096xf32, #tpu.memory_space<vmem>>, vector<64x4096xf32>
    %dot_general3A = arith.constant dense<0.000000e+00> : vector<512x64xf32>
    %dot_general3A_5 = tpu.matmul %get3A_1, %get3A_4, %dot_general3A {dimension_numbers = #tpu.dot_dimension_numbers<[1], [1], [0], [0], [0, 0, 1, 0], [], []>, transpose_lhs_hint = false} : vector<512x4096xf32>, vector<64x4096xf32>, vector<512x64xf32> -> vector<512x64xf32>
    %swap3A = arith.constant 0 : index
    %swap3A_6 = arith.constant 0 : index
    %swap3A_7 = vector.load %arg3[%swap3A, %swap3A_6] : memref<512x64xf32, #tpu.memory_space<vmem>>, vector<512x64xf32>
    tpu.vector_store %arg3[%swap3A, %swap3A_6], %dot_general3A_5 {strides = array<i32>} : memref<512x64xf32, #tpu.memory_space<vmem>>, vector<512x64xf32>,
    return
  }
  func.func @transform_0(%arg0: i32) -> (i32, i32) {
    %add3A = arith.constant 0 : i32
    %add3A_0 = arith.addi %add3A, %arg0 : i32
    %c0_i32 = arith.constant 0 : i32
    %c0_i32_1 = arith.constant 0 : i32
    return %add3A_0, %c0_i32 : i32, i32
  }
  func.func @transform_1(%arg0: i32) -> (i32, i32) {
    %c0_i32 = arith.constant 0 : i32
    %c0_i32_0 = arith.constant 0 : i32
    %c0_i32_1 = arith.constant 0 : i32
    return %c0_i32, %c0_i32_0 : i32, i32
  }
  func.func @transform_2(%arg0: i32) -> (i32, i32) {
    %c0_i32 = arith.constant 0 : i32
    %c0_i32_0 = arith.constant 0 : i32
    return %arg0, %c0_i32 : i32, i32
  }
}

module attributes {stable_mosaic.version = 14 : i64} {
  func.func @_gate_matmul_block(%arg0: i32, %arg1: memref<512x4096xf32, #tpu.memory_space<vmem>>, %arg2: memref<64x4096xf32, #tpu.memory_space<vmem>>, %arg3: memref<512x64xf32, #tpu.memory_space<vmem>>) attributes {dimension_semantics = [#tpu.dimension_semantics<arbitrary>], iteration_bounds = array<i64: 8>, scalar_prefetch = 0 : i64, scratch_operands = 0 : i64, tpu.core_type = #tpu.core_type<tc>, window_params = [{transform_indices = @transform_0, window_bounds = array<i64: 512, 4096>}, {pipeline_mode = #tpu.pipeline_mode<synchronous>, transform_indices = @transform_1, window_bounds = array<i64: 64, 4096>}, {transform_indices = @transform_2, window_bounds = array<i64: 512, 64>}]} {
    %get3A = arith.constant 0 : index
    %get3A_0 = arith.constant 0 : index
    %get3A_1 = vector.load %arg1[%get3A, %get3A_0] : memref<512x4096xf32, #tpu.memory_space<vmem>>, vector<512x4096xf32>
    %get3A_2 = arith.constant 0 : index
    %get3A_3 = arith.constant 0 : index
    %get3A_4 = vector.load %arg2[%get3A_2, %get3A_3] : memref<64x4096xf32, #tpu.memory_space<vmem>>, vector<64x4096xf32>
    %dot_general3A = arith.constant dense<0.000000e+00> : vector<512x64xf32>
    %dot_general3A_5 = tpu.matmul %get3A_1, %get3A_4, %dot_general3A {dimension_numbers = #tpu.dot_dimension_numbers<[1], [1], [0], [0], [0, 0, 1, 0], [], []>, transpose_lhs_hint = false} : vector<512x4096xf32>, vector<64x4096xf32>, vector<512x64xf32> -> vector<512x64xf32>
    %swap3A = arith.constant 0 : index
    %swap3A_6 = arith.constant 0 : index
    %swap3A_7 = vector.load %arg3[%swap3A, %swap3A_6] : memref<512x64xf32, #tpu.memory_space<vmem>>, vector<512x64xf32>
    tpu.vector_store %arg3[%swap3A, %swap3A_6], %dot_general3A_5 {strides = array<i32>} : memref<512x64xf32, #tpu.memory_space<vmem>>, vector<512x64xf32>,
    return
  }
  func.func @transform_0(%arg0: i32) -> (i32, i32) {
    %add3A = arith.constant 24 : i32
    %add3A_0 = arith.addi %add3A, %arg0 : i32
    %c0_i32 = arith.constant 0 : i32
    %c0_i32_1 = arith.constant 0 : i32
    return %add3A_0, %c0_i32 : i32, i32
  }
  func.func @transform_1(%arg0: i32) -> (i32, i32) {
    %c0_i32 = arith.constant 0 : i32
    %c0_i32_0 = arith.constant 0 : i32
    %c0_i32_1 = arith.constant 0 : i32
    return %c0_i32, %c0_i32_0 : i32, i32
  }
  func.func @transform_2(%arg0: i32) -> (i32, i32) {
    %c0_i32 = arith.constant 0 : i32
    %c0_i32_0 = arith.constant 0 : i32
    return %arg0, %c0_i32 : i32, i32
  }
}

module attributes {stable_mosaic.version = 14 : i64} {
  func.func @_gate_matmul_block(%arg0: i32, %arg1: memref<512x4096xf32, #tpu.memory_space<vmem>>, %arg2: memref<64x4096xf32, #tpu.memory_space<vmem>>, %arg3: memref<512x64xf32, #tpu.memory_space<vmem>>) attributes {dimension_semantics = [#tpu.dimension_semantics<arbitrary>], iteration_bounds = array<i64: 8>, scalar_prefetch = 0 : i64, scratch_operands = 0 : i64, tpu.core_type = #tpu.core_type<tc>, window_params = [{transform_indices = @transform_0, window_bounds = array<i64: 512, 4096>}, {pipeline_mode = #tpu.pipeline_mode<synchronous>, transform_indices = @transform_1, window_bounds = array<i64: 64, 4096>}, {transform_indices = @transform_2, window_bounds = array<i64: 512, 64>}]} {
    %get3A = arith.constant 0 : index
    %get3A_0 = arith.constant 0 : index
    %get3A_1 = vector.load %arg1[%get3A, %get3A_0] : memref<512x4096xf32, #tpu.memory_space<vmem>>, vector<512x4096xf32>
    %get3A_2 = arith.constant 0 : index
    %get3A_3 = arith.constant 0 : index
    %get3A_4 = vector.load %arg2[%get3A_2, %get3A_3] : memref<64x4096xf32, #tpu.memory_space<vmem>>, vector<64x4096xf32>
    %dot_general3A = arith.constant dense<0.000000e+00> : vector<512x64xf32>
    %dot_general3A_5 = tpu.matmul %get3A_1, %get3A_4, %dot_general3A {dimension_numbers = #tpu.dot_dimension_numbers<[1], [1], [0], [0], [0, 0, 1, 0], [], []>, transpose_lhs_hint = false} : vector<512x4096xf32>, vector<64x4096xf32>, vector<512x64xf32> -> vector<512x64xf32>
    %swap3A = arith.constant 0 : index
    %swap3A_6 = arith.constant 0 : index
    %swap3A_7 = vector.load %arg3[%swap3A, %swap3A_6] : memref<512x64xf32, #tpu.memory_space<vmem>>, vector<512x64xf32>
    tpu.vector_store %arg3[%swap3A, %swap3A_6], %dot_general3A_5 {strides = array<i32>} : memref<512x64xf32, #tpu.memory_space<vmem>>, vector<512x64xf32>,
    return
  }
  func.func @transform_0(%arg0: i32) -> (i32, i32) {
    %add3A = arith.constant 16 : i32
    %add3A_0 = arith.addi %add3A, %arg0 : i32
    %c0_i32 = arith.constant 0 : i32
    %c0_i32_1 = arith.constant 0 : i32
    return %add3A_0, %c0_i32 : i32, i32
  }
  func.func @transform_1(%arg0: i32) -> (i32, i32) {
    %c0_i32 = arith.constant 0 : i32
    %c0_i32_0 = arith.constant 0 : i32
    %c0_i32_1 = arith.constant 0 : i32
    return %c0_i32, %c0_i32_0 : i32, i32
  }
  func.func @transform_2(%arg0: i32) -> (i32, i32) {
    %c0_i32 = arith.constant 0 : i32
    %c0_i32_0 = arith.constant 0 : i32
    return %arg0, %c0_i32 : i32, i32
  }
}

</mosaic_0001>

<sc_bundles>
// kernel: kernel.10.cloned.1.call-start
scs
__scs_entry_jumppad:
0x0: {  	(pc) =	sbr.rel $0x88, $3  }
0x1: {  	(tag) =	ssettag $0x0;
	lr =	simm.s32 $0x1  }
0x2: {  	[smem:$0x3F9F] =	sst lr;
	_ =	strace $0xD0000000  }
0x3: {  	_ = 	snop  }
0x4: {  	_ = 	snop  }
0x5: {  	_ = 	snop  }
0x6: {  	_ = 	snop  }
0x7: {  	_ = 	snop  }
__scs_overlays_trampoline_lowered:
0x8: {  	[smem:$0x3FAE] =	sst s0  }
0x9: {  	[smem:$0x3FAF] =	sst s1  }
0xa: {  	[smem:$0x3FB0] =	sst s2  }
0xb: {  	[smem:$0x3FB1] =	sst s3  }
0xc: {  	[smem:$0x3FB2] =	sst s4  }
0xd: {  	[smem:$0x3FB3] =	sst s5  }
0xe: {  	[smem:$0x3FB4] =	sst s6  }
0xf: {  	[smem:$0x3FB5] =	sst s7  }
0x10: {  	[smem:$0x3FB6] =	sst s8  }
0x11: {  	[smem:$0x3FB7] =	sst s9;
	s0 =	simm.s32 @!p0 $0x0  }
0x12: {  	s1 =	sld [smem:$0x3F9D];
	s0 =	simm.s32 @p0 $0x1  }
0x13: {  	[smem:$0x3FB8] =	sst s0;
	s0 =	simm.s32 @!p1 $0x0  }
0x14: {  	s2 =	sld [smem:$0x3F9C];
	s0 =	simm.s32 @p1 $0x1  }
0x15: {  	[smem:$0x3FB9] =	sst s0;
	s0 =	simm.s32 @!p2 $0x0  }
0x16: {  	s3 =	sld [smem:$0x3FDB];
	s0 =	simm.s32 @p2 $0x1  }
0x17: {  	s4 =	simm.s32 $0x1BF5;
	[smem:$0x3FBB] =	sst s0  }
0x18: {  	s0 =	sld [smem:$0x3F9E];
	_ =	swait.ge [sflag:s4], $0x0  }
0x19: {  	s7 =	sld [smem:$0x3F9F]  }
0x1a: {  	s8 =	sadd.s32 $0xFFFFE003, lr  }
0x1b: {  	s9 =	sadd.s32 $0xFFFFFEF7, lr;
	s5 =	simm.s32 $0xFFFFFFFF;
	p2 =	slt.u32 s8, $0xFFFFF086  }
0x1c: {  	p1 =	slt.u32 s9, $0xF7A;
	s5 =	simm.s32 @!p2 $0x0  }
0x1d: {  	s5 =	simm.s32 @p1 $0x1;
	p0 =	seq.s32 s7, s2  }
0x1e: {  	s7 =	smul.u32 @!p0 $0xF7A, s2;
	p2 =	seq.s32 @!p0 s5, $0x0  }
0x1f: {  	s9 =	smul.u32 $0xF7A, s1;
	s8 =	simm.s32 @!p0 $0x1BF5;
	p2 =	por !p2, p0  }
0x20: {  	[sflag:s8] =	ssyncset.s32 @!p0 $0xFFFFF086;
	s6 =	sadd.s32 @!p0 s3, s7;
	s7 =	simm.s32 @!p0 $0x108  }
0x21: {  	s3 =	sadd.s32 s3, s9;
	s6 =	sadd.s32 @!p0 $0x88, s6;
	s7 =	simm.s32 @p2 $0x1082  }
0x22: {  	[simem:s7], [sflag:s8] =	dma.local @!p0 [hbm:s6], $0xF7A  }
0x23: {  	s9 =	sor.u32 $0xD0000000, s2;
	s6 =	simm.s32 $0x108;
	_ =	swait.ge @!p0 [sflag:s8], $0x0  }
0x24: {  	s3 =	sadd.s32 $0x88, s3;
	s6 =	simm.s32 @!p1 $0x1082;
	[sflag:s4] =	ssyncset.s32 $0xFFFFF086  }
0x25: {  	[simem:s6], [sflag:s4] =	dma.local [hbm:s3], $0xF7A  }
0x26: {  	[smem:$0x3F9F] =	sst s1;
	(tag) =	ssettag s2;
	_ =	strace s9  }
0x27: {  	s1 =	sld [smem:$0x3FAF]  }
0x28: {  	s2 =	sld [smem:$0x3FB0]  }
0x29: {  	s4 =	sld [smem:$0x3FB2]  }
0x2a: {  	p0 =	seq.s32 s5, $0x0;
	s5 =	sld [smem:$0x3FB3]  }
0x2b: {  	s6 =	sld [smem:$0x3FB4]  }
0x2c: {  	s7 =	sld [smem:$0x3FB5]  }
0x2d: {  	s3 =	simm.s32 $0x108;
	s8 =	sld [smem:$0x3FB6]  }
0x2e: {  	s3 =	simm.s32 @!p0 $0x1082;
	s9 =	sld [smem:$0x3FB7]  }
0x2f: {  	lr =	sadd.s32 s0, s3;
	s0 =	sld [smem:$0x3FAE]  }
0x30: {  	s3 =	sld [smem:$0x3FB1]  }
0x31: {  	[smem:$0x3FBA] =	sst s10  }
0x32: {  	s10 =	sld [smem:$0x3FB8];
	_ =	sdelay $0x3  }
0x33: {  	p0 =	seq.s32 s10, $0x1;
	s10 =	sld [smem:$0x3FBA];
	_ =	sdelay $0x3  }
0x34: {  	[smem:$0x3FBA] =	sst s10  }
0x35: {  	s10 =	sld [smem:$0x3FB9];
	_ =	sdelay $0x3  }
0x36: {  	p1 =	seq.s32 s10, $0x1;
	s10 =	sld [smem:$0x3FBA];
	_ =	sdelay $0x3  }
0x37: {  	[smem:$0x3FBA] =	sst s10  }
0x38: {  	s10 =	sld [smem:$0x3FBB]  }
0x39: {  	_ = 	snop;
	(pc) =	sbr.ind lr, $3  }
0x3a: {  	_ = 	snop  }
0x3b: {  	_ = 	snop  }
0x3c: {  	p2 =	seq.s32 s10, $0x1;
	s10 =	sld [smem:$0x3FBA]  }
0x3d: {  	_ =	shalt  }
0x3e: {  	_ =	shalt  }
0x3f: {  	_ =	shalt  }
0x40: {  	_ =	shalt  }
0x41: {  	_ =	shalt  }
0x42: {  	_ =	shalt  }
0x43: {  	_ =	shalt  }
0x44: {  	_ =	shalt  }
0x45: {  	_ =	shalt  }
0x46: {  	_ =	shalt  }
0x47: {  	_ =	shalt  }
0x48: {  	_ =	shalt  }
0x49: {  	_ =	shalt  }
0x4a: {  	_ =	shalt  }
0x4b: {  	_ =	shalt  }
0x4c: {  	_ =	shalt  }
0x4d: {  	_ =	shalt  }
0x4e: {  	_ =	shalt  }
0x4f: {  	_ =	shalt  }
0x50: {  	_ =	shalt  }
0x51: {  	_ =	shalt  }
0x52: {  	_ =	shalt  }
0x53: {  	_ =	shalt  }
0x54: {  	_ =	shalt  }
0x55: {  	_ =	shalt  }
0x56: {  	_ =	shalt  }
0x57: {  	_ =	shalt  }
0x58: {  	_ =	shalt  }
0x59: {  	_ =	shalt  }
0x5a: {  	_ =	shalt  }
0x5b: {  	_ =	shalt  }
0x5c: {  	_ =	shalt  }
0x5d: {  	_ =	shalt  }
0x5e: {  	_ =	shalt  }
0x5f: {  	_ =	shalt  }
0x60: {  	_ =	shalt  }
0x61: {  	_ =	shalt  }
0x62: {  	_ =	shalt  }
0x63: {  	_ =	shalt  }
0x64: {  	_ =	shalt  }
0x65: {  	_ =	shalt  }
0x66: {  	_ =	shalt  }
0x67: {  	_ =	shalt  }
0x68: {  	_ =	shalt  }
0x69: {  	_ =	shalt  }
0x6a: {  	_ =	shalt  }
0x6b: {  	_ =	shalt  }
0x6c: {  	_ =	shalt  }
0x6d: {  	_ =	shalt  }
0x6e: {  	_ =	shalt  }
0x6f: {  	_ =	shalt  }
0x70: {  	_ =	shalt  }
0x71: {  	_ =	shalt  }
0x72: {  	_ =	shalt  }
0x73: {  	_ =	shalt  }
0x74: {  	_ =	shalt  }
0x75: {  	_ =	shalt  }
0x76: {  	_ =	shalt  }
0x77: {  	_ =	shalt  }
0x78: {  	_ =	shalt  }
0x79: {  	_ =	shalt  }
0x7a: {  	_ =	shalt  }
0x7b: {  	_ =	shalt  }
0x7c: {  	_ =	shalt  }
0x7d: {  	_ =	shalt  }
0x7e: {  	_ =	shalt  }
0x7f: {  	_ =	shalt  }
0x80: {  	_ =	shalt  }
0x81: {  	_ =	shalt  }
0x82: {  	_ =	shalt  }
0x83: {  	_ =	shalt  }
0x84: {  	_ =	shalt  }
0x85: {  	_ =	shalt  }
0x86: {  	_ =	shalt  }
0x87: {  	_ =	shalt  }
.Lfunc_end0:
.L_simem_size_0:
called_computation_lowered:
.L_overlay_start_0:
0x88: {  	s2 =	sld [smem:$0x3FD9]  }
0x89: {  	s3 =	sld [smem:$0x3FFE];
	_ =	sdelay $0x1  }
0x8a: {  	s1 =	srdreg.scid  }
0x8b: {  	s0 =	sand.u32 $0x1, s1  }
0x8c: {  	s15 =	sshll.u32 s0, $0xA;
	s2 =	sadd.s32 s3, s2  }
0x8d: {  	s2 =	sadd.s32 s2, s15  }
0x8e: {  	[smem:$0x3FC6] =	sst s2  }
0x8f: {  	_ = 	snop  }
0x90: {  	s2 =	sld [smem:$0x3FD0];
	_ =	sdelay $0x2  }
0x91: {  	s4 =	simm.s32 $0xD;
	s16 =	simm.s32 $0x10  }
0x92: {  	[smem:s16], [sflag:s4] =	dma.local [hbm:s2], $0x1  }
0x93: {  	_ =	swait.eq [sflag:s4], $0x1  }
0x94: {  	[sflag:s4] =	ssyncset.done $0x0  }
0x95: {  	s17 =	sld [smem:$0x10];
	[sflag:s4] =	ssyncadd.s32 $0xFFFFFFFF  }
0x96: {  	s18 =	sld [smem:$0x11];
	(tm) =	ssettm $0x1  }
0x97: {  	s19 =	sld [smem:$0x3FFB];
	_ =	sdelay $0x3  }
0x98: {  	_ =	strace s19  }
0x99: {  	s2 =	sld [smem:$0x3FFC];
	_ =	sdelay $0x3  }
0x9a: {  	_ =	strace s2  }
0x9b: {  	s2 =	sld [smem:$0x3FFD];
	_ =	sdelay $0x3  }
0x9c: {  	_ =	strace s2  }
0x9d: {  	_ =	strace $0x8FFFFFFF  }
0x9e: {  	s20 =	sld [smem:$0x3FDB];
	_ =	sdelay $0x1  }
0x9f: {  	s5 =	simm.s32 $_scs_section_size  }
0xa0: {  	s6 =	simm.s32 $_size__tile_overlayer_lowered;
	s7 =	simm.s32 $_tile_overlayer_lowered  }
0xa1: {  	s8 =	simm.s32 $0x1BFF;
	s21 =	sshll.u32 s7, $0x1;
	s5 =	sadd.s32 s5, s20  }
0xa2: {  	s22 =	simm.s32 $0x0;
	s6 =	sshll.u32 s6, $0x1;
	s7 =	sadd.s32 s21, s5  }
0xa3: {  	[timem:s22], [sflag:s8] =	dma.local [hbm:s7], s6  }
0xa4: {  	_ =	swait.ge [sflag:s8], s6  }
0xa5: {  	s6 =	ssub.s32 $0x0, s6;
	[sflag:s8] =	ssyncset.done $0x0  }
0xa6: {  	[sflag:s8] =	ssyncadd.s32 s6;
	_ =	sdelay $0x1  }
0xa7: {  	s23 =	simm.s32 $0x1B8B  }
0xa8: {  	_ =	swait.ge [sflag:s23], $0x1  }
0xa9: {  	[sflag:s23] =	ssyncset.done $0x0  }
0xaa: {  	[sflag:s23] =	ssyncadd.s32 $0xFFFFFFFF  }
0xab: {  	s6 =	sld [smem:$0x0]  }
0xac: {  	s7 =	sand.u32 $0xFFFFFFFE, s1  }
0xad: {  	p0 =	sne.s32 s1, s7  }
0xae: {  	s7 =	sshll.u32 @p0 s7, $0xE  }
0xaf: {  	s7 =	sadd.s32 @p0 $0x11B8D, s7;
	s8 =	sshll.u32 @p0 s6, $0x11  }
0xb0: {  	s7 =	sor.u32 @p0 s8, s7  }
0xb1: {  	[sflag:s7] =	ssyncadd.remote.s32 @p0 $0x1;
	_ =	sdelay $0x1  }
0xb2: {  	s7 =	simm.s32 @p0 $0x1B8D  }
0xb3: {  	_ =	swait.eq @p0 [sflag:s7], $0x1  }
0xb4: {  	[sflag:s7] =	ssyncadd.s32 @p0 $0xFFFFFFFF  }
0xb5: {  	s8 =	sshll.u32 @!p0 s1, $0xE  }
0xb6: {  	s8 =	sor.u32 @!p0 $0x4000, s8;
	s7 =	simm.s32 @!p0 $0x1B8D  }
0xb7: {  	s6 =	sshll.u32 @!p0 s6, $0x11;
	s8 =	sadd.s32 @!p0 $0x11B8D, s8;
	_ =	swait.eq @!p0 [sflag:s7], $0x1  }
0xb8: {  	s6 =	sor.u32 @!p0 s6, s8;
	[sflag:s7] =	ssyncadd.s32 @!p0 $0xFFFFFFFF  }
0xb9: {  	s25 =	simm.s32 $0x1B8E;
	s24 =	sld [smem:$0x3FFE];
	[sflag:s6] =	ssyncadd.remote.s32 @!p0 $0x1  }
0xba: {  	s26 =	simm.s32 $execute0_lowered;
	[smem:$0x3FD2] =	sst s25  }
0xbb: {  	s7 =	sshll.u32 s26, $0x1;
	_ =	strace $0x8000004F;
	[dreg:$0x1] =	wrdreg $0xFFFFFFFF  }
0xbc: {  	s28 =	simm.s32 $_size_execute0_lowered;
	s5 =	sadd.s32 s5, s7;
	[dreg:$0x0] =	wrdreg $0x0  }
0xbd: {  	s7 =	sshll.u32 s28, $0x1;
	[dreg:$0x2] =	wrdreg s5  }
0xbe: {  	[dreg:$0x3] =	wrdreg s7  }
0xbf: {  	[dreg:$0x4] =	wrdreg $0xC0  }
0xc0: {  	_ =	task [dreg:s22], $0x5FFFF  }
0xc1: {  	[dreg:$0x1] =	wrdreg $0xFFFFFFFF  }
0xc2: {  	[dreg:$0x0] =	wrdreg $0x60  }
0xc3: {  	[dreg:$0x2] =	wrdreg s24  }
0xc4: {  	[dreg:$0x3] =	wrdreg s18  }
0xc5: {  	[dreg:$0x4] =	wrdreg s17  }
0xc6: {  	[dreg:$0x5] =	wrdreg $0x9  }
0xc7: {  	_ =	task.clear_ibuf [dreg:s22], $0x6FFFF;
	_ =	strace $0x9000004F  }
0xc8: {  	s29 =	simm.s32 $0x9;
	_ =	strace $0x80000051  }
0xc9: {  	_ =	swait.ge [sflag:s29], $0x1  }
0xca: {  	[sflag:s29] =	ssyncadd.s32 $0xFFFFFFFF  }
0xcb: {  	_ =	strace $0x90000051  }
0xcc: {  	_ =	sfence  }
0xcd: {  	s30 =	sld [smem:$0x0];
	_ =	sdelay $0x2  }
0xce: {  	s31 =	sshll.u32 s1, $0xD;
	s1 =	sshrl.u32 s1, $0x2  }
0xcf: {  	s4 =	sand.u32 $0x4000, s31;
	s1 =	sadd.s32 s1, s30  }
0xd0: {  	s0 =	sor.u32 s4, s0;
	s1 =	sshll.u32 s1, $0x11  }
0xd1: {  	s0 =	sor.u32 s1, s0  }
0xd2: {  	s0 =	sadd.s32 $0x8F2B, s0  }
0xd3: {  	[sflag:s0] =	ssyncadd.remote.s32 $0x1  }
0xd4: {  	_ =	sfence.sel $0xFFFF  }
0xd5: {  	[dreg:$0x0] =	wrdreg $0xFFFFFFFF;
	(pc) =	sbr.abs _section_cstart, $3  }
0xd6: {  	[dreg:$0x1] =	wrdreg $0xFFFFFFFF  }
0xd7: {  	_ =	task.clear_ibuf [dreg:s22], $0x2FFFF;
	_ =	strace $0x9FFFFFFF  }
0xd8: {  	(tm) =	ssettm $0x7FFFFFFF  }
0xd9: {  	_ =	shalt  }
tec
execute0_lowered:
.L_overlay_start_1:
0x0: {  	(tag) =	ssettag $0x1  }
0x1: {  	s3 =	rddreg [dreg:$0x0]  }
0x2: {  	s4 =	rddreg [dreg:$0x1]  }
0x3: {  	s5 =	rddreg [dreg:$0x2]  }
0x4: {  	s0 =	rddreg [dreg:$0x3];
	s6 =	srdreg.scid  }
0x5: {  	s1 =	stileid.u32;
	s2 =	simm.s32 $0x0;
	s9 =	simm.s32 $0x4480  }
0x6: {  	s10 =	simm.s32 $0x0;
	s6 =	sand.u32 $0x1, s6;
	s7 =	sshll.u32 s1, $0x1  }
0x7: {  	[smem:$0x7FF] =	sst s2;
	s7 =	sor.u32 s6, s7;
	s6 =	ssub.s32 $0x2, s6  }
0x8: {  	v0 =	vlaneseq.u32;
	_ =	strace $0x80000050;
	s8 =	sshll.u32 s7, $0xB;
	s31 =	sshrl.u32 s6, $0x1  }
0x9: {  	v4 =	vmul.u32 $0xFFFFFFFF, v0;
	s7 =	sshll.u32 s7, $0x7;
	s3 =	sadd.s32 s8, s3;
	s6 =	ssub.s32 s6, s31  }
0xa: {  	vm0 =	vmmov $0xff;
	v1 =	vor.u32 $0x10, v0;
	s4 =	sadd.s32 s4, s7;
	s5 =	sadd.s32 s5, s7;
	s7 =	simm.s32 $0x1  }
0xb: {  	v2 =	vor.u32 $0x20, v0;
	v3 =	vor.u32 $0x30, v0;
	v4 =	vadd.s32 $0xF, v4;
	s8 =	simm.s32 $0x4000;
	s3 =	sadd.s32 $0x38A00, s3;
	s6 =	smax.u32 s6, $0x1  }
.LBB2_1:
0xc: {  	[tilespmem:s2], [sflag:$0x1] =	stream.linear.gather [hbm4b:s3+s2], $0x4000, $0x38;
	[tilespmem:$0x4900] =	vst v63  }
0xd: {  	_ =	swait.ge [sflag:s7], $0x4000  }
0xe: {  	[sflag:s7] =	ssyncset.done $0x0  }
0xf: {  	s11 =	simm.s32 $0x100;
	s12 =	simm.s32 $0x0;
	[sflag:s7] =	ssyncadd.s32 $0xFFFFC000  }
.LBB2_2:
0x10: {  	v5 =	vld [tilespmem:s11+$0xFFFFFF00]  }
0x11: {  	v6 =	vld [tilespmem:s11+$0xFFFFFF10]  }
0x12: {  	v7 =	vld [tilespmem:s11+$0xFFFFFF20]  }
0x13: {  	v8 =	vld [tilespmem:s11+$0xFFFFFF30];
	_ =	sdelay $0x1  }
0x14: {  	(xrf1) =	vsort.dscd.msk.f32 $0xffff, v5, v0  }
0x15: {  	(xrf1) =	vsort.dscd.msk.f32 $0xffff, v6, v1  }
0x16: {  	(xrf1) =	vsort.dscd.msk.f32 $0xffff, v7, v2  }
0x17: {  	(xrf1) =	vsort.dscd.msk.f32 $0xffff, v8, v3;
	_ =	sdelay $0xa  }
0x18: {  	v5, v6, _ =	vpop (xrf1)  }
0x19: {  	v7, v41, _ =	vpop (xrf1)  }
0x1a: {  	v9, v10, _ =	vpop (xrf1)  }
0x1b: {  	v7 =	vperm.xlane v7, v4;
	v11, v12, _ =	vpop (xrf1)  }
0x1c: {  	v8 =	vperm.xlane v41, v4;
	v11 =	vperm.xlane v11, v4  }
0x1d: {  	vm1 =	vge.f32 v5, v7;
	v12 =	vperm.xlane v12, v4  }
0x1e: {  	v5 =	vsel vm1, v5, v7;
	v6 =	vsel vm1, v6, v8;
	vm1 =	vge.f32 v9, v11  }
0x1f: {  	(xrf1) =	vsort.dscd.msk.f32 $0xffff, v5, v6;
	v5 =	vsel vm1, v9, v11;
	v6 =	vsel vm1, v10, v12  }
0x20: {  	(xrf1) =	vsort.dscd.msk.f32 $0xffff, v5, v6;
	_ =	sdelay $0xc  }
0x21: {  	v5, v6, _ =	vpop (xrf1)  }
0x22: {  	v7, v42, _ =	vpop (xrf1)  }
0x23: {  	v7 =	vperm.xlane v7, v4  }
0x24: {  	v8 =	vperm.xlane v42, v4  }
0x25: {  	vm1 =	vge.f32 v5, v7  }
0x26: {  	v5 =	vsel vm1, v5, v7;
	v6 =	vsel vm1, v6, v8  }
0x27: {  	(xrf1) =	vsort.dscd.msk.f32 $0xffff, v5, v6;
	_ =	sdelay $0xd  }
0x28: {  	v5, v6, _ =	vpop (xrf1)  }
0x29: {  	(xrf0) =	vmax.scan.msk.f32 $0xffff, v5;
	_ =	sdelay $0x5  }
0x2a: {  	v7, _, _ =	vpop (xrf0)  }
0x2b: {  	v7 =	vbroadcast v7, $0xF;
	_ =	sdelay $0x1  }
0x2c: {  	v5 =	vsub.f32 v5, v7;
	_ =	sdelay $0x1  }
0x2d: {  	v5 =	vmul.f32 $1.442695020e+00, v5;
	_ =	sdelay $0x1  }
0x2e: {  	(erf) = vpow2.f32 v5;
	_ =	sdelay $0x8  }
0x2f: {  	v5 =	vpop (erf)  }
0x30: {  	v5 =	vnsel vm0, $0x0, v5  }
0x31: {  	(xrf2) =	vadd.scan.msk.f32 $0xffff, v5;
	_ =	sdelay $0x9  }
0x32: {  	v7, _, _ =	vpop (xrf2)  }
0x33: {  	v7 =	vbroadcast v7, $0xF;
	_ =	sdelay $0x1  }
0x34: {  	(erf) = vrcp.f32 v7;
	_ =	sdelay $0x8  }
0x35: {  	v7 =	vpop (erf)  }
0x36: {  	s13 =	sshra.s32 s12, $0x2;
	v5 =	vmul.f32 v7, v5  }
0x37: {  	[tilespmem:s13+$0x4480] =	vst v6  }
0x38: {  	[tilespmem:s13+$0x4000] =	vst v5  }
0x39: {  	v5 =	vld [tilespmem:s11+$0xFFFFFF80]  }
0x3a: {  	v6 =	vld [tilespmem:s11+$0xFFFFFF90]  }
0x3b: {  	v7 =	vld [tilespmem:s11+$0xFFFFFFA0]  }
0x3c: {  	v43 =	vld [tilespmem:s11+$0xFFFFFFB0];
	_ =	sdelay $0x1  }
0x3d: {  	(xrf1) =	vsort.dscd.msk.f32 $0xffff, v5, v0  }
0x3e: {  	(xrf1) =	vsort.dscd.msk.f32 $0xffff, v6, v1  }
0x3f: {  	(xrf1) =	vsort.dscd.msk.f32 $0xffff, v7, v2  }
0x40: {  	(xrf1) =	vsort.dscd.msk.f32 $0xffff, v43, v3;
	_ =	sdelay $0xa  }
0x41: {  	v5, v6, _ =	vpop (xrf1)  }
0x42: {  	v7, v44, _ =	vpop (xrf1)  }
0x43: {  	v45, v46, _ =	vpop (xrf1)  }
0x44: {  	v7 =	vperm.xlane v7, v4;
	v47, v48, _ =	vpop (xrf1)  }
0x45: {  	v8 =	vperm.xlane v44, v4;
	v11 =	vperm.xlane v47, v4  }
0x46: {  	vm1 =	vge.f32 v5, v7;
	v12 =	vperm.xlane v48, v4  }
0x47: {  	v5 =	vsel vm1, v5, v7;
	v6 =	vsel vm1, v6, v8;
	vm1 =	vge.f32 v45, v11  }
0x48: {  	(xrf1) =	vsort.dscd.msk.f32 $0xffff, v5, v6;
	v5 =	vsel vm1, v45, v11;
	v6 =	vsel vm1, v46, v12  }
0x49: {  	(xrf1) =	vsort.dscd.msk.f32 $0xffff, v5, v6;
	_ =	sdelay $0xc  }
0x4a: {  	v5, v6, _ =	vpop (xrf1)  }
0x4b: {  	v7, v49, _ =	vpop (xrf1)  }
0x4c: {  	v7 =	vperm.xlane v7, v4  }
0x4d: {  	v8 =	vperm.xlane v49, v4  }
0x4e: {  	vm1 =	vge.f32 v5, v7  }
0x4f: {  	v5 =	vsel vm1, v5, v7;
	v6 =	vsel vm1, v6, v8  }
0x50: {  	(xrf1) =	vsort.dscd.msk.f32 $0xffff, v5, v6;
	_ =	sdelay $0xd  }
0x51: {  	v5, v6, _ =	vpop (xrf1)  }
0x52: {  	(xrf0) =	vmax.scan.msk.f32 $0xffff, v5;
	_ =	sdelay $0x5  }
0x53: {  	v7, _, _ =	vpop (xrf0)  }
0x54: {  	v7 =	vbroadcast v7, $0xF;
	_ =	sdelay $0x1  }
0x55: {  	v5 =	vsub.f32 v5, v7;
	_ =	sdelay $0x1  }
0x56: {  	v5 =	vmul.f32 $1.442695020e+00, v5;
	_ =	sdelay $0x1  }
0x57: {  	(erf) = vpow2.f32 v5;
	_ =	sdelay $0x8  }
0x58: {  	v5 =	vpop (erf)  }
0x59: {  	v5 =	vnsel vm0, $0x0, v5  }
0x5a: {  	(xrf2) =	vadd.scan.msk.f32 $0xffff, v5;
	_ =	sdelay $0x9  }
0x5b: {  	v7, _, _ =	vpop (xrf2)  }
0x5c: {  	v7 =	vbroadcast v7, $0xF;
	_ =	sdelay $0x1  }
0x5d: {  	(erf) = vrcp.f32 v7;
	_ =	sdelay $0x8  }
0x5e: {  	v7 =	vpop (erf)  }
0x5f: {  	v5 =	vmul.f32 v7, v5  }
0x60: {  	[tilespmem:s13+$0x4488] =	vst v6  }
0x61: {  	[tilespmem:s13+$0x4008] =	vst v5  }
0x62: {  	v5 =	vld [tilespmem:s11+$0x0]  }
0x63: {  	v6 =	vld [tilespmem:s11+$0x10]  }
0x64: {  	v7 =	vld [tilespmem:s11+$0x20]  }
0x65: {  	v50 =	vld [tilespmem:s11+$0x30];
	_ =	sdelay $0x1  }
0x66: {  	(xrf1) =	vsort.dscd.msk.f32 $0xffff, v5, v0  }
0x67: {  	(xrf1) =	vsort.dscd.msk.f32 $0xffff, v6, v1  }
0x68: {  	(xrf1) =	vsort.dscd.msk.f32 $0xffff, v7, v2  }
0x69: {  	(xrf1) =	vsort.dscd.msk.f32 $0xffff, v50, v3;
	_ =	sdelay $0xa  }
0x6a: {  	v5, v6, _ =	vpop (xrf1)  }
0x6b: {  	v7, v51, _ =	vpop (xrf1)  }
0x6c: {  	v52, v53, _ =	vpop (xrf1)  }
0x6d: {  	v7 =	vperm.xlane v7, v4;
	v54, v55, _ =	vpop (xrf1)  }
0x6e: {  	v8 =	vperm.xlane v51, v4;
	v11 =	vperm.xlane v54, v4  }
0x6f: {  	vm1 =	vge.f32 v5, v7;
	v12 =	vperm.xlane v55, v4  }
0x70: {  	v5 =	vsel vm1, v5, v7;
	v6 =	vsel vm1, v6, v8;
	vm1 =	vge.f32 v52, v11  }
0x71: {  	(xrf1) =	vsort.dscd.msk.f32 $0xffff, v5, v6;
	v5 =	vsel vm1, v52, v11;
	v6 =	vsel vm1, v53, v12  }
0x72: {  	(xrf1) =	vsort.dscd.msk.f32 $0xffff, v5, v6;
	_ =	sdelay $0xc  }
0x73: {  	v5, v6, _ =	vpop (xrf1)  }
0x74: {  	v7, v56, _ =	vpop (xrf1)  }
0x75: {  	v7 =	vperm.xlane v7, v4  }
0x76: {  	v8 =	vperm.xlane v56, v4  }
0x77: {  	vm1 =	vge.f32 v5, v7  }
0x78: {  	v5 =	vsel vm1, v5, v7;
	v6 =	vsel vm1, v6, v8  }
0x79: {  	(xrf1) =	vsort.dscd.msk.f32 $0xffff, v5, v6;
	_ =	sdelay $0xd  }
0x7a: {  	v5, v6, _ =	vpop (xrf1)  }
0x7b: {  	(xrf0) =	vmax.scan.msk.f32 $0xffff, v5;
	_ =	sdelay $0x5  }
0x7c: {  	v7, _, _ =	vpop (xrf0)  }
0x7d: {  	v7 =	vbroadcast v7, $0xF;
	_ =	sdelay $0x1  }
0x7e: {  	v5 =	vsub.f32 v5, v7;
	_ =	sdelay $0x1  }
0x7f: {  	v5 =	vmul.f32 $1.442695020e+00, v5;
	_ =	sdelay $0x1  }
0x80: {  	(erf) = vpow2.f32 v5;
	_ =	sdelay $0x8  }
0x81: {  	v5 =	vpop (erf)  }
0x82: {  	v5 =	vnsel vm0, $0x0, v5  }
0x83: {  	(xrf2) =	vadd.scan.msk.f32 $0xffff, v5;
	_ =	sdelay $0x9  }
0x84: {  	v7, _, _ =	vpop (xrf2)  }
0x85: {  	v7 =	vbroadcast v7, $0xF;
	_ =	sdelay $0x1  }
0x86: {  	(erf) = vrcp.f32 v7;
	_ =	sdelay $0x8  }
0x87: {  	v7 =	vpop (erf)  }
0x88: {  	v5 =	vmul.f32 v7, v5  }
0x89: {  	[tilespmem:s13+$0x4490] =	vst v6  }
0x8a: {  	[tilespmem:s13+$0x4010] =	vst v5  }
0x8b: {  	v5 =	vld [tilespmem:s11+$0x80]  }
0x8c: {  	v6 =	vld [tilespmem:s11+$0x90]  }
0x8d: {  	v7 =	vld [tilespmem:s11+$0xA0]  }
0x8e: {  	v57 =	vld [tilespmem:s11+$0xB0];
	_ =	sdelay $0x1  }
0x8f: {  	(xrf1) =	vsort.dscd.msk.f32 $0xffff, v5, v0  }
0x90: {  	(xrf1) =	vsort.dscd.msk.f32 $0xffff, v6, v1  }
0x91: {  	(xrf1) =	vsort.dscd.msk.f32 $0xffff, v7, v2  }
0x92: {  	(xrf1) =	vsort.dscd.msk.f32 $0xffff, v57, v3;
	_ =	sdelay $0xa  }
0x93: {  	v5, v6, _ =	vpop (xrf1)  }
0x94: {  	v7, v58, _ =	vpop (xrf1)  }
0x95: {  	v59, v60, _ =	vpop (xrf1)  }
0x96: {  	v7 =	vperm.xlane v7, v4;
	v61, v62, _ =	vpop (xrf1)  }
0x97: {  	v8 =	vperm.xlane v58, v4;
	v11 =	vperm.xlane v61, v4  }
0x98: {  	vm1 =	vge.f32 v5, v7;
	v12 =	vperm.xlane v62, v4  }
0x99: {  	v5 =	vsel vm1, v5, v7;
	v6 =	vsel vm1, v6, v8;
	vm1 =	vge.f32 v59, v11  }
0x9a: {  	(xrf1) =	vsort.dscd.msk.f32 $0xffff, v5, v6;
	v5 =	vsel vm1, v59, v11;
	v6 =	vsel vm1, v60, v12  }
0x9b: {  	(xrf1) =	vsort.dscd.msk.f32 $0xffff, v5, v6;
	_ =	sdelay $0xc  }
0x9c: {  	v5, v6, _ =	vpop (xrf1)  }
0x9d: {  	v7, v63, _ =	vpop (xrf1)  }
0x9e: {  	v7 =	vperm.xlane v7, v4  }
0x9f: {  	v8 =	vperm.xlane v63, v4  }
0xa0: {  	vm1 =	vge.f32 v5, v7  }
0xa1: {  	v5 =	vsel vm1, v5, v7;
	v6 =	vsel vm1, v6, v8  }
0xa2: {  	(xrf1) =	vsort.dscd.msk.f32 $0xffff, v5, v6;
	_ =	sdelay $0xd  }
0xa3: {  	v5, v6, _ =	vpop (xrf1)  }
0xa4: {  	(xrf0) =	vmax.scan.msk.f32 $0xffff, v5;
	_ =	sdelay $0x5  }
0xa5: {  	v7, _, _ =	vpop (xrf0)  }
0xa6: {  	v7 =	vbroadcast v7, $0xF;
	_ =	sdelay $0x1  }
0xa7: {  	v5 =	vsub.f32 v5, v7;
	_ =	sdelay $0x1  }
0xa8: {  	v5 =	vmul.f32 $1.442695020e+00, v5;
	_ =	sdelay $0x1  }
0xa9: {  	(erf) = vpow2.f32 v5;
	_ =	sdelay $0x8  }
0xaa: {  	v5 =	vpop (erf)  }
0xab: {  	v5 =	vnsel vm0, $0x0, v5  }
0xac: {  	(xrf2) =	vadd.scan.msk.f32 $0xffff, v5;
	_ =	sdelay $0x9  }
0xad: {  	v7, _, _ =	vpop (xrf2)  }
0xae: {  	v7 =	vbroadcast v7, $0xF;
	_ =	sdelay $0x1  }
0xaf: {  	(erf) = vrcp.f32 v7;
	_ =	sdelay $0x6  }
0xb0: {  	p0 =	sne.s32 s12, $0xF80  }
.Ltmp0:
0xb1: {  	_ = 	snop;
	(pc) =	sbr.rel @p0 .LBB2_2-.Ltmp0, $4  }
0xb2: {  	v7 =	vpop (erf)  }
0xb3: {  	v5 =	vmul.f32 v7, v5  }
0xb4: {  	[tilespmem:s13+$0x4498] =	vst v6  }
0xb5: {  	s12 =	sadd.s32 $0x80, s12;
	s11 =	sadd.s32 $0x200, s11;
	[tilespmem:s13+$0x4018] =	vst v5  }
0xb6: {  	[hbm4b:s4+s2] =	stream.linear.scatter [tilespmem:s8], [sflag:$0x1], $0x400, $0x38;
	[tilespmem:$0x4900] =	vst v63  }
0xb7: {  	s10 =	sadd.s32 $0x1, s10;
	_ =	swait.ge [sflag:s7], $0x400  }
0xb8: {  	p0 =	sne.s32 s10, s6;
	[sflag:s7] =	ssyncset.done $0x0  }
.Ltmp1:
0xb9: {  	[sflag:s7] =	ssyncadd.s32 $0xFFFFFC00;
	(pc) =	sbr.rel @p0 .LBB2_1-.Ltmp1, $4  }
0xba: {  	[hbm4b:s5+s2] =	stream.linear.scatter [tilespmem:s9], [sflag:$0x1], $0x400, $0x38;
	[tilespmem:$0x4900] =	vst v63  }
0xbb: {  	_ =	swait.ge [sflag:s7], $0x400  }
0xbc: {  	[sflag:s7] =	ssyncset.done $0x0  }
0xbd: {  	[sflag:s7] =	ssyncadd.s32 $0xFFFFFC00  }
0xbe: {  	_ =	sfence.sel $0x180000  }
0xbf: {  	[bflag:$0x0] =	sbarrier.arrive $0xFFFF  }
0xc0: {  	p0 =	sne.s32 s1, $0x0;
	_ =	strace $0x90000050  }
0xc1: {  	s0 =	sadd.s32 @!p0 $0x100000, s0;
	[bflag:$0x2] =	sbarrier.arrive $0xFFFF  }
0xc2: {  	[sflag:s0] =	ssyncadd.tile.s32 @!p0 $0x1;
	_ =	shalt  }
.Lfunc_end2:
_tile_overlayer_lowered:
.L_overlay_start_2:
0xc3: {  	(tag) =	ssettag $0x2  }
0xc4: {  	s0 =	rddreg [dreg:$0x0];
	s2 =	stileid.u32  }
0xc5: {  	s1 =	rddreg [dreg:$0x1];
	p0 =	sne.s32 s2, $0x0  }
0xc6: {  	s3 =	rddreg [dreg:$0x2];
	[bflag:$0x3] =	sbarrier.arrive $0xFFFF;
	s2 =	simm.s32 @!p0 $0x1C01  }
0xc7: {  	[timem:s3], [sflag:s2] =	dma.local @!p0 [hbm:s0], s1  }
0xc8: {  	s0 =	simm.s32 @!p0 $0x1  }
0xc9: {  	_ =	swait.ge @!p0 [sflag:s0], s1  }
0xca: {  	s1 =	ssub.s32 @!p0 $0x0, s1;
	[sflag:s0] =	ssyncset.done @!p0 $0x0  }
0xcb: {  	[sflag:s0] =	ssyncadd.s32 @!p0 s1  }
0xcc: {  	[bflag:$0x3] =	sbarrier.arrive $0xFFFF  }
0xcd: {  	_ =	shalt  }

// kernel: kernel.13.cloned.1.call-start
scs
__scs_entry_jumppad:
0x0: {  	(pc) =	sbr.rel $0x88, $3  }
0x1: {  	(tag) =	ssettag $0x0;
	lr =	simm.s32 $0x1  }
0x2: {  	[smem:$0x3F9F] =	sst lr;
	_ =	strace $0xD0000000  }
0x3: {  	_ = 	snop  }
0x4: {  	_ = 	snop  }
0x5: {  	_ = 	snop  }
0x6: {  	_ = 	snop  }
0x7: {  	_ = 	snop  }
__scs_overlays_trampoline_lowered:
0x8: {  	[smem:$0x3FAE] =	sst s0  }
0x9: {  	[smem:$0x3FAF] =	sst s1  }
0xa: {  	[smem:$0x3FB0] =	sst s2  }
0xb: {  	[smem:$0x3FB1] =	sst s3  }
0xc: {  	[smem:$0x3FB2] =	sst s4  }
0xd: {  	[smem:$0x3FB3] =	sst s5  }
0xe: {  	[smem:$0x3FB4] =	sst s6  }
0xf: {  	[smem:$0x3FB5] =	sst s7  }
0x10: {  	[smem:$0x3FB6] =	sst s8  }
0x11: {  	[smem:$0x3FB7] =	sst s9;
	s0 =	simm.s32 @!p0 $0x0  }
0x12: {  	s1 =	sld [smem:$0x3F9D];
	s0 =	simm.s32 @p0 $0x1  }
0x13: {  	[smem:$0x3FB8] =	sst s0;
	s0 =	simm.s32 @!p1 $0x0  }
0x14: {  	s2 =	sld [smem:$0x3F9C];
	s0 =	simm.s32 @p1 $0x1  }
0x15: {  	[smem:$0x3FB9] =	sst s0;
	s0 =	simm.s32 @!p2 $0x0  }
0x16: {  	s3 =	sld [smem:$0x3FDB];
	s0 =	simm.s32 @p2 $0x1  }
0x17: {  	s4 =	simm.s32 $0x1BF5;
	[smem:$0x3FBB] =	sst s0  }
0x18: {  	s0 =	sld [smem:$0x3F9E];
	_ =	swait.ge [sflag:s4], $0x0  }
0x19: {  	s7 =	sld [smem:$0x3F9F]  }
0x1a: {  	s8 =	sadd.s32 $0xFFFFE003, lr  }
0x1b: {  	s9 =	sadd.s32 $0xFFFFFEF7, lr;
	s5 =	simm.s32 $0xFFFFFFFF;
	p2 =	slt.u32 s8, $0xFFFFF086  }
0x1c: {  	p1 =	slt.u32 s9, $0xF7A;
	s5 =	simm.s32 @!p2 $0x0  }
0x1d: {  	s5 =	simm.s32 @p1 $0x1;
	p0 =	seq.s32 s7, s2  }
0x1e: {  	s7 =	smul.u32 @!p0 $0xF7A, s2;
	p2 =	seq.s32 @!p0 s5, $0x0  }
0x1f: {  	s9 =	smul.u32 $0xF7A, s1;
	s8 =	simm.s32 @!p0 $0x1BF5;
	p2 =	por !p2, p0  }
0x20: {  	[sflag:s8] =	ssyncset.s32 @!p0 $0xFFFFF086;
	s6 =	sadd.s32 @!p0 s3, s7;
	s7 =	simm.s32 @!p0 $0x108  }
0x21: {  	s3 =	sadd.s32 s3, s9;
	s6 =	sadd.s32 @!p0 $0x88, s6;
	s7 =	simm.s32 @p2 $0x1082  }
0x22: {  	[simem:s7], [sflag:s8] =	dma.local @!p0 [hbm:s6], $0xF7A  }
0x23: {  	s9 =	sor.u32 $0xD0000000, s2;
	s6 =	simm.s32 $0x108;
	_ =	swait.ge @!p0 [sflag:s8], $0x0  }
0x24: {  	s3 =	sadd.s32 $0x88, s3;
	s6 =	simm.s32 @!p1 $0x1082;
	[sflag:s4] =	ssyncset.s32 $0xFFFFF086  }
0x25: {  	[simem:s6], [sflag:s4] =	dma.local [hbm:s3], $0xF7A  }
0x26: {  	[smem:$0x3F9F] =	sst s1;
	(tag) =	ssettag s2;
	_ =	strace s9  }
0x27: {  	s1 =	sld [smem:$0x3FAF]  }
0x28: {  	s2 =	sld [smem:$0x3FB0]  }
0x29: {  	s4 =	sld [smem:$0x3FB2]  }
0x2a: {  	p0 =	seq.s32 s5, $0x0;
	s5 =	sld [smem:$0x3FB3]  }
0x2b: {  	s6 =	sld [smem:$0x3FB4]  }
0x2c: {  	s7 =	sld [smem:$0x3FB5]  }
0x2d: {  	s3 =	simm.s32 $0x108;
	s8 =	sld [smem:$0x3FB6]  }
0x2e: {  	s3 =	simm.s32 @!p0 $0x1082;
	s9 =	sld [smem:$0x3FB7]  }
0x2f: {  	lr =	sadd.s32 s0, s3;
	s0 =	sld [smem:$0x3FAE]  }
0x30: {  	s3 =	sld [smem:$0x3FB1]  }
0x31: {  	[smem:$0x3FBA] =	sst s10  }
0x32: {  	s10 =	sld [smem:$0x3FB8];
	_ =	sdelay $0x3  }
0x33: {  	p0 =	seq.s32 s10, $0x1;
	s10 =	sld [smem:$0x3FBA];
	_ =	sdelay $0x3  }
0x34: {  	[smem:$0x3FBA] =	sst s10  }
0x35: {  	s10 =	sld [smem:$0x3FB9];
	_ =	sdelay $0x3  }
0x36: {  	p1 =	seq.s32 s10, $0x1;
	s10 =	sld [smem:$0x3FBA];
	_ =	sdelay $0x3  }
0x37: {  	[smem:$0x3FBA] =	sst s10  }
0x38: {  	s10 =	sld [smem:$0x3FBB]  }
0x39: {  	_ = 	snop;
	(pc) =	sbr.ind lr, $3  }
0x3a: {  	_ = 	snop  }
0x3b: {  	_ = 	snop  }
0x3c: {  	p2 =	seq.s32 s10, $0x1;
	s10 =	sld [smem:$0x3FBA]  }
0x3d: {  	_ =	shalt  }
0x3e: {  	_ =	shalt  }
0x3f: {  	_ =	shalt  }
0x40: {  	_ =	shalt  }
0x41: {  	_ =	shalt  }
0x42: {  	_ =	shalt  }
0x43: {  	_ =	shalt  }
0x44: {  	_ =	shalt  }
0x45: {  	_ =	shalt  }
0x46: {  	_ =	shalt  }
0x47: {  	_ =	shalt  }
0x48: {  	_ =	shalt  }
0x49: {  	_ =	shalt  }
0x4a: {  	_ =	shalt  }
0x4b: {  	_ =	shalt  }
0x4c: {  	_ =	shalt  }
0x4d: {  	_ =	shalt  }
0x4e: {  	_ =	shalt  }
0x4f: {  	_ =	shalt  }
0x50: {  	_ =	shalt  }
0x51: {  	_ =	shalt  }
0x52: {  	_ =	shalt  }
0x53: {  	_ =	shalt  }
0x54: {  	_ =	shalt  }
0x55: {  	_ =	shalt  }
0x56: {  	_ =	shalt  }
0x57: {  	_ =	shalt  }
0x58: {  	_ =	shalt  }
0x59: {  	_ =	shalt  }
0x5a: {  	_ =	shalt  }
0x5b: {  	_ =	shalt  }
0x5c: {  	_ =	shalt  }
0x5d: {  	_ =	shalt  }
0x5e: {  	_ =	shalt  }
0x5f: {  	_ =	shalt  }
0x60: {  	_ =	shalt  }
0x61: {  	_ =	shalt  }
0x62: {  	_ =	shalt  }
0x63: {  	_ =	shalt  }
0x64: {  	_ =	shalt  }
0x65: {  	_ =	shalt  }
0x66: {  	_ =	shalt  }
0x67: {  	_ =	shalt  }
0x68: {  	_ =	shalt  }
0x69: {  	_ =	shalt  }
0x6a: {  	_ =	shalt  }
0x6b: {  	_ =	shalt  }
0x6c: {  	_ =	shalt  }
0x6d: {  	_ =	shalt  }
0x6e: {  	_ =	shalt  }
0x6f: {  	_ =	shalt  }
0x70: {  	_ =	shalt  }
0x71: {  	_ =	shalt  }
0x72: {  	_ =	shalt  }
0x73: {  	_ =	shalt  }
0x74: {  	_ =	shalt  }
0x75: {  	_ =	shalt  }
0x76: {  	_ =	shalt  }
0x77: {  	_ =	shalt  }
0x78: {  	_ =	shalt  }
0x79: {  	_ =	shalt  }
0x7a: {  	_ =	shalt  }
0x7b: {  	_ =	shalt  }
0x7c: {  	_ =	shalt  }
0x7d: {  	_ =	shalt  }
0x7e: {  	_ =	shalt  }
0x7f: {  	_ =	shalt  }
0x80: {  	_ =	shalt  }
0x81: {  	_ =	shalt  }
0x82: {  	_ =	shalt  }
0x83: {  	_ =	shalt  }
0x84: {  	_ =	shalt  }
0x85: {  	_ =	shalt  }
0x86: {  	_ =	shalt  }
0x87: {  	_ =	shalt  }
.Lfunc_end0:
.L_simem_size_0:
called_computation.1_lowered:
.L_overlay_start_0:
0x88: {  	s2 =	sld [smem:$0x3FD9]  }
0x89: {  	s3 =	sld [smem:$0x3FFE];
	_ =	sdelay $0x1  }
0x8a: {  	s1 =	srdreg.scid  }
0x8b: {  	s0 =	sand.u32 $0x1, s1  }
0x8c: {  	s17 =	sshll.u32 s0, $0xA;
	s2 =	sadd.s32 s3, s2  }
0x8d: {  	s2 =	sadd.s32 s2, s17  }
0x8e: {  	[smem:$0x3FC6] =	sst s2  }
0x8f: {  	_ = 	snop  }
0x90: {  	(tm) =	ssettm $0x1  }
0x91: {  	s18 =	sld [smem:$0x3FFB];
	_ =	sdelay $0x3  }
0x92: {  	_ =	strace s18  }
0x93: {  	s2 =	sld [smem:$0x3FFC];
	_ =	sdelay $0x3  }
0x94: {  	_ =	strace s2  }
0x95: {  	s2 =	sld [smem:$0x3FFD];
	_ =	sdelay $0x3  }
0x96: {  	_ =	strace s2  }
0x97: {  	_ =	strace $0x8FFFFFFF  }
0x98: {  	s19 =	sld [smem:$0x3FDB];
	_ =	sdelay $0x1  }
0x99: {  	s20 =	simm.s32 $_scs_section_size  }
0x9a: {  	s4 =	simm.s32 $_size__tile_overlayer_lowered;
	s5 =	simm.s32 $_tile_overlayer_lowered  }
0x9b: {  	s6 =	simm.s32 $0x1BFF;
	s21 =	sshll.u32 s5, $0x1;
	s3 =	sadd.s32 s20, s19  }
0x9c: {  	s22 =	simm.s32 $0x0;
	s4 =	sshll.u32 s4, $0x1;
	s5 =	sadd.s32 s21, s3  }
0x9d: {  	[timem:s22], [sflag:s6] =	dma.local [hbm:s5], s4  }
0x9e: {  	_ =	swait.ge [sflag:s6], s4  }
0x9f: {  	s4 =	ssub.s32 $0x0, s4;
	[sflag:s6] =	ssyncset.done $0x0  }
0xa0: {  	[sflag:s6] =	ssyncadd.s32 s4;
	_ =	sdelay $0x1  }
0xa1: {  	s23 =	simm.s32 $0x1B8B  }
0xa2: {  	_ =	swait.ge [sflag:s23], $0x1  }
0xa3: {  	[sflag:s23] =	ssyncset.done $0x0  }
0xa4: {  	[sflag:s23] =	ssyncadd.s32 $0xFFFFFFFF  }
0xa5: {  	s4 =	sld [smem:$0x0]  }
0xa6: {  	s5 =	sand.u32 $0xFFFFFFFE, s1  }
0xa7: {  	p0 =	sne.s32 s1, s5  }
0xa8: {  	s5 =	sshll.u32 @p0 s5, $0xE  }
0xa9: {  	s5 =	sadd.s32 @p0 $0x11B8D, s5;
	s6 =	sshll.u32 @p0 s4, $0x11  }
0xaa: {  	s5 =	sor.u32 @p0 s6, s5  }
0xab: {  	[sflag:s5] =	ssyncadd.remote.s32 @p0 $0x1;
	_ =	sdelay $0x1  }
0xac: {  	s5 =	simm.s32 @p0 $0x1B8D  }
0xad: {  	_ =	swait.eq @p0 [sflag:s5], $0x1  }
0xae: {  	[sflag:s5] =	ssyncadd.s32 @p0 $0xFFFFFFFF  }
0xaf: {  	s6 =	sshll.u32 @!p0 s1, $0xE  }
0xb0: {  	s6 =	sor.u32 @!p0 $0x4000, s6;
	s5 =	simm.s32 @!p0 $0x1B8D  }
0xb1: {  	s4 =	sshll.u32 @!p0 s4, $0x11;
	s6 =	sadd.s32 @!p0 $0x11B8D, s6;
	_ =	swait.eq @!p0 [sflag:s5], $0x1  }
0xb2: {  	s4 =	sor.u32 @!p0 s4, s6;
	[sflag:s5] =	ssyncadd.s32 @!p0 $0xFFFFFFFF  }
0xb3: {  	s25 =	simm.s32 $0x1B8E;
	s24 =	sld [smem:$0x3FFE];
	[sflag:s4] =	ssyncadd.remote.s32 @!p0 $0x1  }
0xb4: {  	s26 =	simm.s32 $execute0_lowered;
	[smem:$0x3FD2] =	sst s25  }
0xb5: {  	s5 =	sshll.u32 s26, $0x1;
	_ =	strace $0x8000004C;
	[dreg:$0x1] =	wrdreg $0xFFFFFFFF  }
0xb6: {  	s28 =	simm.s32 $_size_execute0_lowered;
	s3 =	sadd.s32 s3, s5;
	[dreg:$0x0] =	wrdreg $0x0  }
0xb7: {  	s5 =	sshll.u32 s28, $0x1;
	[dreg:$0x2] =	wrdreg s3  }
0xb8: {  	[dreg:$0x3] =	wrdreg s5  }
0xb9: {  	[dreg:$0x4] =	wrdreg $0xC0  }
0xba: {  	_ =	task [dreg:s22], $0x5FFFF  }
0xbb: {  	[dreg:$0x1] =	wrdreg $0xFFFFFFFF  }
0xbc: {  	[dreg:$0x0] =	wrdreg $0x60  }
0xbd: {  	[dreg:$0x2] =	wrdreg s24  }
0xbe: {  	[dreg:$0x3] =	wrdreg $0xA  }
0xbf: {  	_ =	task.clear_ibuf [dreg:s22], $0x4FFFF;
	_ =	strace $0x9000004C  }
0xc0: {  	s29 =	simm.s32 $0xA;
	_ =	strace $0x8000004E  }
0xc1: {  	_ =	swait.ge [sflag:s29], $0x1  }
0xc2: {  	[sflag:s29] =	ssyncadd.s32 $0xFFFFFFFF  }
0xc3: {  	_ =	strace $0x9000004E  }
0xc4: {  	_ =	sfence  }
0xc5: {  	s30 =	sld [smem:$0x0];
	_ =	sdelay $0x2  }
0xc6: {  	s31 =	sshll.u32 s1, $0xD;
	s1 =	sshrl.u32 s1, $0x2  }
0xc7: {  	s4 =	sand.u32 $0x4000, s31;
	s1 =	sadd.s32 s1, s30  }
0xc8: {  	s0 =	sor.u32 s4, s0;
	s1 =	sshll.u32 s1, $0x11  }
0xc9: {  	s0 =	sor.u32 s1, s0  }
0xca: {  	s0 =	sadd.s32 $0x8F2B, s0  }
0xcb: {  	[sflag:s0] =	ssyncadd.remote.s32 $0x1  }
0xcc: {  	_ =	sfence.sel $0xFFFF  }
0xcd: {  	[dreg:$0x0] =	wrdreg $0xFFFFFFFF;
	(pc) =	sbr.abs _section_cstart, $3  }
0xce: {  	[dreg:$0x1] =	wrdreg $0xFFFFFFFF  }
0xcf: {  	_ =	task.clear_ibuf [dreg:s22], $0x2FFFF;
	_ =	strace $0x9FFFFFFF  }
0xd0: {  	(tm) =	ssettm $0x7FFFFFFF  }
0xd1: {  	_ =	shalt  }
tec
execute0_lowered:
.L_overlay_start_1:
0x0: {  	(tag) =	ssettag $0x1  }
0x1: {  	s3 =	rddreg [dreg:$0x0]  }
0x2: {  	s0 =	rddreg [dreg:$0x1];
	s2 =	simm.s32 $0x0;
	s4 =	srdreg.scid  }
0x3: {  	s1 =	stileid.u32;
	s8 =	simm.s32 $0x4000;
	s9 =	simm.s32 $0x4480  }
0x4: {  	[smem:$0x7FF] =	sst s2;
	s4 =	sand.u32 $0x1, s4;
	s5 =	sshll.u32 s1, $0x1  }
0x5: {  	s10 =	simm.s32 $0x0;
	_ =	strace $0x8000004D;
	s5 =	sor.u32 s4, s5  }
0x6: {  	v0 =	vlaneseq.u32;
	s4 =	ssub.s32 $0x2, s4;
	s6 =	sshll.u32 s5, $0xB;
	s5 =	sshll.u32 s5, $0x7  }
0x7: {  	v4 =	vmul.u32 $0xFFFFFFFF, v0;
	s31 =	sshrl.u32 s4, $0x1;
	s6 =	sadd.s32 s6, s3;
	s5 =	sadd.s32 s5, s3  }
0x8: {  	vm0 =	vmmov $0xff;
	v1 =	vor.u32 $0x10, v0;
	s7 =	ssub.s32 s4, s31;
	s3 =	sadd.s32 $0x26A00, s6;
	s4 =	sadd.s32 $0x36A00, s5  }
0x9: {  	v2 =	vor.u32 $0x20, v0;
	v3 =	vor.u32 $0x30, v0;
	v4 =	vadd.s32 $0xF, v4;
	s5 =	sadd.s32 $0x37A00, s5;
	s6 =	smax.u32 s7, $0x1;
	s7 =	simm.s32 $0x1  }
.LBB2_1:
0xa: {  	[tilespmem:s2], [sflag:$0x1] =	stream.linear.gather [hbm4b:s3+s2], $0x4000, $0x38;
	[tilespmem:$0x4900] =	vst v63  }
0xb: {  	_ =	swait.ge [sflag:s7], $0x4000  }
0xc: {  	[sflag:s7] =	ssyncset.done $0x0  }
0xd: {  	s11 =	simm.s32 $0x100;
	s12 =	simm.s32 $0x0;
	[sflag:s7] =	ssyncadd.s32 $0xFFFFC000  }
.LBB2_2:
0xe: {  	v5 =	vld [tilespmem:s11+$0xFFFFFF00]  }
0xf: {  	v6 =	vld [tilespmem:s11+$0xFFFFFF10]  }
0x10: {  	v7 =	vld [tilespmem:s11+$0xFFFFFF20]  }
0x11: {  	v8 =	vld [tilespmem:s11+$0xFFFFFF30];
	_ =	sdelay $0x1  }
0x12: {  	(xrf1) =	vsort.dscd.msk.f32 $0xffff, v5, v0  }
0x13: {  	(xrf1) =	vsort.dscd.msk.f32 $0xffff, v6, v1  }
0x14: {  	(xrf1) =	vsort.dscd.msk.f32 $0xffff, v7, v2  }
0x15: {  	(xrf1) =	vsort.dscd.msk.f32 $0xffff, v8, v3;
	_ =	sdelay $0xa  }
0x16: {  	v5, v6, _ =	vpop (xrf1)  }
0x17: {  	v7, v41, _ =	vpop (xrf1)  }
0x18: {  	v9, v10, _ =	vpop (xrf1)  }
0x19: {  	v7 =	vperm.xlane v7, v4;
	v11, v12, _ =	vpop (xrf1)  }
0x1a: {  	v8 =	vperm.xlane v41, v4;
	v11 =	vperm.xlane v11, v4  }
0x1b: {  	vm1 =	vge.f32 v5, v7;
	v12 =	vperm.xlane v12, v4  }
0x1c: {  	v5 =	vsel vm1, v5, v7;
	v6 =	vsel vm1, v6, v8;
	vm1 =	vge.f32 v9, v11  }
0x1d: {  	(xrf1) =	vsort.dscd.msk.f32 $0xffff, v5, v6;
	v5 =	vsel vm1, v9, v11;
	v6 =	vsel vm1, v10, v12  }
0x1e: {  	(xrf1) =	vsort.dscd.msk.f32 $0xffff, v5, v6;
	_ =	sdelay $0xc  }
0x1f: {  	v5, v6, _ =	vpop (xrf1)  }
0x20: {  	v7, v42, _ =	vpop (xrf1)  }
0x21: {  	v7 =	vperm.xlane v7, v4  }
0x22: {  	v8 =	vperm.xlane v42, v4  }
0x23: {  	vm1 =	vge.f32 v5, v7  }
0x24: {  	v5 =	vsel vm1, v5, v7;
	v6 =	vsel vm1, v6, v8  }
0x25: {  	(xrf1) =	vsort.dscd.msk.f32 $0xffff, v5, v6;
	_ =	sdelay $0xd  }
0x26: {  	v5, v6, _ =	vpop (xrf1)  }
0x27: {  	(xrf0) =	vmax.scan.msk.f32 $0xffff, v5;
	_ =	sdelay $0x5  }
0x28: {  	v7, _, _ =	vpop (xrf0)  }
0x29: {  	v7 =	vbroadcast v7, $0xF;
	_ =	sdelay $0x1  }
0x2a: {  	v5 =	vsub.f32 v5, v7;
	_ =	sdelay $0x1  }
0x2b: {  	v5 =	vmul.f32 $1.442695020e+00, v5;
	_ =	sdelay $0x1  }
0x2c: {  	(erf) = vpow2.f32 v5;
	_ =	sdelay $0x8  }
0x2d: {  	v5 =	vpop (erf)  }
0x2e: {  	v5 =	vnsel vm0, $0x0, v5  }
0x2f: {  	(xrf2) =	vadd.scan.msk.f32 $0xffff, v5;
	_ =	sdelay $0x9  }
0x30: {  	v7, _, _ =	vpop (xrf2)  }
0x31: {  	v7 =	vbroadcast v7, $0xF;
	_ =	sdelay $0x1  }
0x32: {  	(erf) = vrcp.f32 v7;
	_ =	sdelay $0x8  }
0x33: {  	v7 =	vpop (erf)  }
0x34: {  	s13 =	sshra.s32 s12, $0x2;
	v5 =	vmul.f32 v7, v5  }
0x35: {  	[tilespmem:s13+$0x4480] =	vst v6  }
0x36: {  	[tilespmem:s13+$0x4000] =	vst v5  }
0x37: {  	v5 =	vld [tilespmem:s11+$0xFFFFFF80]  }
0x38: {  	v6 =	vld [tilespmem:s11+$0xFFFFFF90]  }
0x39: {  	v7 =	vld [tilespmem:s11+$0xFFFFFFA0]  }
0x3a: {  	v43 =	vld [tilespmem:s11+$0xFFFFFFB0];
	_ =	sdelay $0x1  }
0x3b: {  	(xrf1) =	vsort.dscd.msk.f32 $0xffff, v5, v0  }
0x3c: {  	(xrf1) =	vsort.dscd.msk.f32 $0xffff, v6, v1  }
0x3d: {  	(xrf1) =	vsort.dscd.msk.f32 $0xffff, v7, v2  }
0x3e: {  	(xrf1) =	vsort.dscd.msk.f32 $0xffff, v43, v3;
	_ =	sdelay $0xa  }
0x3f: {  	v5, v6, _ =	vpop (xrf1)  }
0x40: {  	v7, v44, _ =	vpop (xrf1)  }
0x41: {  	v45, v46, _ =	vpop (xrf1)  }
0x42: {  	v7 =	vperm.xlane v7, v4;
	v47, v48, _ =	vpop (xrf1)  }
0x43: {  	v8 =	vperm.xlane v44, v4;
	v11 =	vperm.xlane v47, v4  }
0x44: {  	vm1 =	vge.f32 v5, v7;
	v12 =	vperm.xlane v48, v4  }
0x45: {  	v5 =	vsel vm1, v5, v7;
	v6 =	vsel vm1, v6, v8;
	vm1 =	vge.f32 v45, v11  }
0x46: {  	(xrf1) =	vsort.dscd.msk.f32 $0xffff, v5, v6;
	v5 =	vsel vm1, v45, v11;
	v6 =	vsel vm1, v46, v12  }
0x47: {  	(xrf1) =	vsort.dscd.msk.f32 $0xffff, v5, v6;
	_ =	sdelay $0xc  }
0x48: {  	v5, v6, _ =	vpop (xrf1)  }
0x49: {  	v7, v49, _ =	vpop (xrf1)  }
0x4a: {  	v7 =	vperm.xlane v7, v4  }
0x4b: {  	v8 =	vperm.xlane v49, v4  }
0x4c: {  	vm1 =	vge.f32 v5, v7  }
0x4d: {  	v5 =	vsel vm1, v5, v7;
	v6 =	vsel vm1, v6, v8  }
0x4e: {  	(xrf1) =	vsort.dscd.msk.f32 $0xffff, v5, v6;
	_ =	sdelay $0xd  }
0x4f: {  	v5, v6, _ =	vpop (xrf1)  }
0x50: {  	(xrf0) =	vmax.scan.msk.f32 $0xffff, v5;
	_ =	sdelay $0x5  }
0x51: {  	v7, _, _ =	vpop (xrf0)  }
0x52: {  	v7 =	vbroadcast v7, $0xF;
	_ =	sdelay $0x1  }
0x53: {  	v5 =	vsub.f32 v5, v7;
	_ =	sdelay $0x1  }
0x54: {  	v5 =	vmul.f32 $1.442695020e+00, v5;
	_ =	sdelay $0x1  }
0x55: {  	(erf) = vpow2.f32 v5;
	_ =	sdelay $0x8  }
0x56: {  	v5 =	vpop (erf)  }
0x57: {  	v5 =	vnsel vm0, $0x0, v5  }
0x58: {  	(xrf2) =	vadd.scan.msk.f32 $0xffff, v5;
	_ =	sdelay $0x9  }
0x59: {  	v7, _, _ =	vpop (xrf2)  }
0x5a: {  	v7 =	vbroadcast v7, $0xF;
	_ =	sdelay $0x1  }
0x5b: {  	(erf) = vrcp.f32 v7;
	_ =	sdelay $0x8  }
0x5c: {  	v7 =	vpop (erf)  }
0x5d: {  	v5 =	vmul.f32 v7, v5  }
0x5e: {  	[tilespmem:s13+$0x4488] =	vst v6  }
0x5f: {  	[tilespmem:s13+$0x4008] =	vst v5  }
0x60: {  	v5 =	vld [tilespmem:s11+$0x0]  }
0x61: {  	v6 =	vld [tilespmem:s11+$0x10]  }
0x62: {  	v7 =	vld [tilespmem:s11+$0x20]  }
0x63: {  	v50 =	vld [tilespmem:s11+$0x30];
	_ =	sdelay $0x1  }
0x64: {  	(xrf1) =	vsort.dscd.msk.f32 $0xffff, v5, v0  }
0x65: {  	(xrf1) =	vsort.dscd.msk.f32 $0xffff, v6, v1  }
0x66: {  	(xrf1) =	vsort.dscd.msk.f32 $0xffff, v7, v2  }
0x67: {  	(xrf1) =	vsort.dscd.msk.f32 $0xffff, v50, v3;
	_ =	sdelay $0xa  }
0x68: {  	v5, v6, _ =	vpop (xrf1)  }
0x69: {  	v7, v51, _ =	vpop (xrf1)  }
0x6a: {  	v52, v53, _ =	vpop (xrf1)  }
0x6b: {  	v7 =	vperm.xlane v7, v4;
	v54, v55, _ =	vpop (xrf1)  }
0x6c: {  	v8 =	vperm.xlane v51, v4;
	v11 =	vperm.xlane v54, v4  }
0x6d: {  	vm1 =	vge.f32 v5, v7;
	v12 =	vperm.xlane v55, v4  }
0x6e: {  	v5 =	vsel vm1, v5, v7;
	v6 =	vsel vm1, v6, v8;
	vm1 =	vge.f32 v52, v11  }
0x6f: {  	(xrf1) =	vsort.dscd.msk.f32 $0xffff, v5, v6;
	v5 =	vsel vm1, v52, v11;
	v6 =	vsel vm1, v53, v12  }
0x70: {  	(xrf1) =	vsort.dscd.msk.f32 $0xffff, v5, v6;
	_ =	sdelay $0xc  }
0x71: {  	v5, v6, _ =	vpop (xrf1)  }
0x72: {  	v7, v56, _ =	vpop (xrf1)  }
0x73: {  	v7 =	vperm.xlane v7, v4  }
0x74: {  	v8 =	vperm.xlane v56, v4  }
0x75: {  	vm1 =	vge.f32 v5, v7  }
0x76: {  	v5 =	vsel vm1, v5, v7;
	v6 =	vsel vm1, v6, v8  }
0x77: {  	(xrf1) =	vsort.dscd.msk.f32 $0xffff, v5, v6;
	_ =	sdelay $0xd  }
0x78: {  	v5, v6, _ =	vpop (xrf1)  }
0x79: {  	(xrf0) =	vmax.scan.msk.f32 $0xffff, v5;
	_ =	sdelay $0x5  }
0x7a: {  	v7, _, _ =	vpop (xrf0)  }
0x7b: {  	v7 =	vbroadcast v7, $0xF;
	_ =	sdelay $0x1  }
0x7c: {  	v5 =	vsub.f32 v5, v7;
	_ =	sdelay $0x1  }
0x7d: {  	v5 =	vmul.f32 $1.442695020e+00, v5;
	_ =	sdelay $0x1  }
0x7e: {  	(erf) = vpow2.f32 v5;
	_ =	sdelay $0x8  }
0x7f: {  	v5 =	vpop (erf)  }
0x80: {  	v5 =	vnsel vm0, $0x0, v5  }
0x81: {  	(xrf2) =	vadd.scan.msk.f32 $0xffff, v5;
	_ =	sdelay $0x9  }
0x82: {  	v7, _, _ =	vpop (xrf2)  }
0x83: {  	v7 =	vbroadcast v7, $0xF;
	_ =	sdelay $0x1  }
0x84: {  	(erf) = vrcp.f32 v7;
	_ =	sdelay $0x8  }
0x85: {  	v7 =	vpop (erf)  }
0x86: {  	v5 =	vmul.f32 v7, v5  }
0x87: {  	[tilespmem:s13+$0x4490] =	vst v6  }
0x88: {  	[tilespmem:s13+$0x4010] =	vst v5  }
0x89: {  	v5 =	vld [tilespmem:s11+$0x80]  }
0x8a: {  	v6 =	vld [tilespmem:s11+$0x90]  }
0x8b: {  	v7 =	vld [tilespmem:s11+$0xA0]  }
0x8c: {  	v57 =	vld [tilespmem:s11+$0xB0];
	_ =	sdelay $0x1  }
0x8d: {  	(xrf1) =	vsort.dscd.msk.f32 $0xffff, v5, v0  }
0x8e: {  	(xrf1) =	vsort.dscd.msk.f32 $0xffff, v6, v1  }
0x8f: {  	(xrf1) =	vsort.dscd.msk.f32 $0xffff, v7, v2  }
0x90: {  	(xrf1) =	vsort.dscd.msk.f32 $0xffff, v57, v3;
	_ =	sdelay $0xa  }
0x91: {  	v5, v6, _ =	vpop (xrf1)  }
0x92: {  	v7, v58, _ =	vpop (xrf1)  }
0x93: {  	v59, v60, _ =	vpop (xrf1)  }
0x94: {  	v7 =	vperm.xlane v7, v4;
	v61, v62, _ =	vpop (xrf1)  }
0x95: {  	v8 =	vperm.xlane v58, v4;
	v11 =	vperm.xlane v61, v4  }
0x96: {  	vm1 =	vge.f32 v5, v7;
	v12 =	vperm.xlane v62, v4  }
0x97: {  	v5 =	vsel vm1, v5, v7;
	v6 =	vsel vm1, v6, v8;
	vm1 =	vge.f32 v59, v11  }
0x98: {  	(xrf1) =	vsort.dscd.msk.f32 $0xffff, v5, v6;
	v5 =	vsel vm1, v59, v11;
	v6 =	vsel vm1, v60, v12  }
0x99: {  	(xrf1) =	vsort.dscd.msk.f32 $0xffff, v5, v6;
	_ =	sdelay $0xc  }
0x9a: {  	v5, v6, _ =	vpop (xrf1)  }
0x9b: {  	v7, v63, _ =	vpop (xrf1)  }
0x9c: {  	v7 =	vperm.xlane v7, v4  }
0x9d: {  	v8 =	vperm.xlane v63, v4  }
0x9e: {  	vm1 =	vge.f32 v5, v7  }
0x9f: {  	v5 =	vsel vm1, v5, v7;
	v6 =	vsel vm1, v6, v8  }
0xa0: {  	(xrf1) =	vsort.dscd.msk.f32 $0xffff, v5, v6;
	_ =	sdelay $0xd  }
0xa1: {  	v5, v6, _ =	vpop (xrf1)  }
0xa2: {  	(xrf0) =	vmax.scan.msk.f32 $0xffff, v5;
	_ =	sdelay $0x5  }
0xa3: {  	v7, _, _ =	vpop (xrf0)  }
0xa4: {  	v7 =	vbroadcast v7, $0xF;
	_ =	sdelay $0x1  }
0xa5: {  	v5 =	vsub.f32 v5, v7;
	_ =	sdelay $0x1  }
0xa6: {  	v5 =	vmul.f32 $1.442695020e+00, v5;
	_ =	sdelay $0x1  }
0xa7: {  	(erf) = vpow2.f32 v5;
	_ =	sdelay $0x8  }
0xa8: {  	v5 =	vpop (erf)  }
0xa9: {  	v5 =	vnsel vm0, $0x0, v5  }
0xaa: {  	(xrf2) =	vadd.scan.msk.f32 $0xffff, v5;
	_ =	sdelay $0x9  }
0xab: {  	v7, _, _ =	vpop (xrf2)  }
0xac: {  	v7 =	vbroadcast v7, $0xF;
	_ =	sdelay $0x1  }
0xad: {  	(erf) = vrcp.f32 v7;
	_ =	sdelay $0x6  }
0xae: {  	p0 =	sne.s32 s12, $0xF80  }
.Ltmp0:
0xaf: {  	_ = 	snop;
	(pc) =	sbr.rel @p0 .LBB2_2-.Ltmp0, $4  }
0xb0: {  	v7 =	vpop (erf)  }
0xb1: {  	v5 =	vmul.f32 v7, v5  }
0xb2: {  	[tilespmem:s13+$0x4498] =	vst v6  }
0xb3: {  	s12 =	sadd.s32 $0x80, s12;
	s11 =	sadd.s32 $0x200, s11;
	[tilespmem:s13+$0x4018] =	vst v5  }
0xb4: {  	[hbm4b:s4+s2] =	stream.linear.scatter [tilespmem:s8], [sflag:$0x1], $0x400, $0x38;
	[tilespmem:$0x4900] =	vst v63  }
0xb5: {  	s10 =	sadd.s32 $0x1, s10;
	_ =	swait.ge [sflag:s7], $0x400  }
0xb6: {  	p0 =	sne.s32 s10, s6;
	[sflag:s7] =	ssyncset.done $0x0  }
.Ltmp1:
0xb7: {  	[sflag:s7] =	ssyncadd.s32 $0xFFFFFC00;
	(pc) =	sbr.rel @p0 .LBB2_1-.Ltmp1, $4  }
0xb8: {  	[hbm4b:s5+s2] =	stream.linear.scatter [tilespmem:s9], [sflag:$0x1], $0x400, $0x38;
	[tilespmem:$0x4900] =	vst v63  }
0xb9: {  	_ =	swait.ge [sflag:s7], $0x400  }
0xba: {  	[sflag:s7] =	ssyncset.done $0x0  }
0xbb: {  	[sflag:s7] =	ssyncadd.s32 $0xFFFFFC00  }
0xbc: {  	_ =	sfence.sel $0x180000  }
0xbd: {  	[bflag:$0x0] =	sbarrier.arrive $0xFFFF  }
0xbe: {  	p0 =	sne.s32 s1, $0x0;
	_ =	strace $0x9000004D  }
0xbf: {  	s0 =	sadd.s32 @!p0 $0x100000, s0;
	[bflag:$0x2] =	sbarrier.arrive $0xFFFF  }
0xc0: {  	[sflag:s0] =	ssyncadd.tile.s32 @!p0 $0x1;
	_ =	shalt  }
.Lfunc_end2:
_tile_overlayer_lowered:
.L_overlay_start_2:
0xc1: {  	(tag) =	ssettag $0x2  }
0xc2: {  	s0 =	rddreg [dreg:$0x0];
	s2 =	stileid.u32  }
0xc3: {  	s1 =	rddreg [dreg:$0x1];
	p0 =	sne.s32 s2, $0x0  }
0xc4: {  	s3 =	rddreg [dreg:$0x2];
	[bflag:$0x3] =	sbarrier.arrive $0xFFFF;
	s2 =	simm.s32 @!p0 $0x1C01  }
0xc5: {  	[timem:s3], [sflag:s2] =	dma.local @!p0 [hbm:s0], s1  }
0xc6: {  	s0 =	simm.s32 @!p0 $0x1  }
0xc7: {  	_ =	swait.ge @!p0 [sflag:s0], s1  }
0xc8: {  	s1 =	ssub.s32 @!p0 $0x0, s1;
	[sflag:s0] =	ssyncset.done @!p0 $0x0  }
0xc9: {  	[sflag:s0] =	ssyncadd.s32 @!p0 s1  }
0xca: {  	[bflag:$0x3] =	sbarrier.arrive $0xFFFF  }
0xcb: {  	_ =	shalt  }

// kernel: kernel.16.cloned.1.call-start
scs
__scs_entry_jumppad:
0x0: {  	(pc) =	sbr.rel $0x88, $3  }
0x1: {  	(tag) =	ssettag $0x0;
	lr =	simm.s32 $0x1  }
0x2: {  	[smem:$0x3F9F] =	sst lr;
	_ =	strace $0xD0000000  }
0x3: {  	_ = 	snop  }
0x4: {  	_ = 	snop  }
0x5: {  	_ = 	snop  }
0x6: {  	_ = 	snop  }
0x7: {  	_ = 	snop  }
__scs_overlays_trampoline_lowered:
0x8: {  	[smem:$0x3FAE] =	sst s0  }
0x9: {  	[smem:$0x3FAF] =	sst s1  }
0xa: {  	[smem:$0x3FB0] =	sst s2  }
0xb: {  	[smem:$0x3FB1] =	sst s3  }
0xc: {  	[smem:$0x3FB2] =	sst s4  }
0xd: {  	[smem:$0x3FB3] =	sst s5  }
0xe: {  	[smem:$0x3FB4] =	sst s6  }
0xf: {  	[smem:$0x3FB5] =	sst s7  }
0x10: {  	[smem:$0x3FB6] =	sst s8  }
0x11: {  	[smem:$0x3FB7] =	sst s9;
	s0 =	simm.s32 @!p0 $0x0  }
0x12: {  	s1 =	sld [smem:$0x3F9D];
	s0 =	simm.s32 @p0 $0x1  }
0x13: {  	[smem:$0x3FB8] =	sst s0;
	s0 =	simm.s32 @!p1 $0x0  }
0x14: {  	s2 =	sld [smem:$0x3F9C];
	s0 =	simm.s32 @p1 $0x1  }
0x15: {  	[smem:$0x3FB9] =	sst s0;
	s0 =	simm.s32 @!p2 $0x0  }
0x16: {  	s3 =	sld [smem:$0x3FDB];
	s0 =	simm.s32 @p2 $0x1  }
0x17: {  	s4 =	simm.s32 $0x1BF5;
	[smem:$0x3FBB] =	sst s0  }
0x18: {  	s0 =	sld [smem:$0x3F9E];
	_ =	swait.ge [sflag:s4], $0x0  }
0x19: {  	s7 =	sld [smem:$0x3F9F]  }
0x1a: {  	s8 =	sadd.s32 $0xFFFFE003, lr  }
0x1b: {  	s9 =	sadd.s32 $0xFFFFFEF7, lr;
	s5 =	simm.s32 $0xFFFFFFFF;
	p2 =	slt.u32 s8, $0xFFFFF086  }
0x1c: {  	p1 =	slt.u32 s9, $0xF7A;
	s5 =	simm.s32 @!p2 $0x0  }
0x1d: {  	s5 =	simm.s32 @p1 $0x1;
	p0 =	seq.s32 s7, s2  }
0x1e: {  	s7 =	smul.u32 @!p0 $0xF7A, s2;
	p2 =	seq.s32 @!p0 s5, $0x0  }
0x1f: {  	s9 =	smul.u32 $0xF7A, s1;
	s8 =	simm.s32 @!p0 $0x1BF5;
	p2 =	por !p2, p0  }
0x20: {  	[sflag:s8] =	ssyncset.s32 @!p0 $0xFFFFF086;
	s6 =	sadd.s32 @!p0 s3, s7;
	s7 =	simm.s32 @!p0 $0x108  }
0x21: {  	s3 =	sadd.s32 s3, s9;
	s6 =	sadd.s32 @!p0 $0x88, s6;
	s7 =	simm.s32 @p2 $0x1082  }
0x22: {  	[simem:s7], [sflag:s8] =	dma.local @!p0 [hbm:s6], $0xF7A  }
0x23: {  	s9 =	sor.u32 $0xD0000000, s2;
	s6 =	simm.s32 $0x108;
	_ =	swait.ge @!p0 [sflag:s8], $0x0  }
0x24: {  	s3 =	sadd.s32 $0x88, s3;
	s6 =	simm.s32 @!p1 $0x1082;
	[sflag:s4] =	ssyncset.s32 $0xFFFFF086  }
0x25: {  	[simem:s6], [sflag:s4] =	dma.local [hbm:s3], $0xF7A  }
0x26: {  	[smem:$0x3F9F] =	sst s1;
	(tag) =	ssettag s2;
	_ =	strace s9  }
0x27: {  	s1 =	sld [smem:$0x3FAF]  }
0x28: {  	s2 =	sld [smem:$0x3FB0]  }
0x29: {  	s4 =	sld [smem:$0x3FB2]  }
0x2a: {  	p0 =	seq.s32 s5, $0x0;
	s5 =	sld [smem:$0x3FB3]  }
0x2b: {  	s6 =	sld [smem:$0x3FB4]  }
0x2c: {  	s7 =	sld [smem:$0x3FB5]  }
0x2d: {  	s3 =	simm.s32 $0x108;
	s8 =	sld [smem:$0x3FB6]  }
0x2e: {  	s3 =	simm.s32 @!p0 $0x1082;
	s9 =	sld [smem:$0x3FB7]  }
0x2f: {  	lr =	sadd.s32 s0, s3;
	s0 =	sld [smem:$0x3FAE]  }
0x30: {  	s3 =	sld [smem:$0x3FB1]  }
0x31: {  	[smem:$0x3FBA] =	sst s10  }
0x32: {  	s10 =	sld [smem:$0x3FB8];
	_ =	sdelay $0x3  }
0x33: {  	p0 =	seq.s32 s10, $0x1;
	s10 =	sld [smem:$0x3FBA];
	_ =	sdelay $0x3  }
0x34: {  	[smem:$0x3FBA] =	sst s10  }
0x35: {  	s10 =	sld [smem:$0x3FB9];
	_ =	sdelay $0x3  }
0x36: {  	p1 =	seq.s32 s10, $0x1;
	s10 =	sld [smem:$0x3FBA];
	_ =	sdelay $0x3  }
0x37: {  	[smem:$0x3FBA] =	sst s10  }
0x38: {  	s10 =	sld [smem:$0x3FBB]  }
0x39: {  	_ = 	snop;
	(pc) =	sbr.ind lr, $3  }
0x3a: {  	_ = 	snop  }
0x3b: {  	_ = 	snop  }
0x3c: {  	p2 =	seq.s32 s10, $0x1;
	s10 =	sld [smem:$0x3FBA]  }
0x3d: {  	_ =	shalt  }
0x3e: {  	_ =	shalt  }
0x3f: {  	_ =	shalt  }
0x40: {  	_ =	shalt  }
0x41: {  	_ =	shalt  }
0x42: {  	_ =	shalt  }
0x43: {  	_ =	shalt  }
0x44: {  	_ =	shalt  }
0x45: {  	_ =	shalt  }
0x46: {  	_ =	shalt  }
0x47: {  	_ =	shalt  }
0x48: {  	_ =	shalt  }
0x49: {  	_ =	shalt  }
0x4a: {  	_ =	shalt  }
0x4b: {  	_ =	shalt  }
0x4c: {  	_ =	shalt  }
0x4d: {  	_ =	shalt  }
0x4e: {  	_ =	shalt  }
0x4f: {  	_ =	shalt  }
0x50: {  	_ =	shalt  }
0x51: {  	_ =	shalt  }
0x52: {  	_ =	shalt  }
0x53: {  	_ =	shalt  }
0x54: {  	_ =	shalt  }
0x55: {  	_ =	shalt  }
0x56: {  	_ =	shalt  }
0x57: {  	_ =	shalt  }
0x58: {  	_ =	shalt  }
0x59: {  	_ =	shalt  }
0x5a: {  	_ =	shalt  }
0x5b: {  	_ =	shalt  }
0x5c: {  	_ =	shalt  }
0x5d: {  	_ =	shalt  }
0x5e: {  	_ =	shalt  }
0x5f: {  	_ =	shalt  }
0x60: {  	_ =	shalt  }
0x61: {  	_ =	shalt  }
0x62: {  	_ =	shalt  }
0x63: {  	_ =	shalt  }
0x64: {  	_ =	shalt  }
0x65: {  	_ =	shalt  }
0x66: {  	_ =	shalt  }
0x67: {  	_ =	shalt  }
0x68: {  	_ =	shalt  }
0x69: {  	_ =	shalt  }
0x6a: {  	_ =	shalt  }
0x6b: {  	_ =	shalt  }
0x6c: {  	_ =	shalt  }
0x6d: {  	_ =	shalt  }
0x6e: {  	_ =	shalt  }
0x6f: {  	_ =	shalt  }
0x70: {  	_ =	shalt  }
0x71: {  	_ =	shalt  }
0x72: {  	_ =	shalt  }
0x73: {  	_ =	shalt  }
0x74: {  	_ =	shalt  }
0x75: {  	_ =	shalt  }
0x76: {  	_ =	shalt  }
0x77: {  	_ =	shalt  }
0x78: {  	_ =	shalt  }
0x79: {  	_ =	shalt  }
0x7a: {  	_ =	shalt  }
0x7b: {  	_ =	shalt  }
0x7c: {  	_ =	shalt  }
0x7d: {  	_ =	shalt  }
0x7e: {  	_ =	shalt  }
0x7f: {  	_ =	shalt  }
0x80: {  	_ =	shalt  }
0x81: {  	_ =	shalt  }
0x82: {  	_ =	shalt  }
0x83: {  	_ =	shalt  }
0x84: {  	_ =	shalt  }
0x85: {  	_ =	shalt  }
0x86: {  	_ =	shalt  }
0x87: {  	_ =	shalt  }
.Lfunc_end0:
.L_simem_size_0:
called_computation.2_lowered:
.L_overlay_start_0:
0x88: {  	s2 =	sld [smem:$0x3FD9]  }
0x89: {  	s3 =	sld [smem:$0x3FFE];
	_ =	sdelay $0x1  }
0x8a: {  	s1 =	srdreg.scid  }
0x8b: {  	s0 =	sand.u32 $0x1, s1  }
0x8c: {  	s17 =	sshll.u32 s0, $0xA;
	s2 =	sadd.s32 s3, s2  }
0x8d: {  	s2 =	sadd.s32 s2, s17  }
0x8e: {  	[smem:$0x3FC6] =	sst s2  }
0x8f: {  	_ = 	snop  }
0x90: {  	(tm) =	ssettm $0x1  }
0x91: {  	s18 =	sld [smem:$0x3FFB];
	_ =	sdelay $0x3  }
0x92: {  	_ =	strace s18  }
0x93: {  	s2 =	sld [smem:$0x3FFC];
	_ =	sdelay $0x3  }
0x94: {  	_ =	strace s2  }
0x95: {  	s2 =	sld [smem:$0x3FFD];
	_ =	sdelay $0x3  }
0x96: {  	_ =	strace s2  }
0x97: {  	_ =	strace $0x8FFFFFFF  }
0x98: {  	s19 =	sld [smem:$0x3FDB];
	_ =	sdelay $0x1  }
0x99: {  	s20 =	simm.s32 $_scs_section_size  }
0x9a: {  	s4 =	simm.s32 $_size__tile_overlayer_lowered;
	s5 =	simm.s32 $_tile_overlayer_lowered  }
0x9b: {  	s6 =	simm.s32 $0x1BFF;
	s21 =	sshll.u32 s5, $0x1;
	s3 =	sadd.s32 s20, s19  }
0x9c: {  	s22 =	simm.s32 $0x0;
	s4 =	sshll.u32 s4, $0x1;
	s5 =	sadd.s32 s21, s3  }
0x9d: {  	[timem:s22], [sflag:s6] =	dma.local [hbm:s5], s4  }
0x9e: {  	_ =	swait.ge [sflag:s6], s4  }
0x9f: {  	s4 =	ssub.s32 $0x0, s4;
	[sflag:s6] =	ssyncset.done $0x0  }
0xa0: {  	[sflag:s6] =	ssyncadd.s32 s4;
	_ =	sdelay $0x1  }
0xa1: {  	s23 =	simm.s32 $0x1B8B  }
0xa2: {  	_ =	swait.ge [sflag:s23], $0x1  }
0xa3: {  	[sflag:s23] =	ssyncset.done $0x0  }
0xa4: {  	[sflag:s23] =	ssyncadd.s32 $0xFFFFFFFF  }
0xa5: {  	s4 =	sld [smem:$0x0]  }
0xa6: {  	s5 =	sand.u32 $0xFFFFFFFE, s1  }
0xa7: {  	p0 =	sne.s32 s1, s5  }
0xa8: {  	s5 =	sshll.u32 @p0 s5, $0xE  }
0xa9: {  	s5 =	sadd.s32 @p0 $0x11B8D, s5;
	s6 =	sshll.u32 @p0 s4, $0x11  }
0xaa: {  	s5 =	sor.u32 @p0 s6, s5  }
0xab: {  	[sflag:s5] =	ssyncadd.remote.s32 @p0 $0x1;
	_ =	sdelay $0x1  }
0xac: {  	s5 =	simm.s32 @p0 $0x1B8D  }
0xad: {  	_ =	swait.eq @p0 [sflag:s5], $0x1  }
0xae: {  	[sflag:s5] =	ssyncadd.s32 @p0 $0xFFFFFFFF  }
0xaf: {  	s6 =	sshll.u32 @!p0 s1, $0xE  }
0xb0: {  	s6 =	sor.u32 @!p0 $0x4000, s6;
	s5 =	simm.s32 @!p0 $0x1B8D  }
0xb1: {  	s4 =	sshll.u32 @!p0 s4, $0x11;
	s6 =	sadd.s32 @!p0 $0x11B8D, s6;
	_ =	swait.eq @!p0 [sflag:s5], $0x1  }
0xb2: {  	s4 =	sor.u32 @!p0 s4, s6;
	[sflag:s5] =	ssyncadd.s32 @!p0 $0xFFFFFFFF  }
0xb3: {  	s25 =	simm.s32 $0x1B8E;
	s24 =	sld [smem:$0x3FFE];
	[sflag:s4] =	ssyncadd.remote.s32 @!p0 $0x1  }
0xb4: {  	s26 =	simm.s32 $execute0_lowered;
	[smem:$0x3FD2] =	sst s25  }
0xb5: {  	s5 =	sshll.u32 s26, $0x1;
	_ =	strace $0x80000049;
	[dreg:$0x1] =	wrdreg $0xFFFFFFFF  }
0xb6: {  	s28 =	simm.s32 $_size_execute0_lowered;
	s3 =	sadd.s32 s3, s5;
	[dreg:$0x0] =	wrdreg $0x0  }
0xb7: {  	s5 =	sshll.u32 s28, $0x1;
	[dreg:$0x2] =	wrdreg s3  }
0xb8: {  	[dreg:$0x3] =	wrdreg s5  }
0xb9: {  	[dreg:$0x4] =	wrdreg $0xC0  }
0xba: {  	_ =	task [dreg:s22], $0x5FFFF  }
0xbb: {  	[dreg:$0x1] =	wrdreg $0xFFFFFFFF  }
0xbc: {  	[dreg:$0x0] =	wrdreg $0x60  }
0xbd: {  	[dreg:$0x2] =	wrdreg s24  }
0xbe: {  	[dreg:$0x3] =	wrdreg $0xB  }
0xbf: {  	_ =	task.clear_ibuf [dreg:s22], $0x4FFFF;
	_ =	strace $0x90000049  }
0xc0: {  	s29 =	simm.s32 $0xB;
	_ =	strace $0x8000004B  }
0xc1: {  	_ =	swait.ge [sflag:s29], $0x1  }
0xc2: {  	[sflag:s29] =	ssyncadd.s32 $0xFFFFFFFF  }
0xc3: {  	_ =	strace $0x9000004B  }
0xc4: {  	_ =	sfence  }
0xc5: {  	s30 =	sld [smem:$0x0];
	_ =	sdelay $0x2  }
0xc6: {  	s31 =	sshll.u32 s1, $0xD;
	s1 =	sshrl.u32 s1, $0x2  }
0xc7: {  	s4 =	sand.u32 $0x4000, s31;
	s1 =	sadd.s32 s1, s30  }
0xc8: {  	s0 =	sor.u32 s4, s0;
	s1 =	sshll.u32 s1, $0x11  }
0xc9: {  	s0 =	sor.u32 s1, s0  }
0xca: {  	s0 =	sadd.s32 $0x8F2B, s0  }
0xcb: {  	[sflag:s0] =	ssyncadd.remote.s32 $0x1  }
0xcc: {  	_ =	sfence.sel $0xFFFF  }
0xcd: {  	[dreg:$0x0] =	wrdreg $0xFFFFFFFF;
	(pc) =	sbr.abs _section_cstart, $3  }
0xce: {  	[dreg:$0x1] =	wrdreg $0xFFFFFFFF  }
0xcf: {  	_ =	task.clear_ibuf [dreg:s22], $0x2FFFF;
	_ =	strace $0x9FFFFFFF  }
0xd0: {  	(tm) =	ssettm $0x7FFFFFFF  }
0xd1: {  	_ =	shalt  }
tec
execute0_lowered:
.L_overlay_start_1:
0x0: {  	(tag) =	ssettag $0x1  }
0x1: {  	s3 =	rddreg [dreg:$0x0]  }
0x2: {  	s0 =	rddreg [dreg:$0x1];
	s2 =	simm.s32 $0x0;
	s4 =	srdreg.scid  }
0x3: {  	s1 =	stileid.u32;
	s8 =	simm.s32 $0x4000;
	s9 =	simm.s32 $0x4480  }
0x4: {  	[smem:$0x7FF] =	sst s2;
	s4 =	sand.u32 $0x1, s4;
	s5 =	sshll.u32 s1, $0x1  }
0x5: {  	s10 =	simm.s32 $0x0;
	_ =	strace $0x8000004A;
	s5 =	sor.u32 s4, s5  }
0x6: {  	v0 =	vlaneseq.u32;
	s4 =	ssub.s32 $0x2, s4;
	s6 =	sshll.u32 s5, $0xB;
	s5 =	sshll.u32 s5, $0x7  }
0x7: {  	v4 =	vmul.u32 $0xFFFFFFFF, v0;
	s31 =	sshrl.u32 s4, $0x1;
	s6 =	sadd.s32 s6, s3;
	s5 =	sadd.s32 s5, s3  }
0x8: {  	vm0 =	vmmov $0xff;
	v1 =	vor.u32 $0x10, v0;
	s7 =	ssub.s32 s4, s31;
	s3 =	sadd.s32 $0x14A00, s6;
	s4 =	sadd.s32 $0x24A00, s5  }
0x9: {  	v2 =	vor.u32 $0x20, v0;
	v3 =	vor.u32 $0x30, v0;
	v4 =	vadd.s32 $0xF, v4;
	s5 =	sadd.s32 $0x25A00, s5;
	s6 =	smax.u32 s7, $0x1;
	s7 =	simm.s32 $0x1  }
.LBB2_1:
0xa: {  	[tilespmem:s2], [sflag:$0x1] =	stream.linear.gather [hbm4b:s3+s2], $0x4000, $0x38;
	[tilespmem:$0x4900] =	vst v63  }
0xb: {  	_ =	swait.ge [sflag:s7], $0x4000  }
0xc: {  	[sflag:s7] =	ssyncset.done $0x0  }
0xd: {  	s11 =	simm.s32 $0x100;
	s12 =	simm.s32 $0x0;
	[sflag:s7] =	ssyncadd.s32 $0xFFFFC000  }
.LBB2_2:
0xe: {  	v5 =	vld [tilespmem:s11+$0xFFFFFF00]  }
0xf: {  	v6 =	vld [tilespmem:s11+$0xFFFFFF10]  }
0x10: {  	v7 =	vld [tilespmem:s11+$0xFFFFFF20]  }
0x11: {  	v8 =	vld [tilespmem:s11+$0xFFFFFF30];
	_ =	sdelay $0x1  }
0x12: {  	(xrf1) =	vsort.dscd.msk.f32 $0xffff, v5, v0  }
0x13: {  	(xrf1) =	vsort.dscd.msk.f32 $0xffff, v6, v1  }
0x14: {  	(xrf1) =	vsort.dscd.msk.f32 $0xffff, v7, v2  }
0x15: {  	(xrf1) =	vsort.dscd.msk.f32 $0xffff, v8, v3;
	_ =	sdelay $0xa  }
0x16: {  	v5, v6, _ =	vpop (xrf1)  }
0x17: {  	v7, v41, _ =	vpop (xrf1)  }
0x18: {  	v9, v10, _ =	vpop (xrf1)  }
0x19: {  	v7 =	vperm.xlane v7, v4;
	v11, v12, _ =	vpop (xrf1)  }
0x1a: {  	v8 =	vperm.xlane v41, v4;
	v11 =	vperm.xlane v11, v4  }
0x1b: {  	vm1 =	vge.f32 v5, v7;
	v12 =	vperm.xlane v12, v4  }
0x1c: {  	v5 =	vsel vm1, v5, v7;
	v6 =	vsel vm1, v6, v8;
	vm1 =	vge.f32 v9, v11  }
0x1d: {  	(xrf1) =	vsort.dscd.msk.f32 $0xffff, v5, v6;
	v5 =	vsel vm1, v9, v11;
	v6 =	vsel vm1, v10, v12  }
0x1e: {  	(xrf1) =	vsort.dscd.msk.f32 $0xffff, v5, v6;
	_ =	sdelay $0xc  }
0x1f: {  	v5, v6, _ =	vpop (xrf1)  }
0x20: {  	v7, v42, _ =	vpop (xrf1)  }
0x21: {  	v7 =	vperm.xlane v7, v4  }
0x22: {  	v8 =	vperm.xlane v42, v4  }
0x23: {  	vm1 =	vge.f32 v5, v7  }
0x24: {  	v5 =	vsel vm1, v5, v7;
	v6 =	vsel vm1, v6, v8  }
0x25: {  	(xrf1) =	vsort.dscd.msk.f32 $0xffff, v5, v6;
	_ =	sdelay $0xd  }
0x26: {  	v5, v6, _ =	vpop (xrf1)  }
0x27: {  	(xrf0) =	vmax.scan.msk.f32 $0xffff, v5;
	_ =	sdelay $0x5  }
0x28: {  	v7, _, _ =	vpop (xrf0)  }
0x29: {  	v7 =	vbroadcast v7, $0xF;
	_ =	sdelay $0x1  }
0x2a: {  	v5 =	vsub.f32 v5, v7;
	_ =	sdelay $0x1  }
0x2b: {  	v5 =	vmul.f32 $1.442695020e+00, v5;
	_ =	sdelay $0x1  }
0x2c: {  	(erf) = vpow2.f32 v5;
	_ =	sdelay $0x8  }
0x2d: {  	v5 =	vpop (erf)  }
0x2e: {  	v5 =	vnsel vm0, $0x0, v5  }
0x2f: {  	(xrf2) =	vadd.scan.msk.f32 $0xffff, v5;
	_ =	sdelay $0x9  }
0x30: {  	v7, _, _ =	vpop (xrf2)  }
0x31: {  	v7 =	vbroadcast v7, $0xF;
	_ =	sdelay $0x1  }
0x32: {  	(erf) = vrcp.f32 v7;
	_ =	sdelay $0x8  }
0x33: {  	v7 =	vpop (erf)  }
0x34: {  	s13 =	sshra.s32 s12, $0x2;
	v5 =	vmul.f32 v7, v5  }
0x35: {  	[tilespmem:s13+$0x4480] =	vst v6  }
0x36: {  	[tilespmem:s13+$0x4000] =	vst v5  }
0x37: {  	v5 =	vld [tilespmem:s11+$0xFFFFFF80]  }
0x38: {  	v6 =	vld [tilespmem:s11+$0xFFFFFF90]  }
0x39: {  	v7 =	vld [tilespmem:s11+$0xFFFFFFA0]  }
0x3a: {  	v43 =	vld [tilespmem:s11+$0xFFFFFFB0];
	_ =	sdelay $0x1  }
0x3b: {  	(xrf1) =	vsort.dscd.msk.f32 $0xffff, v5, v0  }
0x3c: {  	(xrf1) =	vsort.dscd.msk.f32 $0xffff, v6, v1  }
0x3d: {  	(xrf1) =	vsort.dscd.msk.f32 $0xffff, v7, v2  }
0x3e: {  	(xrf1) =	vsort.dscd.msk.f32 $0xffff, v43, v3;
	_ =	sdelay $0xa  }
0x3f: {  	v5, v6, _ =	vpop (xrf1)  }
0x40: {  	v7, v44, _ =	vpop (xrf1)  }
0x41: {  	v45, v46, _ =	vpop (xrf1)  }
0x42: {  	v7 =	vperm.xlane v7, v4;
	v47, v48, _ =	vpop (xrf1)  }
0x43: {  	v8 =	vperm.xlane v44, v4;
	v11 =	vperm.xlane v47, v4  }
0x44: {  	vm1 =	vge.f32 v5, v7;
	v12 =	vperm.xlane v48, v4  }
0x45: {  	v5 =	vsel vm1, v5, v7;
	v6 =	vsel vm1, v6, v8;
	vm1 =	vge.f32 v45, v11  }
0x46: {  	(xrf1) =	vsort.dscd.msk.f32 $0xffff, v5, v6;
	v5 =	vsel vm1, v45, v11;
	v6 =	vsel vm1, v46, v12  }
0x47: {  	(xrf1) =	vsort.dscd.msk.f32 $0xffff, v5, v6;
	_ =	sdelay $0xc  }
0x48: {  	v5, v6, _ =	vpop (xrf1)  }
0x49: {  	v7, v49, _ =	vpop (xrf1)  }
0x4a: {  	v7 =	vperm.xlane v7, v4  }
0x4b: {  	v8 =	vperm.xlane v49, v4  }
0x4c: {  	vm1 =	vge.f32 v5, v7  }
0x4d: {  	v5 =	vsel vm1, v5, v7;
	v6 =	vsel vm1, v6, v8  }
0x4e: {  	(xrf1) =	vsort.dscd.msk.f32 $0xffff, v5, v6;
	_ =	sdelay $0xd  }
0x4f: {  	v5, v6, _ =	vpop (xrf1)  }
0x50: {  	(xrf0) =	vmax.scan.msk.f32 $0xffff, v5;
	_ =	sdelay $0x5  }
0x51: {  	v7, _, _ =	vpop (xrf0)  }
0x52: {  	v7 =	vbroadcast v7, $0xF;
	_ =	sdelay $0x1  }
0x53: {  	v5 =	vsub.f32 v5, v7;
	_ =	sdelay $0x1  }
0x54: {  	v5 =	vmul.f32 $1.442695020e+00, v5;
	_ =	sdelay $0x1  }
0x55: {  	(erf) = vpow2.f32 v5;
	_ =	sdelay $0x8  }
0x56: {  	v5 =	vpop (erf)  }
0x57: {  	v5 =	vnsel vm0, $0x0, v5  }
0x58: {  	(xrf2) =	vadd.scan.msk.f32 $0xffff, v5;
	_ =	sdelay $0x9  }
0x59: {  	v7, _, _ =	vpop (xrf2)  }
0x5a: {  	v7 =	vbroadcast v7, $0xF;
	_ =	sdelay $0x1  }
0x5b: {  	(erf) = vrcp.f32 v7;
	_ =	sdelay $0x8  }
0x5c: {  	v7 =	vpop (erf)  }
0x5d: {  	v5 =	vmul.f32 v7, v5  }
0x5e: {  	[tilespmem:s13+$0x4488] =	vst v6  }
0x5f: {  	[tilespmem:s13+$0x4008] =	vst v5  }
0x60: {  	v5 =	vld [tilespmem:s11+$0x0]  }
0x61: {  	v6 =	vld [tilespmem:s11+$0x10]  }
0x62: {  	v7 =	vld [tilespmem:s11+$0x20]  }
0x63: {  	v50 =	vld [tilespmem:s11+$0x30];
	_ =	sdelay $0x1  }
0x64: {  	(xrf1) =	vsort.dscd.msk.f32 $0xffff, v5, v0  }
0x65: {  	(xrf1) =	vsort.dscd.msk.f32 $0xffff, v6, v1  }
0x66: {  	(xrf1) =	vsort.dscd.msk.f32 $0xffff, v7, v2  }
0x67: {  	(xrf1) =	vsort.dscd.msk.f32 $0xffff, v50, v3;
	_ =	sdelay $0xa  }
0x68: {  	v5, v6, _ =	vpop (xrf1)  }
0x69: {  	v7, v51, _ =	vpop (xrf1)  }
0x6a: {  	v52, v53, _ =	vpop (xrf1)  }
0x6b: {  	v7 =	vperm.xlane v7, v4;
	v54, v55, _ =	vpop (xrf1)  }
0x6c: {  	v8 =	vperm.xlane v51, v4;
	v11 =	vperm.xlane v54, v4  }
0x6d: {  	vm1 =	vge.f32 v5, v7;
	v12 =	vperm.xlane v55, v4  }
0x6e: {  	v5 =	vsel vm1, v5, v7;
	v6 =	vsel vm1, v6, v8;
	vm1 =	vge.f32 v52, v11  }
0x6f: {  	(xrf1) =	vsort.dscd.msk.f32 $0xffff, v5, v6;
	v5 =	vsel vm1, v52, v11;
	v6 =	vsel vm1, v53, v12  }
0x70: {  	(xrf1) =	vsort.dscd.msk.f32 $0xffff, v5, v6;
	_ =	sdelay $0xc  }
0x71: {  	v5, v6, _ =	vpop (xrf1)  }
0x72: {  	v7, v56, _ =	vpop (xrf1)  }
0x73: {  	v7 =	vperm.xlane v7, v4  }
0x74: {  	v8 =	vperm.xlane v56, v4  }
0x75: {  	vm1 =	vge.f32 v5, v7  }
0x76: {  	v5 =	vsel vm1, v5, v7;
	v6 =	vsel vm1, v6, v8  }
0x77: {  	(xrf1) =	vsort.dscd.msk.f32 $0xffff, v5, v6;
	_ =	sdelay $0xd  }
0x78: {  	v5, v6, _ =	vpop (xrf1)  }
0x79: {  	(xrf0) =	vmax.scan.msk.f32 $0xffff, v5;
	_ =	sdelay $0x5  }
0x7a: {  	v7, _, _ =	vpop (xrf0)  }
0x7b: {  	v7 =	vbroadcast v7, $0xF;
	_ =	sdelay $0x1  }
0x7c: {  	v5 =	vsub.f32 v5, v7;
	_ =	sdelay $0x1  }
0x7d: {  	v5 =	vmul.f32 $1.442695020e+00, v5;
	_ =	sdelay $0x1  }
0x7e: {  	(erf) = vpow2.f32 v5;
	_ =	sdelay $0x8  }
0x7f: {  	v5 =	vpop (erf)  }
0x80: {  	v5 =	vnsel vm0, $0x0, v5  }
0x81: {  	(xrf2) =	vadd.scan.msk.f32 $0xffff, v5;
	_ =	sdelay $0x9  }
0x82: {  	v7, _, _ =	vpop (xrf2)  }
0x83: {  	v7 =	vbroadcast v7, $0xF;
	_ =	sdelay $0x1  }
0x84: {  	(erf) = vrcp.f32 v7;
	_ =	sdelay $0x8  }
0x85: {  	v7 =	vpop (erf)  }
0x86: {  	v5 =	vmul.f32 v7, v5  }
0x87: {  	[tilespmem:s13+$0x4490] =	vst v6  }
0x88: {  	[tilespmem:s13+$0x4010] =	vst v5  }
0x89: {  	v5 =	vld [tilespmem:s11+$0x80]  }
0x8a: {  	v6 =	vld [tilespmem:s11+$0x90]  }
0x8b: {  	v7 =	vld [tilespmem:s11+$0xA0]  }
0x8c: {  	v57 =	vld [tilespmem:s11+$0xB0];
	_ =	sdelay $0x1  }
0x8d: {  	(xrf1) =	vsort.dscd.msk.f32 $0xffff, v5, v0  }
0x8e: {  	(xrf1) =	vsort.dscd.msk.f32 $0xffff, v6, v1  }
0x8f: {  	(xrf1) =	vsort.dscd.msk.f32 $0xffff, v7, v2  }
0x90: {  	(xrf1) =	vsort.dscd.msk.f32 $0xffff, v57, v3;
	_ =	sdelay $0xa  }
0x91: {  	v5, v6, _ =	vpop (xrf1)  }
0x92: {  	v7, v58, _ =	vpop (xrf1)  }
0x93: {  	v59, v60, _ =	vpop (xrf1)  }
0x94: {  	v7 =	vperm.xlane v7, v4;
	v61, v62, _ =	vpop (xrf1)  }
0x95: {  	v8 =	vperm.xlane v58, v4;
	v11 =	vperm.xlane v61, v4  }
0x96: {  	vm1 =	vge.f32 v5, v7;
	v12 =	vperm.xlane v62, v4  }
0x97: {  	v5 =	vsel vm1, v5, v7;
	v6 =	vsel vm1, v6, v8;
	vm1 =	vge.f32 v59, v11  }
0x98: {  	(xrf1) =	vsort.dscd.msk.f32 $0xffff, v5, v6;
	v5 =	vsel vm1, v59, v11;
	v6 =	vsel vm1, v60, v12  }
0x99: {  	(xrf1) =	vsort.dscd.msk.f32 $0xffff, v5, v6;
	_ =	sdelay $0xc  }
0x9a: {  	v5, v6, _ =	vpop (xrf1)  }
0x9b: {  	v7, v63, _ =	vpop (xrf1)  }
0x9c: {  	v7 =	vperm.xlane v7, v4  }
0x9d: {  	v8 =	vperm.xlane v63, v4  }
0x9e: {  	vm1 =	vge.f32 v5, v7  }
0x9f: {  	v5 =	vsel vm1, v5, v7;
	v6 =	vsel vm1, v6, v8  }
0xa0: {  	(xrf1) =	vsort.dscd.msk.f32 $0xffff, v5, v6;
	_ =	sdelay $0xd  }
0xa1: {  	v5, v6, _ =	vpop (xrf1)  }
0xa2: {  	(xrf0) =	vmax.scan.msk.f32 $0xffff, v5;
	_ =	sdelay $0x5  }
0xa3: {  	v7, _, _ =	vpop (xrf0)  }
0xa4: {  	v7 =	vbroadcast v7, $0xF;
	_ =	sdelay $0x1  }
0xa5: {  	v5 =	vsub.f32 v5, v7;
	_ =	sdelay $0x1  }
0xa6: {  	v5 =	vmul.f32 $1.442695020e+00, v5;
	_ =	sdelay $0x1  }
0xa7: {  	(erf) = vpow2.f32 v5;
	_ =	sdelay $0x8  }
0xa8: {  	v5 =	vpop (erf)  }
0xa9: {  	v5 =	vnsel vm0, $0x0, v5  }
0xaa: {  	(xrf2) =	vadd.scan.msk.f32 $0xffff, v5;
	_ =	sdelay $0x9  }
0xab: {  	v7, _, _ =	vpop (xrf2)  }
0xac: {  	v7 =	vbroadcast v7, $0xF;
	_ =	sdelay $0x1  }
0xad: {  	(erf) = vrcp.f32 v7;
	_ =	sdelay $0x6  }
0xae: {  	p0 =	sne.s32 s12, $0xF80  }
.Ltmp0:
0xaf: {  	_ = 	snop;
	(pc) =	sbr.rel @p0 .LBB2_2-.Ltmp0, $4  }
0xb0: {  	v7 =	vpop (erf)  }
0xb1: {  	v5 =	vmul.f32 v7, v5  }
0xb2: {  	[tilespmem:s13+$0x4498] =	vst v6  }
0xb3: {  	s12 =	sadd.s32 $0x80, s12;
	s11 =	sadd.s32 $0x200, s11;
	[tilespmem:s13+$0x4018] =	vst v5  }
0xb4: {  	[hbm4b:s4+s2] =	stream.linear.scatter [tilespmem:s8], [sflag:$0x1], $0x400, $0x38;
	[tilespmem:$0x4900] =	vst v63  }
0xb5: {  	s10 =	sadd.s32 $0x1, s10;
	_ =	swait.ge [sflag:s7], $0x400  }
0xb6: {  	p0 =	sne.s32 s10, s6;
	[sflag:s7] =	ssyncset.done $0x0  }
.Ltmp1:
0xb7: {  	[sflag:s7] =	ssyncadd.s32 $0xFFFFFC00;
	(pc) =	sbr.rel @p0 .LBB2_1-.Ltmp1, $4  }
0xb8: {  	[hbm4b:s5+s2] =	stream.linear.scatter [tilespmem:s9], [sflag:$0x1], $0x400, $0x38;
	[tilespmem:$0x4900] =	vst v63  }
0xb9: {  	_ =	swait.ge [sflag:s7], $0x400  }
0xba: {  	[sflag:s7] =	ssyncset.done $0x0  }
0xbb: {  	[sflag:s7] =	ssyncadd.s32 $0xFFFFFC00  }
0xbc: {  	_ =	sfence.sel $0x180000  }
0xbd: {  	[bflag:$0x0] =	sbarrier.arrive $0xFFFF  }
0xbe: {  	p0 =	sne.s32 s1, $0x0;
	_ =	strace $0x9000004A  }
0xbf: {  	s0 =	sadd.s32 @!p0 $0x100000, s0;
	[bflag:$0x2] =	sbarrier.arrive $0xFFFF  }
0xc0: {  	[sflag:s0] =	ssyncadd.tile.s32 @!p0 $0x1;
	_ =	shalt  }
.Lfunc_end2:
_tile_overlayer_lowered:
.L_overlay_start_2:
0xc1: {  	(tag) =	ssettag $0x2  }
0xc2: {  	s0 =	rddreg [dreg:$0x0];
	s2 =	stileid.u32  }
0xc3: {  	s1 =	rddreg [dreg:$0x1];
	p0 =	sne.s32 s2, $0x0  }
0xc4: {  	s3 =	rddreg [dreg:$0x2];
	[bflag:$0x3] =	sbarrier.arrive $0xFFFF;
	s2 =	simm.s32 @!p0 $0x1C01  }
0xc5: {  	[timem:s3], [sflag:s2] =	dma.local @!p0 [hbm:s0], s1  }
0xc6: {  	s0 =	simm.s32 @!p0 $0x1  }
0xc7: {  	_ =	swait.ge @!p0 [sflag:s0], s1  }
0xc8: {  	s1 =	ssub.s32 @!p0 $0x0, s1;
	[sflag:s0] =	ssyncset.done @!p0 $0x0  }
0xc9: {  	[sflag:s0] =	ssyncadd.s32 @!p0 s1  }
0xca: {  	[bflag:$0x3] =	sbarrier.arrive $0xFFFF  }
0xcb: {  	_ =	shalt  }

// kernel: kernel.19.cloned.1.call-start
scs
__scs_entry_jumppad:
0x0: {  	(pc) =	sbr.rel $0x88, $3  }
0x1: {  	(tag) =	ssettag $0x0;
	lr =	simm.s32 $0x1  }
0x2: {  	[smem:$0x3F9F] =	sst lr;
	_ =	strace $0xD0000000  }
0x3: {  	_ = 	snop  }
0x4: {  	_ = 	snop  }
0x5: {  	_ = 	snop  }
0x6: {  	_ = 	snop  }
0x7: {  	_ = 	snop  }
__scs_overlays_trampoline_lowered:
0x8: {  	[smem:$0x3FAE] =	sst s0  }
0x9: {  	[smem:$0x3FAF] =	sst s1  }
0xa: {  	[smem:$0x3FB0] =	sst s2  }
0xb: {  	[smem:$0x3FB1] =	sst s3  }
0xc: {  	[smem:$0x3FB2] =	sst s4  }
0xd: {  	[smem:$0x3FB3] =	sst s5  }
0xe: {  	[smem:$0x3FB4] =	sst s6  }
0xf: {  	[smem:$0x3FB5] =	sst s7  }
0x10: {  	[smem:$0x3FB6] =	sst s8  }
0x11: {  	[smem:$0x3FB7] =	sst s9;
	s0 =	simm.s32 @!p0 $0x0  }
0x12: {  	s1 =	sld [smem:$0x3F9D];
	s0 =	simm.s32 @p0 $0x1  }
0x13: {  	[smem:$0x3FB8] =	sst s0;
	s0 =	simm.s32 @!p1 $0x0  }
0x14: {  	s2 =	sld [smem:$0x3F9C];
	s0 =	simm.s32 @p1 $0x1  }
0x15: {  	[smem:$0x3FB9] =	sst s0;
	s0 =	simm.s32 @!p2 $0x0  }
0x16: {  	s3 =	sld [smem:$0x3FDB];
	s0 =	simm.s32 @p2 $0x1  }
0x17: {  	s4 =	simm.s32 $0x1BF5;
	[smem:$0x3FBB] =	sst s0  }
0x18: {  	s0 =	sld [smem:$0x3F9E];
	_ =	swait.ge [sflag:s4], $0x0  }
0x19: {  	s7 =	sld [smem:$0x3F9F]  }
0x1a: {  	s8 =	sadd.s32 $0xFFFFE003, lr  }
0x1b: {  	s9 =	sadd.s32 $0xFFFFFEF7, lr;
	s5 =	simm.s32 $0xFFFFFFFF;
	p2 =	slt.u32 s8, $0xFFFFF086  }
0x1c: {  	p1 =	slt.u32 s9, $0xF7A;
	s5 =	simm.s32 @!p2 $0x0  }
0x1d: {  	s5 =	simm.s32 @p1 $0x1;
	p0 =	seq.s32 s7, s2  }
0x1e: {  	s7 =	smul.u32 @!p0 $0xF7A, s2;
	p2 =	seq.s32 @!p0 s5, $0x0  }
0x1f: {  	s9 =	smul.u32 $0xF7A, s1;
	s8 =	simm.s32 @!p0 $0x1BF5;
	p2 =	por !p2, p0  }
0x20: {  	[sflag:s8] =	ssyncset.s32 @!p0 $0xFFFFF086;
	s6 =	sadd.s32 @!p0 s3, s7;
	s7 =	simm.s32 @!p0 $0x108  }
0x21: {  	s3 =	sadd.s32 s3, s9;
	s6 =	sadd.s32 @!p0 $0x88, s6;
	s7 =	simm.s32 @p2 $0x1082  }
0x22: {  	[simem:s7], [sflag:s8] =	dma.local @!p0 [hbm:s6], $0xF7A  }
0x23: {  	s9 =	sor.u32 $0xD0000000, s2;
	s6 =	simm.s32 $0x108;
	_ =	swait.ge @!p0 [sflag:s8], $0x0  }
0x24: {  	s3 =	sadd.s32 $0x88, s3;
	s6 =	simm.s32 @!p1 $0x1082;
	[sflag:s4] =	ssyncset.s32 $0xFFFFF086  }
0x25: {  	[simem:s6], [sflag:s4] =	dma.local [hbm:s3], $0xF7A  }
0x26: {  	[smem:$0x3F9F] =	sst s1;
	(tag) =	ssettag s2;
	_ =	strace s9  }
0x27: {  	s1 =	sld [smem:$0x3FAF]  }
0x28: {  	s2 =	sld [smem:$0x3FB0]  }
0x29: {  	s4 =	sld [smem:$0x3FB2]  }
0x2a: {  	p0 =	seq.s32 s5, $0x0;
	s5 =	sld [smem:$0x3FB3]  }
0x2b: {  	s6 =	sld [smem:$0x3FB4]  }
0x2c: {  	s7 =	sld [smem:$0x3FB5]  }
0x2d: {  	s3 =	simm.s32 $0x108;
	s8 =	sld [smem:$0x3FB6]  }
0x2e: {  	s3 =	simm.s32 @!p0 $0x1082;
	s9 =	sld [smem:$0x3FB7]  }
0x2f: {  	lr =	sadd.s32 s0, s3;
	s0 =	sld [smem:$0x3FAE]  }
0x30: {  	s3 =	sld [smem:$0x3FB1]  }
0x31: {  	[smem:$0x3FBA] =	sst s10  }
0x32: {  	s10 =	sld [smem:$0x3FB8];
	_ =	sdelay $0x3  }
0x33: {  	p0 =	seq.s32 s10, $0x1;
	s10 =	sld [smem:$0x3FBA];
	_ =	sdelay $0x3  }
0x34: {  	[smem:$0x3FBA] =	sst s10  }
0x35: {  	s10 =	sld [smem:$0x3FB9];
	_ =	sdelay $0x3  }
0x36: {  	p1 =	seq.s32 s10, $0x1;
	s10 =	sld [smem:$0x3FBA];
	_ =	sdelay $0x3  }
0x37: {  	[smem:$0x3FBA] =	sst s10  }
0x38: {  	s10 =	sld [smem:$0x3FBB]  }
0x39: {  	_ = 	snop;
	(pc) =	sbr.ind lr, $3  }
0x3a: {  	_ = 	snop  }
0x3b: {  	_ = 	snop  }
0x3c: {  	p2 =	seq.s32 s10, $0x1;
	s10 =	sld [smem:$0x3FBA]  }
0x3d: {  	_ =	shalt  }
0x3e: {  	_ =	shalt  }
0x3f: {  	_ =	shalt  }
0x40: {  	_ =	shalt  }
0x41: {  	_ =	shalt  }
0x42: {  	_ =	shalt  }
0x43: {  	_ =	shalt  }
0x44: {  	_ =	shalt  }
0x45: {  	_ =	shalt  }
0x46: {  	_ =	shalt  }
0x47: {  	_ =	shalt  }
0x48: {  	_ =	shalt  }
0x49: {  	_ =	shalt  }
0x4a: {  	_ =	shalt  }
0x4b: {  	_ =	shalt  }
0x4c: {  	_ =	shalt  }
0x4d: {  	_ =	shalt  }
0x4e: {  	_ =	shalt  }
0x4f: {  	_ =	shalt  }
0x50: {  	_ =	shalt  }
0x51: {  	_ =	shalt  }
0x52: {  	_ =	shalt  }
0x53: {  	_ =	shalt  }
0x54: {  	_ =	shalt  }
0x55: {  	_ =	shalt  }
0x56: {  	_ =	shalt  }
0x57: {  	_ =	shalt  }
0x58: {  	_ =	shalt  }
0x59: {  	_ =	shalt  }
0x5a: {  	_ =	shalt  }
0x5b: {  	_ =	shalt  }
0x5c: {  	_ =	shalt  }
0x5d: {  	_ =	shalt  }
0x5e: {  	_ =	shalt  }
0x5f: {  	_ =	shalt  }
0x60: {  	_ =	shalt  }
0x61: {  	_ =	shalt  }
0x62: {  	_ =	shalt  }
0x63: {  	_ =	shalt  }
0x64: {  	_ =	shalt  }
0x65: {  	_ =	shalt  }
0x66: {  	_ =	shalt  }
0x67: {  	_ =	shalt  }
0x68: {  	_ =	shalt  }
0x69: {  	_ =	shalt  }
0x6a: {  	_ =	shalt  }
0x6b: {  	_ =	shalt  }
0x6c: {  	_ =	shalt  }
0x6d: {  	_ =	shalt  }
0x6e: {  	_ =	shalt  }
0x6f: {  	_ =	shalt  }
0x70: {  	_ =	shalt  }
0x71: {  	_ =	shalt  }
0x72: {  	_ =	shalt  }
0x73: {  	_ =	shalt  }
0x74: {  	_ =	shalt  }
0x75: {  	_ =	shalt  }
0x76: {  	_ =	shalt  }
0x77: {  	_ =	shalt  }
0x78: {  	_ =	shalt  }
0x79: {  	_ =	shalt  }
0x7a: {  	_ =	shalt  }
0x7b: {  	_ =	shalt  }
0x7c: {  	_ =	shalt  }
0x7d: {  	_ =	shalt  }
0x7e: {  	_ =	shalt  }
0x7f: {  	_ =	shalt  }
0x80: {  	_ =	shalt  }
0x81: {  	_ =	shalt  }
0x82: {  	_ =	shalt  }
0x83: {  	_ =	shalt  }
0x84: {  	_ =	shalt  }
0x85: {  	_ =	shalt  }
0x86: {  	_ =	shalt  }
0x87: {  	_ =	shalt  }
.Lfunc_end0:
.L_simem_size_0:
called_computation.3_lowered:
.L_overlay_start_0:
0x88: {  	s2 =	sld [smem:$0x3FD9]  }
0x89: {  	s3 =	sld [smem:$0x3FFE];
	_ =	sdelay $0x1  }
0x8a: {  	s1 =	srdreg.scid  }
0x8b: {  	s0 =	sand.u32 $0x1, s1  }
0x8c: {  	s16 =	sshll.u32 s0, $0xA;
	s2 =	sadd.s32 s3, s2  }
0x8d: {  	s2 =	sadd.s32 s2, s16  }
0x8e: {  	[smem:$0x3FC6] =	sst s2  }
0x8f: {  	_ = 	snop  }
0x90: {  	(tm) =	ssettm $0x1  }
0x91: {  	s17 =	sld [smem:$0x3FFB];
	_ =	sdelay $0x3  }
0x92: {  	_ =	strace s17  }
0x93: {  	s2 =	sld [smem:$0x3FFC];
	_ =	sdelay $0x3  }
0x94: {  	_ =	strace s2  }
0x95: {  	s2 =	sld [smem:$0x3FFD];
	_ =	sdelay $0x3  }
0x96: {  	_ =	strace s2  }
0x97: {  	_ =	strace $0x8FFFFFFF  }
0x98: {  	s18 =	sld [smem:$0x3FDB];
	_ =	sdelay $0x1  }
0x99: {  	s19 =	simm.s32 $_scs_section_size  }
0x9a: {  	s4 =	simm.s32 $_size__tile_overlayer_lowered;
	s5 =	simm.s32 $_tile_overlayer_lowered  }
0x9b: {  	s22 =	simm.s32 $0x1BFF;
	s21 =	sshll.u32 s5, $0x1;
	s2 =	sadd.s32 s19, s18  }
0x9c: {  	s6 =	simm.s32 $0x0;
	s20 =	sshll.u32 s4, $0x1;
	s4 =	sadd.s32 s21, s2  }
0x9d: {  	[timem:s6], [sflag:s22] =	dma.local [hbm:s4], s20  }
0x9e: {  	_ =	swait.ge [sflag:s22], s20  }
0x9f: {  	s3 =	ssub.s32 $0x0, s20;
	[sflag:s22] =	ssyncset.done $0x0  }
0xa0: {  	[sflag:s22] =	ssyncadd.s32 s3;
	_ =	sdelay $0x1  }
0xa1: {  	s23 =	simm.s32 $0x1B8B  }
0xa2: {  	_ =	swait.ge [sflag:s23], $0x1  }
0xa3: {  	[sflag:s23] =	ssyncset.done $0x0  }
0xa4: {  	s25 =	simm.s32 $0x1B8E;
	s24 =	sld [smem:$0x3FFE];
	[sflag:s23] =	ssyncadd.s32 $0xFFFFFFFF  }
0xa5: {  	s26 =	simm.s32 $execute0_lowered;
	[smem:$0x3FD2] =	sst s25  }
0xa6: {  	s4 =	sshll.u32 s26, $0x1;
	_ =	strace $0x80000046;
	[dreg:$0x1] =	wrdreg $0xFFFFFFFF  }
0xa7: {  	s28 =	simm.s32 $_size_execute0_lowered;
	s2 =	sadd.s32 s2, s4;
	[dreg:$0x0] =	wrdreg $0x0  }
0xa8: {  	s4 =	sshll.u32 s28, $0x1;
	[dreg:$0x2] =	wrdreg s2  }
0xa9: {  	[dreg:$0x3] =	wrdreg s4  }
0xaa: {  	[dreg:$0x4] =	wrdreg $0xC0  }
0xab: {  	_ =	task [dreg:s6], $0x5FFFF  }
0xac: {  	[dreg:$0x1] =	wrdreg $0xFFFFFFFF  }
0xad: {  	[dreg:$0x0] =	wrdreg $0x60  }
0xae: {  	[dreg:$0x2] =	wrdreg s24  }
0xaf: {  	[dreg:$0x3] =	wrdreg $0xC  }
0xb0: {  	_ =	task.clear_ibuf [dreg:s6], $0x4FFFF;
	_ =	strace $0x90000046  }
0xb1: {  	s29 =	simm.s32 $0xC;
	_ =	strace $0x80000048  }
0xb2: {  	_ =	swait.ge [sflag:s29], $0x1  }
0xb3: {  	[sflag:s29] =	ssyncadd.s32 $0xFFFFFFFF  }
0xb4: {  	_ =	strace $0x90000048  }
0xb5: {  	_ =	sfence  }
0xb6: {  	s30 =	sld [smem:$0x0];
	_ =	sdelay $0x2  }
0xb7: {  	s31 =	sshll.u32 s1, $0xD;
	s1 =	sshrl.u32 s1, $0x2  }
0xb8: {  	s3 =	sand.u32 $0x4000, s31;
	s1 =	sadd.s32 s1, s30  }
0xb9: {  	s0 =	sor.u32 s3, s0;
	s1 =	sshll.u32 s1, $0x11  }
0xba: {  	s0 =	sor.u32 s1, s0  }
0xbb: {  	s0 =	sadd.s32 $0x8F2B, s0  }
0xbc: {  	[sflag:s0] =	ssyncadd.remote.s32 $0x1  }
0xbd: {  	_ =	sfence.sel $0xFFFF  }
0xbe: {  	[dreg:$0x0] =	wrdreg $0xFFFFFFFF;
	(pc) =	sbr.abs _section_cstart, $3  }
0xbf: {  	[dreg:$0x1] =	wrdreg $0xFFFFFFFF  }
0xc0: {  	_ =	task.clear_ibuf [dreg:s6], $0x2FFFF;
	_ =	strace $0x9FFFFFFF  }
0xc1: {  	(tm) =	ssettm $0x7FFFFFFF  }
tec
execute0_lowered:
.L_overlay_start_1:
0x0: {  	(tag) =	ssettag $0x1  }
0x1: {  	s3 =	rddreg [dreg:$0x0]  }
0x2: {  	s0 =	rddreg [dreg:$0x1];
	s2 =	simm.s32 $0x0;
	s4 =	srdreg.scid  }
0x3: {  	s1 =	stileid.u32;
	s8 =	simm.s32 $0x4000;
	s9 =	simm.s32 $0x4480  }
0x4: {  	[smem:$0x7FF] =	sst s2;
	s4 =	sand.u32 $0x1, s4;
	s5 =	sshll.u32 s1, $0x1  }
0x5: {  	s10 =	simm.s32 $0x0;
	_ =	strace $0x80000047;
	s5 =	sor.u32 s4, s5  }
0x6: {  	v0 =	vlaneseq.u32;
	s4 =	ssub.s32 $0x2, s4;
	s6 =	sshll.u32 s5, $0xB;
	s5 =	sshll.u32 s5, $0x7  }
0x7: {  	v4 =	vmul.u32 $0xFFFFFFFF, v0;
	s31 =	sshrl.u32 s4, $0x1;
	s6 =	sadd.s32 s6, s3;
	s5 =	sadd.s32 s5, s3  }
0x8: {  	vm0 =	vmmov $0xff;
	v1 =	vor.u32 $0x10, v0;
	s7 =	ssub.s32 s4, s31;
	s3 =	sadd.s32 $0x2A00, s6;
	s4 =	sadd.s32 $0x12A00, s5  }
0x9: {  	v2 =	vor.u32 $0x20, v0;
	v3 =	vor.u32 $0x30, v0;
	v4 =	vadd.s32 $0xF, v4;
	s5 =	sadd.s32 $0x13A00, s5;
	s6 =	smax.u32 s7, $0x1;
	s7 =	simm.s32 $0x1  }
.LBB2_1:
0xa: {  	[tilespmem:s2], [sflag:$0x1] =	stream.linear.gather [hbm4b:s3+s2], $0x4000, $0x38;
	[tilespmem:$0x4900] =	vst v63  }
0xb: {  	_ =	swait.ge [sflag:s7], $0x4000  }
0xc: {  	[sflag:s7] =	ssyncset.done $0x0  }
0xd: {  	s11 =	simm.s32 $0x100;
	s12 =	simm.s32 $0x0;
	[sflag:s7] =	ssyncadd.s32 $0xFFFFC000  }
.LBB2_2:
0xe: {  	v5 =	vld [tilespmem:s11+$0xFFFFFF00]  }
0xf: {  	v6 =	vld [tilespmem:s11+$0xFFFFFF10]  }
0x10: {  	v7 =	vld [tilespmem:s11+$0xFFFFFF20]  }
0x11: {  	v8 =	vld [tilespmem:s11+$0xFFFFFF30];
	_ =	sdelay $0x1  }
0x12: {  	(xrf1) =	vsort.dscd.msk.f32 $0xffff, v5, v0  }
0x13: {  	(xrf1) =	vsort.dscd.msk.f32 $0xffff, v6, v1  }
0x14: {  	(xrf1) =	vsort.dscd.msk.f32 $0xffff, v7, v2  }
0x15: {  	(xrf1) =	vsort.dscd.msk.f32 $0xffff, v8, v3;
	_ =	sdelay $0xa  }
0x16: {  	v5, v6, _ =	vpop (xrf1)  }
0x17: {  	v7, v41, _ =	vpop (xrf1)  }
0x18: {  	v9, v10, _ =	vpop (xrf1)  }
0x19: {  	v7 =	vperm.xlane v7, v4;
	v11, v12, _ =	vpop (xrf1)  }
0x1a: {  	v8 =	vperm.xlane v41, v4;
	v11 =	vperm.xlane v11, v4  }
0x1b: {  	vm1 =	vge.f32 v5, v7;
	v12 =	vperm.xlane v12, v4  }
0x1c: {  	v5 =	vsel vm1, v5, v7;
	v6 =	vsel vm1, v6, v8;
	vm1 =	vge.f32 v9, v11  }
0x1d: {  	(xrf1) =	vsort.dscd.msk.f32 $0xffff, v5, v6;
	v5 =	vsel vm1, v9, v11;
	v6 =	vsel vm1, v10, v12  }
0x1e: {  	(xrf1) =	vsort.dscd.msk.f32 $0xffff, v5, v6;
	_ =	sdelay $0xc  }
0x1f: {  	v5, v6, _ =	vpop (xrf1)  }
0x20: {  	v7, v42, _ =	vpop (xrf1)  }
0x21: {  	v7 =	vperm.xlane v7, v4  }
0x22: {  	v8 =	vperm.xlane v42, v4  }
0x23: {  	vm1 =	vge.f32 v5, v7  }
0x24: {  	v5 =	vsel vm1, v5, v7;
	v6 =	vsel vm1, v6, v8  }
0x25: {  	(xrf1) =	vsort.dscd.msk.f32 $0xffff, v5, v6;
	_ =	sdelay $0xd  }
0x26: {  	v5, v6, _ =	vpop (xrf1)  }
0x27: {  	(xrf0) =	vmax.scan.msk.f32 $0xffff, v5;
	_ =	sdelay $0x5  }
0x28: {  	v7, _, _ =	vpop (xrf0)  }
0x29: {  	v7 =	vbroadcast v7, $0xF;
	_ =	sdelay $0x1  }
0x2a: {  	v5 =	vsub.f32 v5, v7;
	_ =	sdelay $0x1  }
0x2b: {  	v5 =	vmul.f32 $1.442695020e+00, v5;
	_ =	sdelay $0x1  }
0x2c: {  	(erf) = vpow2.f32 v5;
	_ =	sdelay $0x8  }
0x2d: {  	v5 =	vpop (erf)  }
0x2e: {  	v5 =	vnsel vm0, $0x0, v5  }
0x2f: {  	(xrf2) =	vadd.scan.msk.f32 $0xffff, v5;
	_ =	sdelay $0x9  }
0x30: {  	v7, _, _ =	vpop (xrf2)  }
0x31: {  	v7 =	vbroadcast v7, $0xF;
	_ =	sdelay $0x1  }
0x32: {  	(erf) = vrcp.f32 v7;
	_ =	sdelay $0x8  }
0x33: {  	v7 =	vpop (erf)  }
0x34: {  	s13 =	sshra.s32 s12, $0x2;
	v5 =	vmul.f32 v7, v5  }
0x35: {  	[tilespmem:s13+$0x4480] =	vst v6  }
0x36: {  	[tilespmem:s13+$0x4000] =	vst v5  }
0x37: {  	v5 =	vld [tilespmem:s11+$0xFFFFFF80]  }
0x38: {  	v6 =	vld [tilespmem:s11+$0xFFFFFF90]  }
0x39: {  	v7 =	vld [tilespmem:s11+$0xFFFFFFA0]  }
0x3a: {  	v43 =	vld [tilespmem:s11+$0xFFFFFFB0];
	_ =	sdelay $0x1  }
0x3b: {  	(xrf1) =	vsort.dscd.msk.f32 $0xffff, v5, v0  }
0x3c: {  	(xrf1) =	vsort.dscd.msk.f32 $0xffff, v6, v1  }
0x3d: {  	(xrf1) =	vsort.dscd.msk.f32 $0xffff, v7, v2  }
0x3e: {  	(xrf1) =	vsort.dscd.msk.f32 $0xffff, v43, v3;
	_ =	sdelay $0xa  }
0x3f: {  	v5, v6, _ =	vpop (xrf1)  }
0x40: {  	v7, v44, _ =	vpop (xrf1)  }
0x41: {  	v45, v46, _ =	vpop (xrf1)  }
0x42: {  	v7 =	vperm.xlane v7, v4;
	v47, v48, _ =	vpop (xrf1)  }
0x43: {  	v8 =	vperm.xlane v44, v4;
	v11 =	vperm.xlane v47, v4  }
0x44: {  	vm1 =	vge.f32 v5, v7;
	v12 =	vperm.xlane v48, v4  }
0x45: {  	v5 =	vsel vm1, v5, v7;
	v6 =	vsel vm1, v6, v8;
	vm1 =	vge.f32 v45, v11  }
0x46: {  	(xrf1) =	vsort.dscd.msk.f32 $0xffff, v5, v6;
	v5 =	vsel vm1, v45, v11;
	v6 =	vsel vm1, v46, v12  }
0x47: {  	(xrf1) =	vsort.dscd.msk.f32 $0xffff, v5, v6;
	_ =	sdelay $0xc  }
0x48: {  	v5, v6, _ =	vpop (xrf1)  }
0x49: {  	v7, v49, _ =	vpop (xrf1)  }
0x4a: {  	v7 =	vperm.xlane v7, v4  }
0x4b: {  	v8 =	vperm.xlane v49, v4  }
0x4c: {  	vm1 =	vge.f32 v5, v7  }
0x4d: {  	v5 =	vsel vm1, v5, v7;
	v6 =	vsel vm1, v6, v8  }
0x4e: {  	(xrf1) =	vsort.dscd.msk.f32 $0xffff, v5, v6;
	_ =	sdelay $0xd  }
0x4f: {  	v5, v6, _ =	vpop (xrf1)  }
0x50: {  	(xrf0) =	vmax.scan.msk.f32 $0xffff, v5;
	_ =	sdelay $0x5  }
0x51: {  	v7, _, _ =	vpop (xrf0)  }
0x52: {  	v7 =	vbroadcast v7, $0xF;
	_ =	sdelay $0x1  }
0x53: {  	v5 =	vsub.f32 v5, v7;
	_ =	sdelay $0x1  }
0x54: {  	v5 =	vmul.f32 $1.442695020e+00, v5;
	_ =	sdelay $0x1  }
0x55: {  	(erf) = vpow2.f32 v5;
	_ =	sdelay $0x8  }
0x56: {  	v5 =	vpop (erf)  }
0x57: {  	v5 =	vnsel vm0, $0x0, v5  }
0x58: {  	(xrf2) =	vadd.scan.msk.f32 $0xffff, v5;
	_ =	sdelay $0x9  }
0x59: {  	v7, _, _ =	vpop (xrf2)  }
0x5a: {  	v7 =	vbroadcast v7, $0xF;
	_ =	sdelay $0x1  }
0x5b: {  	(erf) = vrcp.f32 v7;
	_ =	sdelay $0x8  }
0x5c: {  	v7 =	vpop (erf)  }
0x5d: {  	v5 =	vmul.f32 v7, v5  }
0x5e: {  	[tilespmem:s13+$0x4488] =	vst v6  }
0x5f: {  	[tilespmem:s13+$0x4008] =	vst v5  }
0x60: {  	v5 =	vld [tilespmem:s11+$0x0]  }
0x61: {  	v6 =	vld [tilespmem:s11+$0x10]  }
0x62: {  	v7 =	vld [tilespmem:s11+$0x20]  }
0x63: {  	v50 =	vld [tilespmem:s11+$0x30];
	_ =	sdelay $0x1  }
0x64: {  	(xrf1) =	vsort.dscd.msk.f32 $0xffff, v5, v0  }
0x65: {  	(xrf1) =	vsort.dscd.msk.f32 $0xffff, v6, v1  }
0x66: {  	(xrf1) =	vsort.dscd.msk.f32 $0xffff, v7, v2  }
0x67: {  	(xrf1) =	vsort.dscd.msk.f32 $0xffff, v50, v3;
	_ =	sdelay $0xa  }
0x68: {  	v5, v6, _ =	vpop (xrf1)  }
0x69: {  	v7, v51, _ =	vpop (xrf1)  }
0x6a: {  	v52, v53, _ =	vpop (xrf1)  }
0x6b: {  	v7 =	vperm.xlane v7, v4;
	v54, v55, _ =	vpop (xrf1)  }
0x6c: {  	v8 =	vperm.xlane v51, v4;
	v11 =	vperm.xlane v54, v4  }
0x6d: {  	vm1 =	vge.f32 v5, v7;
	v12 =	vperm.xlane v55, v4  }
0x6e: {  	v5 =	vsel vm1, v5, v7;
	v6 =	vsel vm1, v6, v8;
	vm1 =	vge.f32 v52, v11  }
0x6f: {  	(xrf1) =	vsort.dscd.msk.f32 $0xffff, v5, v6;
	v5 =	vsel vm1, v52, v11;
	v6 =	vsel vm1, v53, v12  }
0x70: {  	(xrf1) =	vsort.dscd.msk.f32 $0xffff, v5, v6;
	_ =	sdelay $0xc  }
0x71: {  	v5, v6, _ =	vpop (xrf1)  }
0x72: {  	v7, v56, _ =	vpop (xrf1)  }
0x73: {  	v7 =	vperm.xlane v7, v4  }
0x74: {  	v8 =	vperm.xlane v56, v4  }
0x75: {  	vm1 =	vge.f32 v5, v7  }
0x76: {  	v5 =	vsel vm1, v5, v7;
	v6 =	vsel vm1, v6, v8  }
0x77: {  	(xrf1) =	vsort.dscd.msk.f32 $0xffff, v5, v6;
	_ =	sdelay $0xd  }
0x78: {  	v5, v6, _ =	vpop (xrf1)  }
0x79: {  	(xrf0) =	vmax.scan.msk.f32 $0xffff, v5;
	_ =	sdelay $0x5  }
0x7a: {  	v7, _, _ =	vpop (xrf0)  }
0x7b: {  	v7 =	vbroadcast v7, $0xF;
	_ =	sdelay $0x1  }
0x7c: {  	v5 =	vsub.f32 v5, v7;
	_ =	sdelay $0x1  }
0x7d: {  	v5 =	vmul.f32 $1.442695020e+00, v5;
	_ =	sdelay $0x1  }
0x7e: {  	(erf) = vpow2.f32 v5;
	_ =	sdelay $0x8  }
0x7f: {  	v5 =	vpop (erf)  }
0x80: {  	v5 =	vnsel vm0, $0x0, v5  }
0x81: {  	(xrf2) =	vadd.scan.msk.f32 $0xffff, v5;
	_ =	sdelay $0x9  }
0x82: {  	v7, _, _ =	vpop (xrf2)  }
0x83: {  	v7 =	vbroadcast v7, $0xF;
	_ =	sdelay $0x1  }
0x84: {  	(erf) = vrcp.f32 v7;
	_ =	sdelay $0x8  }
0x85: {  	v7 =	vpop (erf)  }
0x86: {  	v5 =	vmul.f32 v7, v5  }
0x87: {  	[tilespmem:s13+$0x4490] =	vst v6  }
0x88: {  	[tilespmem:s13+$0x4010] =	vst v5  }
0x89: {  	v5 =	vld [tilespmem:s11+$0x80]  }
0x8a: {  	v6 =	vld [tilespmem:s11+$0x90]  }
0x8b: {  	v7 =	vld [tilespmem:s11+$0xA0]  }
0x8c: {  	v57 =	vld [tilespmem:s11+$0xB0];
	_ =	sdelay $0x1  }
0x8d: {  	(xrf1) =	vsort.dscd.msk.f32 $0xffff, v5, v0  }
0x8e: {  	(xrf1) =	vsort.dscd.msk.f32 $0xffff, v6, v1  }
0x8f: {  	(xrf1) =	vsort.dscd.msk.f32 $0xffff, v7, v2  }
0x90: {  	(xrf1) =	vsort.dscd.msk.f32 $0xffff, v57, v3;
	_ =	sdelay $0xa  }
0x91: {  	v5, v6, _ =	vpop (xrf1)  }
0x92: {  	v7, v58, _ =	vpop (xrf1)  }
0x93: {  	v59, v60, _ =	vpop (xrf1)  }
0x94: {  	v7 =	vperm.xlane v7, v4;
	v61, v62, _ =	vpop (xrf1)  }
0x95: {  	v8 =	vperm.xlane v58, v4;
	v11 =	vperm.xlane v61, v4  }
0x96: {  	vm1 =	vge.f32 v5, v7;
	v12 =	vperm.xlane v62, v4  }
0x97: {  	v5 =	vsel vm1, v5, v7;
	v6 =	vsel vm1, v6, v8;
	vm1 =	vge.f32 v59, v11  }
0x98: {  	(xrf1) =	vsort.dscd.msk.f32 $0xffff, v5, v6;
	v5 =	vsel vm1, v59, v11;
	v6 =	vsel vm1, v60, v12  }
0x99: {  	(xrf1) =	vsort.dscd.msk.f32 $0xffff, v5, v6;
	_ =	sdelay $0xc  }
0x9a: {  	v5, v6, _ =	vpop (xrf1)  }
0x9b: {  	v7, v63, _ =	vpop (xrf1)  }
0x9c: {  	v7 =	vperm.xlane v7, v4  }
0x9d: {  	v8 =	vperm.xlane v63, v4  }
0x9e: {  	vm1 =	vge.f32 v5, v7  }
0x9f: {  	v5 =	vsel vm1, v5, v7;
	v6 =	vsel vm1, v6, v8  }
0xa0: {  	(xrf1) =	vsort.dscd.msk.f32 $0xffff, v5, v6;
	_ =	sdelay $0xd  }
0xa1: {  	v5, v6, _ =	vpop (xrf1)  }
0xa2: {  	(xrf0) =	vmax.scan.msk.f32 $0xffff, v5;
	_ =	sdelay $0x5  }
0xa3: {  	v7, _, _ =	vpop (xrf0)  }
0xa4: {  	v7 =	vbroadcast v7, $0xF;
	_ =	sdelay $0x1  }
0xa5: {  	v5 =	vsub.f32 v5, v7;
	_ =	sdelay $0x1  }
0xa6: {  	v5 =	vmul.f32 $1.442695020e+00, v5;
	_ =	sdelay $0x1  }
0xa7: {  	(erf) = vpow2.f32 v5;
	_ =	sdelay $0x8  }
0xa8: {  	v5 =	vpop (erf)  }
0xa9: {  	v5 =	vnsel vm0, $0x0, v5  }
0xaa: {  	(xrf2) =	vadd.scan.msk.f32 $0xffff, v5;
	_ =	sdelay $0x9  }
0xab: {  	v7, _, _ =	vpop (xrf2)  }
0xac: {  	v7 =	vbroadcast v7, $0xF;
	_ =	sdelay $0x1  }
0xad: {  	(erf) = vrcp.f32 v7;
	_ =	sdelay $0x6  }
0xae: {  	p0 =	sne.s32 s12, $0xF80  }
.Ltmp0:
0xaf: {  	_ = 	snop;
	(pc) =	sbr.rel @p0 .LBB2_2-.Ltmp0, $4  }
0xb0: {  	v7 =	vpop (erf)  }
0xb1: {  	v5 =	vmul.f32 v7, v5  }
0xb2: {  	[tilespmem:s13+$0x4498] =	vst v6  }
0xb3: {  	s12 =	sadd.s32 $0x80, s12;
	s11 =	sadd.s32 $0x200, s11;
	[tilespmem:s13+$0x4018] =	vst v5  }
0xb4: {  	[hbm4b:s4+s2] =	stream.linear.scatter [tilespmem:s8], [sflag:$0x1], $0x400, $0x38;
	[tilespmem:$0x4900] =	vst v63  }
0xb5: {  	s10 =	sadd.s32 $0x1, s10;
	_ =	swait.ge [sflag:s7], $0x400  }
0xb6: {  	p0 =	sne.s32 s10, s6;
	[sflag:s7] =	ssyncset.done $0x0  }
.Ltmp1:
0xb7: {  	[sflag:s7] =	ssyncadd.s32 $0xFFFFFC00;
	(pc) =	sbr.rel @p0 .LBB2_1-.Ltmp1, $4  }
0xb8: {  	[hbm4b:s5+s2] =	stream.linear.scatter [tilespmem:s9], [sflag:$0x1], $0x400, $0x38;
	[tilespmem:$0x4900] =	vst v63  }
0xb9: {  	_ =	swait.ge [sflag:s7], $0x400  }
0xba: {  	[sflag:s7] =	ssyncset.done $0x0  }
0xbb: {  	[sflag:s7] =	ssyncadd.s32 $0xFFFFFC00  }
0xbc: {  	_ =	sfence.sel $0x180000  }
0xbd: {  	[bflag:$0x0] =	sbarrier.arrive $0xFFFF  }
0xbe: {  	p0 =	sne.s32 s1, $0x0;
	_ =	strace $0x90000047  }
0xbf: {  	s0 =	sadd.s32 @!p0 $0x100000, s0;
	[bflag:$0x2] =	sbarrier.arrive $0xFFFF  }
0xc0: {  	[sflag:s0] =	ssyncadd.tile.s32 @!p0 $0x1;
	_ =	shalt  }
.Lfunc_end2:
_tile_overlayer_lowered:
.L_overlay_start_2:
0xc1: {  	(tag) =	ssettag $0x2  }
0xc2: {  	s0 =	rddreg [dreg:$0x0];
	s2 =	stileid.u32  }
0xc3: {  	s1 =	rddreg [dreg:$0x1];
	p0 =	sne.s32 s2, $0x0  }
0xc4: {  	s3 =	rddreg [dreg:$0x2];
	[bflag:$0x3] =	sbarrier.arrive $0xFFFF;
	s2 =	simm.s32 @!p0 $0x1C01  }
0xc5: {  	[timem:s3], [sflag:s2] =	dma.local @!p0 [hbm:s0], s1  }
0xc6: {  	s0 =	simm.s32 @!p0 $0x1  }
0xc7: {  	_ =	swait.ge @!p0 [sflag:s0], s1  }
0xc8: {  	s1 =	ssub.s32 @!p0 $0x0, s1;
	[sflag:s0] =	ssyncset.done @!p0 $0x0  }
0xc9: {  	[sflag:s0] =	ssyncadd.s32 @!p0 s1  }
0xca: {  	[bflag:$0x3] =	sbarrier.arrive $0xFFFF  }
0xcb: {  	_ =	shalt  }

</sc_bundles>
